<compile_context>
chip_gen: v7x
topology: tpu7x:2x2x1
jax: 0.10.2.dev20260603
libtpu: 0.0.44.dev20260713+nightly
codegen_flags: <defaults>
</compile_context>

<pallas_src>
import functools

import jax
import jax.numpy as jnp
from jax import lax
from jax.experimental import pallas as pl
from jax.experimental.pallas import tpu as pltpu
from jax.experimental.pallas import tpu_sc as plsc

N = 10000
E = 320000
D = 128
G = 64
NC = 2
NS = 16
NW = NC * NS
EPW = E // NW
CH = 125
NCHK = EPW // CH
HCHK = NCHK // 2
HEPW = EPW // 2
NSC = 10240
RPS = NSC // NS
BLK = 2000
F32 = jnp.float32

_mesh = plsc.VectorSubcoreMesh(
    core_axis_name="c", subcore_axis_name="s", num_cores=NC, num_subcores=NS)


def _deg_body(dst_hbm, out_hbm, dflat, hist, tmp, tmp2, hstage):
    cid = lax.axis_index("c")
    sid = lax.axis_index("s")
    w = cid * NS + sid

    def zh(i, _):
        hist[pl.ds(i * 16, 16)] = jnp.zeros((16,), F32)
        return 0
    lax.fori_loop(0, NSC // 16, zh, 0)

    pltpu.sync_copy(dst_hbm.at[pl.ds(w * EPW, EPW)], dflat)
    ones16 = jnp.ones((16,), F32)

    def cnt(k, _):
        idx = dflat[pl.ds(k * 16, 16)]
        plsc.addupdate_scatter(hist, [idx], ones16)
        return 0
    lax.fori_loop(0, EPW // 16, cnt, 0)

    pltpu.sync_copy(hist, hstage.at[sid])
    plsc.subcore_barrier()

    def zt(i, _):
        tmp[pl.ds(i * 16, 16)] = jnp.zeros((16,), F32)
        return 0
    lax.fori_loop(0, RPS // 16, zt, 0)

    def red(i, _):
        pltpu.sync_copy(hstage.at[i, pl.ds(sid * RPS, RPS)], tmp2)

        def a16(k, _):
            tmp[pl.ds(k * 16, 16)] = tmp[pl.ds(k * 16, 16)] + tmp2[pl.ds(k * 16, 16)]
            return 0
        lax.fori_loop(0, RPS // 16, a16, 0)
        return 0
    lax.fori_loop(0, NS, red, 0)
    pltpu.sync_copy(tmp, out_hbm.at[cid, pl.ds(sid * RPS, RPS)])


_sc_degree = pl.kernel(
    _deg_body,
    out_type=jax.ShapeDtypeStruct((NC, NSC), F32),
    mesh=_mesh,
    compiler_params=pltpu.CompilerParams(needs_layout_passes=False),
    scratch_types=[
        pltpu.VMEM((EPW,), jnp.int32),
        pltpu.VMEM((NSC,), F32),
        pltpu.VMEM((RPS,), F32),
        pltpu.VMEM((RPS,), F32),
        pltpu.VMEM_SHARED((NS, NSC), F32),
    ],
)


def _scat_body(g_hbm, src_hbm, dst_hbm, zeros_hbm, out_hbm,
               sidx, didx, rows0, rows1, semg0, semg1, sems0, sems1, acc):
    cid = lax.axis_index("c")
    sid = lax.axis_index("s")
    w = cid * NS + sid

    pltpu.sync_copy(zeros_hbm, acc.at[pl.ds(sid * RPS, RPS), :])
    plsc.subcore_barrier()

    slots = ((rows0, semg0, sems0), (rows1, semg1, sems1))
    for r in range(2):
        pltpu.sync_copy(src_hbm.at[pl.ds(w * NCHK + r * HCHK, HCHK), :], sidx)
        pltpu.sync_copy(dst_hbm.at[pl.ds(w * NCHK + r * HCHK, HCHK), :], didx)
        pltpu.async_copy(g_hbm.at[sidx.at[0]], rows0, semg0)
        pltpu.async_copy(g_hbm.at[sidx.at[1]], rows1, semg1)

        def outer(t, _):
            jj = t * 2
            for b, (rows, semg, sems) in enumerate(slots):
                j = jj + b
                pltpu.make_async_copy(g_hbm.at[sidx.at[j]], rows, semg).wait()
                pltpu.async_copy(rows, acc.at[didx.at[j]], sems, add=True)
            for b, (rows, semg, sems) in enumerate(slots):
                j = jj + b

                @pl.when(j + 2 < HCHK)
                def _():
                    pltpu.make_async_copy(rows, acc.at[didx.at[j]], sems).wait()
                    pltpu.async_copy(g_hbm.at[sidx.at[j + 2]], rows, semg)
            return 0
        lax.fori_loop(0, HCHK // 2, outer, 0)

        for b, (rows, semg, sems) in enumerate(slots):
            pltpu.make_async_copy(rows, acc.at[didx.at[HCHK - 2 + b]], sems).wait()

    plsc.subcore_barrier()
    pltpu.sync_copy(acc.at[pl.ds(sid * RPS, RPS), :],
                    out_hbm.at[cid, pl.ds(sid * RPS, RPS), :])


_sc_scatter = pl.kernel(
    _scat_body,
    out_type=jax.ShapeDtypeStruct((NC, NSC, D), F32),
    mesh=_mesh,
    scratch_types=[
        pltpu.VMEM((HCHK, CH), jnp.int32),
        pltpu.VMEM((HCHK, CH), jnp.int32),
        pltpu.VMEM((CH, D), F32),
        pltpu.VMEM((CH, D), F32),
        pltpu.SemaphoreType.DMA,
        pltpu.SemaphoreType.DMA,
        pltpu.SemaphoreType.DMA,
        pltpu.SemaphoreType.DMA,
        pltpu.VMEM_SHARED((NSC, D), F32),
    ],
)


def _l1_body(x_ref, w_ref, degt_ref, dinv_ref, g_ref):
    deg = degt_ref[:, 0:1] + degt_ref[:, 1:2] + 1.0
    dinv = lax.rsqrt(deg)
    dinv_ref[...] = dinv
    h = lax.dot_general(x_ref[...], w_ref[...], (((1,), (0,)), ((), ())),
                        precision=lax.Precision.HIGHEST,
                        preferred_element_type=F32)
    g_ref[...] = dinv * h


def _tc_layer1(x, W1, degt):
    return pl.pallas_call(
        _l1_body,
        grid=(N // BLK,),
        in_specs=[
            pl.BlockSpec((BLK, D), lambda i: (i, 0)),
            pl.BlockSpec((D, D), lambda i: (0, 0)),
            pl.BlockSpec((BLK, 2), lambda i: (i, 0)),
        ],
        out_specs=[
            pl.BlockSpec((BLK, 1), lambda i: (i, 0)),
            pl.BlockSpec((BLK, D), lambda i: (i, 0)),
        ],
        out_shape=[
            jax.ShapeDtypeStruct((N, 1), F32),
            jax.ShapeDtypeStruct((N, D), F32),
        ],
    )(x, W1, degt)


def _lmid_body(acc_ref, g_ref, b_ref, dinv_ref, w_ref, out_ref):
    dinv = dinv_ref[...]
    node = dinv * (acc_ref[0] + acc_ref[1] + g_ref[...]) + b_ref[...]
    a = jnp.maximum(node, 0.0)
    h = lax.dot_general(a, w_ref[...], (((1,), (0,)), ((), ())),
                        precision=lax.Precision.HIGHEST,
                        preferred_element_type=F32)
    out_ref[...] = dinv * h


def _tc_layer(acc, g, b, dinv, W):
    return pl.pallas_call(
        _lmid_body,
        grid=(N // BLK,),
        in_specs=[
            pl.BlockSpec((NC, BLK, D), lambda i: (0, i, 0)),
            pl.BlockSpec((BLK, D), lambda i: (i, 0)),
            pl.BlockSpec((1, D), lambda i: (0, 0)),
            pl.BlockSpec((BLK, 1), lambda i: (i, 0)),
            pl.BlockSpec((D, D), lambda i: (0, 0)),
        ],
        out_specs=pl.BlockSpec((BLK, D), lambda i: (i, 0)),
        out_shape=jax.ShapeDtypeStruct((N, D), F32),
    )(acc, g, b.reshape(1, D), dinv, W)


def _pool_body(acc_ref, g_ref, b_ref, dinv_ref, bcol_ref,
               wc1_ref, bc1_ref, wc2_ref, bc2_ref, out_ref,
               ssum, scnt, smax):
    i = pl.program_id(0)
    h = dinv_ref[...] * (acc_ref[0] + acc_ref[1] + g_ref[...]) + b_ref[...]

    bcol = bcol_ref[...]
    seg = lax.broadcasted_iota(jnp.int32, (1, G), 1)
    onehot = (bcol == seg).astype(F32)
    part_sum = lax.dot_general(onehot, h, (((0,), (0,)), ((), ())),
                               precision=lax.Precision.HIGHEST,
                               preferred_element_type=F32)
    part_cnt = jnp.sum(onehot, axis=0)[:, None]

    @pl.when(i == 0)
    def _():
        ssum[...] = part_sum
        scnt[...] = part_cnt
        smax[...] = jnp.full((G, D), -jnp.inf, F32)

    @pl.when(i > 0)
    def _():
        ssum[...] = ssum[...] + part_sum
        scnt[...] = scnt[...] + part_cnt

    def seg_max(gi, _):
        m = (bcol == gi)
        v = jnp.max(jnp.where(m, h, -jnp.inf), axis=0, keepdims=True)
        smax[pl.ds(gi, 1), :] = jnp.maximum(smax[pl.ds(gi, 1), :], v)
        return 0
    lax.fori_loop(0, G, seg_max, 0)

    @pl.when(i == pl.num_programs(0) - 1)
    def _():
        mean = ssum[...] / jnp.maximum(scnt[...], 1.0)
        mx = smax[...]
        z = (lax.dot_general(mean, wc1_ref[0:D, :], (((1,), (0,)), ((), ())),
                             precision=lax.Precision.HIGHEST,
                             preferred_element_type=F32)
             + lax.dot_general(mx, wc1_ref[D:2 * D, :], (((1,), (0,)), ((), ())),
                               precision=lax.Precision.HIGHEST,
                               preferred_element_type=F32)
             + bc1_ref[...])
        z = jnp.maximum(z, 0.0)
        out_ref[...] = (lax.dot_general(z, wc2_ref[...], (((1,), (0,)), ((), ())),
                                        precision=lax.Precision.HIGHEST,
                                        preferred_element_type=F32)
                        + bc2_ref[...])


def _tc_pool(acc, g, b, dinv, bcol, Wc1, bc1, Wc2, bc2):
    return pl.pallas_call(
        _pool_body,
        grid=(N // BLK,),
        in_specs=[
            pl.BlockSpec((NC, BLK, D), lambda i: (0, i, 0)),
            pl.BlockSpec((BLK, D), lambda i: (i, 0)),
            pl.BlockSpec((1, D), lambda i: (0, 0)),
            pl.BlockSpec((BLK, 1), lambda i: (i, 0)),
            pl.BlockSpec((BLK, 1), lambda i: (i, 0)),
            pl.BlockSpec((2 * D, D), lambda i: (0, 0)),
            pl.BlockSpec((1, D), lambda i: (0, 0)),
            pl.BlockSpec((D, 16), lambda i: (0, 0)),
            pl.BlockSpec((1, 16), lambda i: (0, 0)),
        ],
        out_specs=pl.BlockSpec((G, 16), lambda i: (0, 0)),
        out_shape=jax.ShapeDtypeStruct((G, 16), F32),
        scratch_shapes=[
            pltpu.VMEM((G, D), F32),
            pltpu.VMEM((G, 1), F32),
            pltpu.VMEM((G, D), F32),
        ],
    )(acc, g, b.reshape(1, D), dinv, bcol,
      Wc1, bc1.reshape(1, D), Wc2, bc2.reshape(1, 16))


@jax.jit
def kernel(x, edge_index, batch, W1, b1, W2, b2, W3, b3, Wc1, bc1, Wc2, bc2):
    src = edge_index[0]
    dst = edge_index[1]
    src2d = src.reshape(NW * NCHK, CH)
    dst2d = dst.reshape(NW * NCHK, CH)
    zrows = jnp.zeros((RPS, D), F32)

    degp = _sc_degree(dst)
    degt = degp.T[:N]
    dinv, g1 = _tc_layer1(x, W1, degt)
    acc1 = _sc_scatter(g1, src2d, dst2d, zrows)
    g2 = _tc_layer(acc1, g1, b1, dinv, W2)
    acc2 = _sc_scatter(g2, src2d, dst2d, zrows)
    g3 = _tc_layer(acc2, g2, b2, dinv, W3)
    acc3 = _sc_scatter(g3, src2d, dst2d, zrows)

    bcol = batch.reshape(N, 1)
    return _tc_pool(acc3, g3, b3, dinv, bcol, Wc1, bc1, Wc2, bc2)

# --- scband reference (transcript-rebuilt; emitter-appended) ---
"""Pipeline reference for scband-gcn-64836826300609 (READ-ONLY COPY).

The authoritative reference and input builder live on the scoring server;
editing this copy changes nothing except your own understanding.
"""

import jax, jax.numpy as jnp
import numpy as np

N = 10000
E = 320000
D = 128
H = 128
O = 16
G = 64

def setup_inputs(seed: int = 0):
    key = jax.random.key(seed)
    ks = jax.random.split(key, 8)
    def lin(k, fi, fo):
        bound = 1.0 / np.sqrt(fi)
        kw, kb = jax.random.split(k)
        W = jax.random.uniform(kw, (fi, fo), minval=-bound, maxval=bound, dtype=jnp.float32)
        b = jax.random.uniform(kb, (fo,), minval=-bound, maxval=bound, dtype=jnp.float32)
        return W, b
    x = jax.random.normal(ks[0], (N, D), dtype=jnp.float32)
    edge_index = jax.random.randint(ks[1], (2, E), 0, N, dtype=jnp.int32)
    batch = jnp.sort(jax.random.randint(ks[2], (N,), 0, G, dtype=jnp.int32))
    W1, b1 = lin(ks[3], D, H)
    W2, b2 = lin(ks[4], H, H)
    W3, b3 = lin(ks[5], H, H)
    Wc1, bc1 = lin(ks[6], 2 * H, H)
    Wc2, bc2 = lin(ks[7], H, O)
    return {"x": x, "edge_index": edge_index, "batch": batch, "W1": W1, "b1": b1, "W2": W2, "b2": b2, "W3": W3, "b3": b3, "Wc1": Wc1, "bc1": bc1, "Wc2": Wc2, "bc2": bc2}

def _gcn_conv(x, W, b, src, dst, n):
    # PyG GCNConv: add self-loops, symmetric normalization D^-1/2 (A+I) D^-1/2 X W + b
    h = x @ W
    loop = jnp.arange(n, dtype=src.dtype)
    s = jnp.concatenate([src, loop])
    d = jnp.concatenate([dst, loop])
    deg = jnp.zeros((n,), jnp.float32).at[d].add(1.0)
    dinv = jax.lax.rsqrt(jnp.maximum(deg, 1e-12))
    norm = dinv[s] * dinv[d]
    msg = h[s] * norm[:, None]
    out = jnp.zeros((n, h.shape[1]), jnp.float32).at[d].add(msg)
    return out + b

def reference(x, edge_index, batch, W1, b1, W2, b2, W3, b3, Wc1, bc1, Wc2, bc2):
    src, dst = edge_index[0], edge_index[1]
    h = _gcn_conv(x, W1, b1, src, dst, N)
    h = jax.nn.relu(h)  # dropout is identity in eval mode
    h = _gcn_conv(h, W2, b2, src, dst, N)
    h = jax.nn.relu(h)
    h = _gcn_conv(h, W3, b3, src, dst, N)
    ssum = jax.ops.segment_sum(h, batch, num_segments=G)
    cnt = jax.ops.segment_sum(jnp.ones((N, 1), jnp.float32), batch, num_segments=G)
    mean = ssum / jnp.maximum(cnt, 1.0)
    mx = jax.ops.segment_max(h, batch, num_segments=G)
    z = jnp.concatenate([mean, mx], axis=1)
    z = jax.nn.relu(z @ Wc1 + bc1)
    return z @ Wc2 + bc2

if __name__ == "__main__":
    import jax
    _d = setup_inputs()
    print(jax.jit(kernel)(*tuple(_d.values())))

</pallas_src>

<mosaic_0001>
#map = affine_map<(d0, d1) -> (0, 0)>
#map1 = affine_map<(d0, d1) -> (0, 0, 0)>
module attributes {stable_mosaic.version = 14 : i64} {
  func.func @_scat_body(%arg0: i32, %arg1: i32, %arg2: memref<10000x128xf32, #tpu.memory_space<hbm>>, %arg3: memref<2560x125xi32, #tpu.memory_space<hbm>>, %arg4: memref<2560x125xi32, #tpu.memory_space<hbm>>, %arg5: memref<640x128xf32, #tpu.memory_space<hbm>>, %arg6: memref<2x10240x128xf32, #tpu.memory_space<hbm>>, %arg7: memref<40x125xi32, #tpu.memory_space<vmem>>, %arg8: memref<40x125xi32, #tpu.memory_space<vmem>>, %arg9: memref<125x128xf32, #tpu.memory_space<vmem>>, %arg10: memref<125x128xf32, #tpu.memory_space<vmem>>, %arg11: memref<!tpu.dma_semaphore, #tpu.memory_space<semaphore_mem>>, %arg12: memref<!tpu.dma_semaphore, #tpu.memory_space<semaphore_mem>>, %arg13: memref<!tpu.dma_semaphore, #tpu.memory_space<semaphore_mem>>, %arg14: memref<!tpu.dma_semaphore, #tpu.memory_space<semaphore_mem>>, %arg15: memref<10240x128xf32, #tpu.memory_space<vmem_shared>>) attributes {dimension_semantics = [#tpu.dimension_semantics<core_parallel>, #tpu.dimension_semantics<subcore_parallel>], iteration_bounds = array<i64: 2, 16>, scalar_prefetch = 0 : i64, scratch_operands = 9 : i64, tpu.core_type = #tpu.core_type<sc_vector_subcore>, window_params = [{transform_indices = #map}, {transform_indices = #map}, {transform_indices = #map}, {transform_indices = #map}, {transform_indices = #map1}]} {
    %mul3A = arith.constant 16 : i32
    %mul3A_0 = arith.muli %arg0, %mul3A : i32
    %add3A = arith.addi %mul3A_0, %arg1 : i32
    %mul3A_1 = arith.constant 640 : i32
    %mul3A_2 = arith.muli %arg1, %mul3A_1 : i32
    "tpu.region"() ({
      %run_scoped3A = tpu.sem_alloc : memref<!tpu.dma_semaphore, #tpu.memory_space<semaphore_mem>>
      %dma_start3A_91 = arith.constant 0 : i32
      %dma_start3A_92 = tpu.memref_slice %arg15[%mul3A_2, %dma_start3A_91] : memref<10240x128xf32, #tpu.memory_space<vmem_shared>> -> memref<640x128xf32, #tpu.memory_space<vmem_shared>>
      tpu.enqueue_dma source(%arg5 : memref<640x128xf32, #tpu.memory_space<hbm>>) target(%dma_start3A_92 : memref<640x128xf32, #tpu.memory_space<vmem_shared>>) target_semaphore(%run_scoped3A : memref<!tpu.dma_semaphore, #tpu.memory_space<semaphore_mem>>)
      %dma_wait3A_93 = arith.constant 0 : i32
      %dma_wait3A_94 = tpu.memref_slice %arg15[%mul3A_2, %dma_wait3A_93] : memref<10240x128xf32, #tpu.memory_space<vmem_shared>> -> memref<640x128xf32, #tpu.memory_space<vmem_shared>>
      tpu.wait_dma2 semaphore(%run_scoped3A : memref<!tpu.dma_semaphore, #tpu.memory_space<semaphore_mem>>) src(%arg5 : memref<640x128xf32, #tpu.memory_space<hbm>>) dst(%dma_wait3A_94 : memref<640x128xf32, #tpu.memory_space<vmem_shared>>)
      tpu.yield
    }) : () -> ()
    %barrier3A = arith.constant 0 : index
    tpu.barrier barrier_id(%barrier3A)
    %mul3A_3 = arith.constant 80 : i32
    %mul3A_4 = arith.muli %add3A, %mul3A_3 : i32
    %add3A_5 = arith.constant 0 : i32
    %add3A_6 = arith.addi %mul3A_4, %add3A_5 : i32
    "tpu.region"() ({
      %run_scoped3A = tpu.sem_alloc : memref<!tpu.dma_semaphore, #tpu.memory_space<semaphore_mem>>
      %dma_start3A_91 = arith.constant 0 : i32
      %dma_start3A_92 = tpu.memref_slice %arg3[%add3A_6, %dma_start3A_91] : memref<2560x125xi32, #tpu.memory_space<hbm>> -> memref<40x125xi32, #tpu.memory_space<hbm>>
      %dma_start3A_93 = arith.constant 0 : i32
      %dma_start3A_94 = tpu.memref_slice %arg3[%add3A_6, %dma_start3A_93] : memref<2560x125xi32, #tpu.memory_space<hbm>> -> memref<40x125xi32, #tpu.memory_space<hbm>>
      tpu.enqueue_dma source(%dma_start3A_94 : memref<40x125xi32, #tpu.memory_space<hbm>>) target(%arg7 : memref<40x125xi32, #tpu.memory_space<vmem>>) target_semaphore(%run_scoped3A : memref<!tpu.dma_semaphore, #tpu.memory_space<semaphore_mem>>)
      %dma_wait3A_95 = arith.constant 0 : i32
      %dma_wait3A_96 = tpu.memref_slice %arg3[%add3A_6, %dma_wait3A_95] : memref<2560x125xi32, #tpu.memory_space<hbm>> -> memref<40x125xi32, #tpu.memory_space<hbm>>
      %dma_wait3A_97 = arith.constant 0 : i32
      %dma_wait3A_98 = tpu.memref_slice %arg3[%add3A_6, %dma_wait3A_97] : memref<2560x125xi32, #tpu.memory_space<hbm>> -> memref<40x125xi32, #tpu.memory_space<hbm>>
      tpu.wait_dma2 semaphore(%run_scoped3A : memref<!tpu.dma_semaphore, #tpu.memory_space<semaphore_mem>>) src(%dma_wait3A_98 : memref<40x125xi32, #tpu.memory_space<hbm>>) dst(%arg7 : memref<40x125xi32, #tpu.memory_space<vmem>>)
      tpu.yield
    }) : () -> ()
    %mul3A_7 = arith.constant 80 : i32
    %mul3A_8 = arith.muli %add3A, %mul3A_7 : i32
    %add3A_9 = arith.constant 0 : i32
    %add3A_10 = arith.addi %mul3A_8, %add3A_9 : i32
    "tpu.region"() ({
      %run_scoped3A = tpu.sem_alloc : memref<!tpu.dma_semaphore, #tpu.memory_space<semaphore_mem>>
      %dma_start3A_91 = arith.constant 0 : i32
      %dma_start3A_92 = tpu.memref_slice %arg4[%add3A_10, %dma_start3A_91] : memref<2560x125xi32, #tpu.memory_space<hbm>> -> memref<40x125xi32, #tpu.memory_space<hbm>>
      %dma_start3A_93 = arith.constant 0 : i32
      %dma_start3A_94 = tpu.memref_slice %arg4[%add3A_10, %dma_start3A_93] : memref<2560x125xi32, #tpu.memory_space<hbm>> -> memref<40x125xi32, #tpu.memory_space<hbm>>
      tpu.enqueue_dma source(%dma_start3A_94 : memref<40x125xi32, #tpu.memory_space<hbm>>) target(%arg8 : memref<40x125xi32, #tpu.memory_space<vmem>>) target_semaphore(%run_scoped3A : memref<!tpu.dma_semaphore, #tpu.memory_space<semaphore_mem>>)
      %dma_wait3A_95 = arith.constant 0 : i32
      %dma_wait3A_96 = tpu.memref_slice %arg4[%add3A_10, %dma_wait3A_95] : memref<2560x125xi32, #tpu.memory_space<hbm>> -> memref<40x125xi32, #tpu.memory_space<hbm>>
      %dma_wait3A_97 = arith.constant 0 : i32
      %dma_wait3A_98 = tpu.memref_slice %arg4[%add3A_10, %dma_wait3A_97] : memref<2560x125xi32, #tpu.memory_space<hbm>> -> memref<40x125xi32, #tpu.memory_space<hbm>>
      tpu.wait_dma2 semaphore(%run_scoped3A : memref<!tpu.dma_semaphore, #tpu.memory_space<semaphore_mem>>) src(%dma_wait3A_98 : memref<40x125xi32, #tpu.memory_space<hbm>>) dst(%arg8 : memref<40x125xi32, #tpu.memory_space<vmem>>)
      tpu.yield
    }) : () -> ()
    %dma_start3A = arith.constant 0 : i32
    %dma_start3A_11 = arith.constant 0 : i32
    %dma_start3A_12 = tpu.memref_slice %arg7[%dma_start3A, %dma_start3A_11] : memref<40x125xi32, #tpu.memory_space<vmem>> -> memref<1x125xi32, #tpu.memory_space<vmem>>
    %dma_start3A_13 = tpu.memref_squeeze %dma_start3A_12 : memref<1x125xi32, #tpu.memory_space<vmem>> -> memref<125xi32, #tpu.memory_space<vmem>>
    %dma_start3A_14 = arith.constant 0 : i32
    %dma_start3A_15 = arith.constant 0 : i32
    %dma_start3A_16 = tpu.memref_slice %arg2[%dma_start3A_14, %dma_start3A_15] : memref<10000x128xf32, #tpu.memory_space<hbm>> -> memref<10000x128xf32, #tpu.memory_space<hbm>>
    tpu.enqueue_indirect_dma source(%dma_start3A_16 : memref<10000x128xf32, #tpu.memory_space<hbm>>) target(%arg9 : memref<125x128xf32, #tpu.memory_space<vmem>>) offsets(%dma_start3A_13 : memref<125xi32, #tpu.memory_space<vmem>>) semaphore(%arg11 : memref<!tpu.dma_semaphore, #tpu.memory_space<semaphore_mem>>)
    %dma_start3A_17 = arith.constant 1 : i32
    %dma_start3A_18 = arith.constant 0 : i32
    %dma_start3A_19 = tpu.memref_slice %arg7[%dma_start3A_17, %dma_start3A_18] : memref<40x125xi32, #tpu.memory_space<vmem>> -> memref<1x125xi32, #tpu.memory_space<vmem>>
    %dma_start3A_20 = tpu.memref_squeeze %dma_start3A_19 : memref<1x125xi32, #tpu.memory_space<vmem>> -> memref<125xi32, #tpu.memory_space<vmem>>
    %dma_start3A_21 = arith.constant 0 : i32
    %dma_start3A_22 = arith.constant 0 : i32
    %dma_start3A_23 = tpu.memref_slice %arg2[%dma_start3A_21, %dma_start3A_22] : memref<10000x128xf32, #tpu.memory_space<hbm>> -> memref<10000x128xf32, #tpu.memory_space<hbm>>
    tpu.enqueue_indirect_dma source(%dma_start3A_23 : memref<10000x128xf32, #tpu.memory_space<hbm>>) target(%arg10 : memref<125x128xf32, #tpu.memory_space<vmem>>) offsets(%dma_start3A_20 : memref<125xi32, #tpu.memory_space<vmem>>) semaphore(%arg12 : memref<!tpu.dma_semaphore, #tpu.memory_space<semaphore_mem>>)
    %scan3A = arith.constant 0 : i32
    %scan3A_24 = arith.constant 0 : i32
    %scan3A_25 = arith.constant 20 : i32
    %scan3A_26 = arith.addi %scan3A_24, %scan3A_25 : i32
    %scan3A_27 = arith.constant 1 : i32
    %scan3A_28 = scf.for %scan3A_91 = %scan3A_24 to %scan3A_26 step %scan3A_27 iter_args(%scan3A_92 = %scan3A) -> (i32)  : i32 {
      %mul3A_93 = arith.constant 2 : i32
      %mul3A_94 = arith.muli %scan3A_91, %mul3A_93 : i32
      %add3A_95 = arith.constant 0 : i32
      %add3A_96 = arith.addi %mul3A_94, %add3A_95 : i32
      %dma_wait3A_97 = arith.constant 0 : i32
      %dma_wait3A_98 = tpu.memref_slice %arg7[%add3A_96, %dma_wait3A_97] : memref<40x125xi32, #tpu.memory_space<vmem>> -> memref<1x125xi32, #tpu.memory_space<vmem>>
      %dma_wait3A_99 = tpu.memref_squeeze %dma_wait3A_98 : memref<1x125xi32, #tpu.memory_space<vmem>> -> memref<125xi32, #tpu.memory_space<vmem>>
      %dma_wait3A_100 = arith.constant 0 : i32
      %dma_wait3A_101 = arith.constant 0 : i32
      %dma_wait3A_102 = tpu.memref_slice %arg2[%dma_wait3A_100, %dma_wait3A_101] : memref<10000x128xf32, #tpu.memory_space<hbm>> -> memref<10000x128xf32, #tpu.memory_space<hbm>>
      tpu.wait_indirect_dma semaphore(%arg11 : memref<!tpu.dma_semaphore, #tpu.memory_space<semaphore_mem>>) src(%dma_wait3A_102 : memref<10000x128xf32, #tpu.memory_space<hbm>>) dst(%arg9 : memref<125x128xf32, #tpu.memory_space<vmem>>)
      %dma_start3A_103 = arith.constant 0 : i32
      %dma_start3A_104 = tpu.memref_slice %arg8[%add3A_96, %dma_start3A_103] : memref<40x125xi32, #tpu.memory_space<vmem>> -> memref<1x125xi32, #tpu.memory_space<vmem>>
      %dma_start3A_105 = tpu.memref_squeeze %dma_start3A_104 : memref<1x125xi32, #tpu.memory_space<vmem>> -> memref<125xi32, #tpu.memory_space<vmem>>
      %dma_start3A_106 = arith.constant 0 : i32
      %dma_start3A_107 = arith.constant 0 : i32
      %dma_start3A_108 = tpu.memref_slice %arg15[%dma_start3A_106, %dma_start3A_107] : memref<10240x128xf32, #tpu.memory_space<vmem_shared>> -> memref<10240x128xf32, #tpu.memory_space<vmem_shared>>
      tpu.enqueue_indirect_dma source(%arg9 : memref<125x128xf32, #tpu.memory_space<vmem>>) target(%dma_start3A_108 : memref<10240x128xf32, #tpu.memory_space<vmem_shared>>) offsets(%dma_start3A_105 : memref<125xi32, #tpu.memory_space<vmem>>) semaphore(%arg13 : memref<!tpu.dma_semaphore, #tpu.memory_space<semaphore_mem>>) {add = true}
      %add3A_109 = arith.constant 1 : i32
      %add3A_110 = arith.addi %mul3A_94, %add3A_109 : i32
      %dma_wait3A_111 = arith.constant 0 : i32
      %dma_wait3A_112 = tpu.memref_slice %arg7[%add3A_110, %dma_wait3A_111] : memref<40x125xi32, #tpu.memory_space<vmem>> -> memref<1x125xi32, #tpu.memory_space<vmem>>
      %dma_wait3A_113 = tpu.memref_squeeze %dma_wait3A_112 : memref<1x125xi32, #tpu.memory_space<vmem>> -> memref<125xi32, #tpu.memory_space<vmem>>
      %dma_wait3A_114 = arith.constant 0 : i32
      %dma_wait3A_115 = arith.constant 0 : i32
      %dma_wait3A_116 = tpu.memref_slice %arg2[%dma_wait3A_114, %dma_wait3A_115] : memref<10000x128xf32, #tpu.memory_space<hbm>> -> memref<10000x128xf32, #tpu.memory_space<hbm>>
      tpu.wait_indirect_dma semaphore(%arg12 : memref<!tpu.dma_semaphore, #tpu.memory_space<semaphore_mem>>) src(%dma_wait3A_116 : memref<10000x128xf32, #tpu.memory_space<hbm>>) dst(%arg10 : memref<125x128xf32, #tpu.memory_space<vmem>>)
      %dma_start3A_117 = arith.constant 0 : i32
      %dma_start3A_118 = tpu.memref_slice %arg8[%add3A_110, %dma_start3A_117] : memref<40x125xi32, #tpu.memory_space<vmem>> -> memref<1x125xi32, #tpu.memory_space<vmem>>
      %dma_start3A_119 = tpu.memref_squeeze %dma_start3A_118 : memref<1x125xi32, #tpu.memory_space<vmem>> -> memref<125xi32, #tpu.memory_space<vmem>>
      %dma_start3A_120 = arith.constant 0 : i32
      %dma_start3A_121 = arith.constant 0 : i32
      %dma_start3A_122 = tpu.memref_slice %arg15[%dma_start3A_120, %dma_start3A_121] : memref<10240x128xf32, #tpu.memory_space<vmem_shared>> -> memref<10240x128xf32, #tpu.memory_space<vmem_shared>>
      tpu.enqueue_indirect_dma source(%arg10 : memref<125x128xf32, #tpu.memory_space<vmem>>) target(%dma_start3A_122 : memref<10240x128xf32, #tpu.memory_space<vmem_shared>>) offsets(%dma_start3A_119 : memref<125xi32, #tpu.memory_space<vmem>>) semaphore(%arg14 : memref<!tpu.dma_semaphore, #tpu.memory_space<semaphore_mem>>) {add = true}
      %add3A_123 = arith.constant 0 : i32
      %add3A_124 = arith.addi %mul3A_94, %add3A_123 : i32
      %add3A_125 = arith.constant 2 : i32
      %add3A_126 = arith.addi %add3A_124, %add3A_125 : i32
      %lt3A = arith.constant 40 : i32
      %lt3A_127 = arith.cmpi slt, %add3A_126, %lt3A : i32
      %convert_element_type3A = arith.extui %lt3A_127 : i1 to i32
      %cond3A = arith.constant 0 : i32
      %cond3A_128 = arith.cmpi ne, %convert_element_type3A, %cond3A : i32
      scf.if %cond3A_128 {
        %dma_wait3A_139 = arith.constant 0 : i32
        %dma_wait3A_140 = tpu.memref_slice %arg8[%add3A_124, %dma_wait3A_139] : memref<40x125xi32, #tpu.memory_space<vmem>> -> memref<1x125xi32, #tpu.memory_space<vmem>>
        %dma_wait3A_141 = tpu.memref_squeeze %dma_wait3A_140 : memref<1x125xi32, #tpu.memory_space<vmem>> -> memref<125xi32, #tpu.memory_space<vmem>>
        %dma_wait3A_142 = arith.constant 0 : i32
        %dma_wait3A_143 = arith.constant 0 : i32
        %dma_wait3A_144 = tpu.memref_slice %arg15[%dma_wait3A_142, %dma_wait3A_143] : memref<10240x128xf32, #tpu.memory_space<vmem_shared>> -> memref<10240x128xf32, #tpu.memory_space<vmem_shared>>
        tpu.wait_indirect_dma semaphore(%arg13 : memref<!tpu.dma_semaphore, #tpu.memory_space<semaphore_mem>>) src(%arg9 : memref<125x128xf32, #tpu.memory_space<vmem>>) dst(%dma_wait3A_144 : memref<10240x128xf32, #tpu.memory_space<vmem_shared>>)
        %add3A_145 = arith.constant 2 : i32
        %add3A_146 = arith.addi %add3A_124, %add3A_145 : i32
        %dma_start3A_147 = arith.constant 0 : i32
        %dma_start3A_148 = tpu.memref_slice %arg7[%add3A_146, %dma_start3A_147] : memref<40x125xi32, #tpu.memory_space<vmem>> -> memref<1x125xi32, #tpu.memory_space<vmem>>
        %dma_start3A_149 = tpu.memref_squeeze %dma_start3A_148 : memref<1x125xi32, #tpu.memory_space<vmem>> -> memref<125xi32, #tpu.memory_space<vmem>>
        %dma_start3A_150 = arith.constant 0 : i32
        %dma_start3A_151 = arith.constant 0 : i32
        %dma_start3A_152 = tpu.memref_slice %arg2[%dma_start3A_150, %dma_start3A_151] : memref<10000x128xf32, #tpu.memory_space<hbm>> -> memref<10000x128xf32, #tpu.memory_space<hbm>>
        tpu.enqueue_indirect_dma source(%dma_start3A_152 : memref<10000x128xf32, #tpu.memory_space<hbm>>) target(%arg9 : memref<125x128xf32, #tpu.memory_space<vmem>>) offsets(%dma_start3A_149 : memref<125xi32, #tpu.memory_space<vmem>>) semaphore(%arg11 : memref<!tpu.dma_semaphore, #tpu.memory_space<semaphore_mem>>)
      } else {
      }
      %add3A_129 = arith.constant 1 : i32
      %add3A_130 = arith.addi %mul3A_94, %add3A_129 : i32
      %add3A_131 = arith.constant 2 : i32
      %add3A_132 = arith.addi %add3A_130, %add3A_131 : i32
      %lt3A_133 = arith.constant 40 : i32
      %lt3A_134 = arith.cmpi slt, %add3A_132, %lt3A_133 : i32
      %convert_element_type3A_135 = arith.extui %lt3A_134 : i1 to i32
      %cond3A_136 = arith.constant 0 : i32
      %cond3A_137 = arith.cmpi ne, %convert_element_type3A_135, %cond3A_136 : i32
      scf.if %cond3A_137 {
        %dma_wait3A_139 = arith.constant 0 : i32
        %dma_wait3A_140 = tpu.memref_slice %arg8[%add3A_130, %dma_wait3A_139] : memref<40x125xi32, #tpu.memory_space<vmem>> -> memref<1x125xi32, #tpu.memory_space<vmem>>
        %dma_wait3A_141 = tpu.memref_squeeze %dma_wait3A_140 : memref<1x125xi32, #tpu.memory_space<vmem>> -> memref<125xi32, #tpu.memory_space<vmem>>
        %dma_wait3A_142 = arith.constant 0 : i32
        %dma_wait3A_143 = arith.constant 0 : i32
        %dma_wait3A_144 = tpu.memref_slice %arg15[%dma_wait3A_142, %dma_wait3A_143] : memref<10240x128xf32, #tpu.memory_space<vmem_shared>> -> memref<10240x128xf32, #tpu.memory_space<vmem_shared>>
        tpu.wait_indirect_dma semaphore(%arg14 : memref<!tpu.dma_semaphore, #tpu.memory_space<semaphore_mem>>) src(%arg10 : memref<125x128xf32, #tpu.memory_space<vmem>>) dst(%dma_wait3A_144 : memref<10240x128xf32, #tpu.memory_space<vmem_shared>>)
        %add3A_145 = arith.constant 2 : i32
        %add3A_146 = arith.addi %add3A_130, %add3A_145 : i32
        %dma_start3A_147 = arith.constant 0 : i32
        %dma_start3A_148 = tpu.memref_slice %arg7[%add3A_146, %dma_start3A_147] : memref<40x125xi32, #tpu.memory_space<vmem>> -> memref<1x125xi32, #tpu.memory_space<vmem>>
        %dma_start3A_149 = tpu.memref_squeeze %dma_start3A_148 : memref<1x125xi32, #tpu.memory_space<vmem>> -> memref<125xi32, #tpu.memory_space<vmem>>
        %dma_start3A_150 = arith.constant 0 : i32
        %dma_start3A_151 = arith.constant 0 : i32
        %dma_start3A_152 = tpu.memref_slice %arg2[%dma_start3A_150, %dma_start3A_151] : memref<10000x128xf32, #tpu.memory_space<hbm>> -> memref<10000x128xf32, #tpu.memory_space<hbm>>
        tpu.enqueue_indirect_dma source(%dma_start3A_152 : memref<10000x128xf32, #tpu.memory_space<hbm>>) target(%arg10 : memref<125x128xf32, #tpu.memory_space<vmem>>) offsets(%dma_start3A_149 : memref<125xi32, #tpu.memory_space<vmem>>) semaphore(%arg12 : memref<!tpu.dma_semaphore, #tpu.memory_space<semaphore_mem>>)
      } else {
      }
      %scan3A_138 = arith.constant 0 : i32
      scf.yield %scan3A_138 : i32
    }
    %scan3A_29 = arith.constant 20 : i32
    %dma_wait3A = arith.constant 38 : i32
    %dma_wait3A_30 = arith.constant 0 : i32
    %dma_wait3A_31 = tpu.memref_slice %arg8[%dma_wait3A, %dma_wait3A_30] : memref<40x125xi32, #tpu.memory_space<vmem>> -> memref<1x125xi32, #tpu.memory_space<vmem>>
    %dma_wait3A_32 = tpu.memref_squeeze %dma_wait3A_31 : memref<1x125xi32, #tpu.memory_space<vmem>> -> memref<125xi32, #tpu.memory_space<vmem>>
    %dma_wait3A_33 = arith.constant 0 : i32
    %dma_wait3A_34 = arith.constant 0 : i32
    %dma_wait3A_35 = tpu.memref_slice %arg15[%dma_wait3A_33, %dma_wait3A_34] : memref<10240x128xf32, #tpu.memory_space<vmem_shared>> -> memref<10240x128xf32, #tpu.memory_space<vmem_shared>>
    tpu.wait_indirect_dma semaphore(%arg13 : memref<!tpu.dma_semaphore, #tpu.memory_space<semaphore_mem>>) src(%arg9 : memref<125x128xf32, #tpu.memory_space<vmem>>) dst(%dma_wait3A_35 : memref<10240x128xf32, #tpu.memory_space<vmem_shared>>)
    %dma_wait3A_36 = arith.constant 39 : i32
    %dma_wait3A_37 = arith.constant 0 : i32
    %dma_wait3A_38 = tpu.memref_slice %arg8[%dma_wait3A_36, %dma_wait3A_37] : memref<40x125xi32, #tpu.memory_space<vmem>> -> memref<1x125xi32, #tpu.memory_space<vmem>>
    %dma_wait3A_39 = tpu.memref_squeeze %dma_wait3A_38 : memref<1x125xi32, #tpu.memory_space<vmem>> -> memref<125xi32, #tpu.memory_space<vmem>>
    %dma_wait3A_40 = arith.constant 0 : i32
    %dma_wait3A_41 = arith.constant 0 : i32
    %dma_wait3A_42 = tpu.memref_slice %arg15[%dma_wait3A_40, %dma_wait3A_41] : memref<10240x128xf32, #tpu.memory_space<vmem_shared>> -> memref<10240x128xf32, #tpu.memory_space<vmem_shared>>
    tpu.wait_indirect_dma semaphore(%arg14 : memref<!tpu.dma_semaphore, #tpu.memory_space<semaphore_mem>>) src(%arg10 : memref<125x128xf32, #tpu.memory_space<vmem>>) dst(%dma_wait3A_42 : memref<10240x128xf32, #tpu.memory_space<vmem_shared>>)
    %mul3A_43 = arith.constant 80 : i32
    %mul3A_44 = arith.muli %add3A, %mul3A_43 : i32
    %add3A_45 = arith.constant 40 : i32
    %add3A_46 = arith.addi %mul3A_44, %add3A_45 : i32
    "tpu.region"() ({
      %run_scoped3A = tpu.sem_alloc : memref<!tpu.dma_semaphore, #tpu.memory_space<semaphore_mem>>
      %dma_start3A_91 = arith.constant 0 : i32
      %dma_start3A_92 = tpu.memref_slice %arg3[%add3A_46, %dma_start3A_91] : memref<2560x125xi32, #tpu.memory_space<hbm>> -> memref<40x125xi32, #tpu.memory_space<hbm>>
      %dma_start3A_93 = arith.constant 0 : i32
      %dma_start3A_94 = tpu.memref_slice %arg3[%add3A_46, %dma_start3A_93] : memref<2560x125xi32, #tpu.memory_space<hbm>> -> memref<40x125xi32, #tpu.memory_space<hbm>>
      tpu.enqueue_dma source(%dma_start3A_94 : memref<40x125xi32, #tpu.memory_space<hbm>>) target(%arg7 : memref<40x125xi32, #tpu.memory_space<vmem>>) target_semaphore(%run_scoped3A : memref<!tpu.dma_semaphore, #tpu.memory_space<semaphore_mem>>)
      %dma_wait3A_95 = arith.constant 0 : i32
      %dma_wait3A_96 = tpu.memref_slice %arg3[%add3A_46, %dma_wait3A_95] : memref<2560x125xi32, #tpu.memory_space<hbm>> -> memref<40x125xi32, #tpu.memory_space<hbm>>
      %dma_wait3A_97 = arith.constant 0 : i32
      %dma_wait3A_98 = tpu.memref_slice %arg3[%add3A_46, %dma_wait3A_97] : memref<2560x125xi32, #tpu.memory_space<hbm>> -> memref<40x125xi32, #tpu.memory_space<hbm>>
      tpu.wait_dma2 semaphore(%run_scoped3A : memref<!tpu.dma_semaphore, #tpu.memory_space<semaphore_mem>>) src(%dma_wait3A_98 : memref<40x125xi32, #tpu.memory_space<hbm>>) dst(%arg7 : memref<40x125xi32, #tpu.memory_space<vmem>>)
      tpu.yield
    }) : () -> ()
    %mul3A_47 = arith.constant 80 : i32
    %mul3A_48 = arith.muli %add3A, %mul3A_47 : i32
    %add3A_49 = arith.constant 40 : i32
    %add3A_50 = arith.addi %mul3A_48, %add3A_49 : i32
    "tpu.region"() ({
      %run_scoped3A = tpu.sem_alloc : memref<!tpu.dma_semaphore, #tpu.memory_space<semaphore_mem>>
      %dma_start3A_91 = arith.constant 0 : i32
      %dma_start3A_92 = tpu.memref_slice %arg4[%add3A_50, %dma_start3A_91] : memref<2560x125xi32, #tpu.memory_space<hbm>> -> memref<40x125xi32, #tpu.memory_space<hbm>>
      %dma_start3A_93 = arith.constant 0 : i32
      %dma_start3A_94 = tpu.memref_slice %arg4[%add3A_50, %dma_start3A_93] : memref<2560x125xi32, #tpu.memory_space<hbm>> -> memref<40x125xi32, #tpu.memory_space<hbm>>
      tpu.enqueue_dma source(%dma_start3A_94 : memref<40x125xi32, #tpu.memory_space<hbm>>) target(%arg8 : memref<40x125xi32, #tpu.memory_space<vmem>>) target_semaphore(%run_scoped3A : memref<!tpu.dma_semaphore, #tpu.memory_space<semaphore_mem>>)
      %dma_wait3A_95 = arith.constant 0 : i32
      %dma_wait3A_96 = tpu.memref_slice %arg4[%add3A_50, %dma_wait3A_95] : memref<2560x125xi32, #tpu.memory_space<hbm>> -> memref<40x125xi32, #tpu.memory_space<hbm>>
      %dma_wait3A_97 = arith.constant 0 : i32
      %dma_wait3A_98 = tpu.memref_slice %arg4[%add3A_50, %dma_wait3A_97] : memref<2560x125xi32, #tpu.memory_space<hbm>> -> memref<40x125xi32, #tpu.memory_space<hbm>>
      tpu.wait_dma2 semaphore(%run_scoped3A : memref<!tpu.dma_semaphore, #tpu.memory_space<semaphore_mem>>) src(%dma_wait3A_98 : memref<40x125xi32, #tpu.memory_space<hbm>>) dst(%arg8 : memref<40x125xi32, #tpu.memory_space<vmem>>)
      tpu.yield
    }) : () -> ()
    %dma_start3A_51 = arith.constant 0 : i32
    %dma_start3A_52 = arith.constant 0 : i32
    %dma_start3A_53 = tpu.memref_slice %arg7[%dma_start3A_51, %dma_start3A_52] : memref<40x125xi32, #tpu.memory_space<vmem>> -> memref<1x125xi32, #tpu.memory_space<vmem>>
    %dma_start3A_54 = tpu.memref_squeeze %dma_start3A_53 : memref<1x125xi32, #tpu.memory_space<vmem>> -> memref<125xi32, #tpu.memory_space<vmem>>
    %dma_start3A_55 = arith.constant 0 : i32
    %dma_start3A_56 = arith.constant 0 : i32
    %dma_start3A_57 = tpu.memref_slice %arg2[%dma_start3A_55, %dma_start3A_56] : memref<10000x128xf32, #tpu.memory_space<hbm>> -> memref<10000x128xf32, #tpu.memory_space<hbm>>
    tpu.enqueue_indirect_dma source(%dma_start3A_57 : memref<10000x128xf32, #tpu.memory_space<hbm>>) target(%arg9 : memref<125x128xf32, #tpu.memory_space<vmem>>) offsets(%dma_start3A_54 : memref<125xi32, #tpu.memory_space<vmem>>) semaphore(%arg11 : memref<!tpu.dma_semaphore, #tpu.memory_space<semaphore_mem>>)
    %dma_start3A_58 = arith.constant 1 : i32
    %dma_start3A_59 = arith.constant 0 : i32
    %dma_start3A_60 = tpu.memref_slice %arg7[%dma_start3A_58, %dma_start3A_59] : memref<40x125xi32, #tpu.memory_space<vmem>> -> memref<1x125xi32, #tpu.memory_space<vmem>>
    %dma_start3A_61 = tpu.memref_squeeze %dma_start3A_60 : memref<1x125xi32, #tpu.memory_space<vmem>> -> memref<125xi32, #tpu.memory_space<vmem>>
    %dma_start3A_62 = arith.constant 0 : i32
    %dma_start3A_63 = arith.constant 0 : i32
    %dma_start3A_64 = tpu.memref_slice %arg2[%dma_start3A_62, %dma_start3A_63] : memref<10000x128xf32, #tpu.memory_space<hbm>> -> memref<10000x128xf32, #tpu.memory_space<hbm>>
    tpu.enqueue_indirect_dma source(%dma_start3A_64 : memref<10000x128xf32, #tpu.memory_space<hbm>>) target(%arg10 : memref<125x128xf32, #tpu.memory_space<vmem>>) offsets(%dma_start3A_61 : memref<125xi32, #tpu.memory_space<vmem>>) semaphore(%arg12 : memref<!tpu.dma_semaphore, #tpu.memory_space<semaphore_mem>>)
    %scan3A_65 = arith.constant 0 : i32
    %scan3A_66 = arith.constant 0 : i32
    %scan3A_67 = arith.constant 20 : i32
    %scan3A_68 = arith.addi %scan3A_66, %scan3A_67 : i32
    %scan3A_69 = arith.constant 1 : i32
    %scan3A_70 = scf.for %scan3A_91 = %scan3A_66 to %scan3A_68 step %scan3A_69 iter_args(%scan3A_92 = %scan3A_65) -> (i32)  : i32 {
      %mul3A_93 = arith.constant 2 : i32
      %mul3A_94 = arith.muli %scan3A_91, %mul3A_93 : i32
      %add3A_95 = arith.constant 0 : i32
      %add3A_96 = arith.addi %mul3A_94, %add3A_95 : i32
      %dma_wait3A_97 = arith.constant 0 : i32
      %dma_wait3A_98 = tpu.memref_slice %arg7[%add3A_96, %dma_wait3A_97] : memref<40x125xi32, #tpu.memory_space<vmem>> -> memref<1x125xi32, #tpu.memory_space<vmem>>
      %dma_wait3A_99 = tpu.memref_squeeze %dma_wait3A_98 : memref<1x125xi32, #tpu.memory_space<vmem>> -> memref<125xi32, #tpu.memory_space<vmem>>
      %dma_wait3A_100 = arith.constant 0 : i32
      %dma_wait3A_101 = arith.constant 0 : i32
      %dma_wait3A_102 = tpu.memref_slice %arg2[%dma_wait3A_100, %dma_wait3A_101] : memref<10000x128xf32, #tpu.memory_space<hbm>> -> memref<10000x128xf32, #tpu.memory_space<hbm>>
      tpu.wait_indirect_dma semaphore(%arg11 : memref<!tpu.dma_semaphore, #tpu.memory_space<semaphore_mem>>) src(%dma_wait3A_102 : memref<10000x128xf32, #tpu.memory_space<hbm>>) dst(%arg9 : memref<125x128xf32, #tpu.memory_space<vmem>>)
      %dma_start3A_103 = arith.constant 0 : i32
      %dma_start3A_104 = tpu.memref_slice %arg8[%add3A_96, %dma_start3A_103] : memref<40x125xi32, #tpu.memory_space<vmem>> -> memref<1x125xi32, #tpu.memory_space<vmem>>
      %dma_start3A_105 = tpu.memref_squeeze %dma_start3A_104 : memref<1x125xi32, #tpu.memory_space<vmem>> -> memref<125xi32, #tpu.memory_space<vmem>>
      %dma_start3A_106 = arith.constant 0 : i32
      %dma_start3A_107 = arith.constant 0 : i32
      %dma_start3A_108 = tpu.memref_slice %arg15[%dma_start3A_106, %dma_start3A_107] : memref<10240x128xf32, #tpu.memory_space<vmem_shared>> -> memref<10240x128xf32, #tpu.memory_space<vmem_shared>>
      tpu.enqueue_indirect_dma source(%arg9 : memref<125x128xf32, #tpu.memory_space<vmem>>) target(%dma_start3A_108 : memref<10240x128xf32, #tpu.memory_space<vmem_shared>>) offsets(%dma_start3A_105 : memref<125xi32, #tpu.memory_space<vmem>>) semaphore(%arg13 : memref<!tpu.dma_semaphore, #tpu.memory_space<semaphore_mem>>) {add = true}
      %add3A_109 = arith.constant 1 : i32
      %add3A_110 = arith.addi %mul3A_94, %add3A_109 : i32
      %dma_wait3A_111 = arith.constant 0 : i32
      %dma_wait3A_112 = tpu.memref_slice %arg7[%add3A_110, %dma_wait3A_111] : memref<40x125xi32, #tpu.memory_space<vmem>> -> memref<1x125xi32, #tpu.memory_space<vmem>>
      %dma_wait3A_113 = tpu.memref_squeeze %dma_wait3A_112 : memref<1x125xi32, #tpu.memory_space<vmem>> -> memref<125xi32, #tpu.memory_space<vmem>>
      %dma_wait3A_114 = arith.constant 0 : i32
      %dma_wait3A_115 = arith.constant 0 : i32
      %dma_wait3A_116 = tpu.memref_slice %arg2[%dma_wait3A_114, %dma_wait3A_115] : memref<10000x128xf32, #tpu.memory_space<hbm>> -> memref<10000x128xf32, #tpu.memory_space<hbm>>
      tpu.wait_indirect_dma semaphore(%arg12 : memref<!tpu.dma_semaphore, #tpu.memory_space<semaphore_mem>>) src(%dma_wait3A_116 : memref<10000x128xf32, #tpu.memory_space<hbm>>) dst(%arg10 : memref<125x128xf32, #tpu.memory_space<vmem>>)
      %dma_start3A_117 = arith.constant 0 : i32
      %dma_start3A_118 = tpu.memref_slice %arg8[%add3A_110, %dma_start3A_117] : memref<40x125xi32, #tpu.memory_space<vmem>> -> memref<1x125xi32, #tpu.memory_space<vmem>>
      %dma_start3A_119 = tpu.memref_squeeze %dma_start3A_118 : memref<1x125xi32, #tpu.memory_space<vmem>> -> memref<125xi32, #tpu.memory_space<vmem>>
      %dma_start3A_120 = arith.constant 0 : i32
      %dma_start3A_121 = arith.constant 0 : i32
      %dma_start3A_122 = tpu.memref_slice %arg15[%dma_start3A_120, %dma_start3A_121] : memref<10240x128xf32, #tpu.memory_space<vmem_shared>> -> memref<10240x128xf32, #tpu.memory_space<vmem_shared>>
      tpu.enqueue_indirect_dma source(%arg10 : memref<125x128xf32, #tpu.memory_space<vmem>>) target(%dma_start3A_122 : memref<10240x128xf32, #tpu.memory_space<vmem_shared>>) offsets(%dma_start3A_119 : memref<125xi32, #tpu.memory_space<vmem>>) semaphore(%arg14 : memref<!tpu.dma_semaphore, #tpu.memory_space<semaphore_mem>>) {add = true}
      %add3A_123 = arith.constant 0 : i32
      %add3A_124 = arith.addi %mul3A_94, %add3A_123 : i32
      %add3A_125 = arith.constant 2 : i32
      %add3A_126 = arith.addi %add3A_124, %add3A_125 : i32
      %lt3A = arith.constant 40 : i32
      %lt3A_127 = arith.cmpi slt, %add3A_126, %lt3A : i32
      %convert_element_type3A = arith.extui %lt3A_127 : i1 to i32
      %cond3A = arith.constant 0 : i32
      %cond3A_128 = arith.cmpi ne, %convert_element_type3A, %cond3A : i32
      scf.if %cond3A_128 {
        %dma_wait3A_139 = arith.constant 0 : i32
        %dma_wait3A_140 = tpu.memref_slice %arg8[%add3A_124, %dma_wait3A_139] : memref<40x125xi32, #tpu.memory_space<vmem>> -> memref<1x125xi32, #tpu.memory_space<vmem>>
        %dma_wait3A_141 = tpu.memref_squeeze %dma_wait3A_140 : memref<1x125xi32, #tpu.memory_space<vmem>> -> memref<125xi32, #tpu.memory_space<vmem>>
        %dma_wait3A_142 = arith.constant 0 : i32
        %dma_wait3A_143 = arith.constant 0 : i32
        %dma_wait3A_144 = tpu.memref_slice %arg15[%dma_wait3A_142, %dma_wait3A_143] : memref<10240x128xf32, #tpu.memory_space<vmem_shared>> -> memref<10240x128xf32, #tpu.memory_space<vmem_shared>>
        tpu.wait_indirect_dma semaphore(%arg13 : memref<!tpu.dma_semaphore, #tpu.memory_space<semaphore_mem>>) src(%arg9 : memref<125x128xf32, #tpu.memory_space<vmem>>) dst(%dma_wait3A_144 : memref<10240x128xf32, #tpu.memory_space<vmem_shared>>)
        %add3A_145 = arith.constant 2 : i32
        %add3A_146 = arith.addi %add3A_124, %add3A_145 : i32
        %dma_start3A_147 = arith.constant 0 : i32
        %dma_start3A_148 = tpu.memref_slice %arg7[%add3A_146, %dma_start3A_147] : memref<40x125xi32, #tpu.memory_space<vmem>> -> memref<1x125xi32, #tpu.memory_space<vmem>>
        %dma_start3A_149 = tpu.memref_squeeze %dma_start3A_148 : memref<1x125xi32, #tpu.memory_space<vmem>> -> memref<125xi32, #tpu.memory_space<vmem>>
        %dma_start3A_150 = arith.constant 0 : i32
        %dma_start3A_151 = arith.constant 0 : i32
        %dma_start3A_152 = tpu.memref_slice %arg2[%dma_start3A_150, %dma_start3A_151] : memref<10000x128xf32, #tpu.memory_space<hbm>> -> memref<10000x128xf32, #tpu.memory_space<hbm>>
        tpu.enqueue_indirect_dma source(%dma_start3A_152 : memref<10000x128xf32, #tpu.memory_space<hbm>>) target(%arg9 : memref<125x128xf32, #tpu.memory_space<vmem>>) offsets(%dma_start3A_149 : memref<125xi32, #tpu.memory_space<vmem>>) semaphore(%arg11 : memref<!tpu.dma_semaphore, #tpu.memory_space<semaphore_mem>>)
      } else {
      }
      %add3A_129 = arith.constant 1 : i32
      %add3A_130 = arith.addi %mul3A_94, %add3A_129 : i32
      %add3A_131 = arith.constant 2 : i32
      %add3A_132 = arith.addi %add3A_130, %add3A_131 : i32
      %lt3A_133 = arith.constant 40 : i32
      %lt3A_134 = arith.cmpi slt, %add3A_132, %lt3A_133 : i32
      %convert_element_type3A_135 = arith.extui %lt3A_134 : i1 to i32
      %cond3A_136 = arith.constant 0 : i32
      %cond3A_137 = arith.cmpi ne, %convert_element_type3A_135, %cond3A_136 : i32
      scf.if %cond3A_137 {
        %dma_wait3A_139 = arith.constant 0 : i32
        %dma_wait3A_140 = tpu.memref_slice %arg8[%add3A_130, %dma_wait3A_139] : memref<40x125xi32, #tpu.memory_space<vmem>> -> memref<1x125xi32, #tpu.memory_space<vmem>>
        %dma_wait3A_141 = tpu.memref_squeeze %dma_wait3A_140 : memref<1x125xi32, #tpu.memory_space<vmem>> -> memref<125xi32, #tpu.memory_space<vmem>>
        %dma_wait3A_142 = arith.constant 0 : i32
        %dma_wait3A_143 = arith.constant 0 : i32
        %dma_wait3A_144 = tpu.memref_slice %arg15[%dma_wait3A_142, %dma_wait3A_143] : memref<10240x128xf32, #tpu.memory_space<vmem_shared>> -> memref<10240x128xf32, #tpu.memory_space<vmem_shared>>
        tpu.wait_indirect_dma semaphore(%arg14 : memref<!tpu.dma_semaphore, #tpu.memory_space<semaphore_mem>>) src(%arg10 : memref<125x128xf32, #tpu.memory_space<vmem>>) dst(%dma_wait3A_144 : memref<10240x128xf32, #tpu.memory_space<vmem_shared>>)
        %add3A_145 = arith.constant 2 : i32
        %add3A_146 = arith.addi %add3A_130, %add3A_145 : i32
        %dma_start3A_147 = arith.constant 0 : i32
        %dma_start3A_148 = tpu.memref_slice %arg7[%add3A_146, %dma_start3A_147] : memref<40x125xi32, #tpu.memory_space<vmem>> -> memref<1x125xi32, #tpu.memory_space<vmem>>
        %dma_start3A_149 = tpu.memref_squeeze %dma_start3A_148 : memref<1x125xi32, #tpu.memory_space<vmem>> -> memref<125xi32, #tpu.memory_space<vmem>>
        %dma_start3A_150 = arith.constant 0 : i32
        %dma_start3A_151 = arith.constant 0 : i32
        %dma_start3A_152 = tpu.memref_slice %arg2[%dma_start3A_150, %dma_start3A_151] : memref<10000x128xf32, #tpu.memory_space<hbm>> -> memref<10000x128xf32, #tpu.memory_space<hbm>>
        tpu.enqueue_indirect_dma source(%dma_start3A_152 : memref<10000x128xf32, #tpu.memory_space<hbm>>) target(%arg10 : memref<125x128xf32, #tpu.memory_space<vmem>>) offsets(%dma_start3A_149 : memref<125xi32, #tpu.memory_space<vmem>>) semaphore(%arg12 : memref<!tpu.dma_semaphore, #tpu.memory_space<semaphore_mem>>)
      } else {
      }
      %scan3A_138 = arith.constant 0 : i32
      scf.yield %scan3A_138 : i32
    }
    %scan3A_71 = arith.constant 20 : i32
    %dma_wait3A_72 = arith.constant 38 : i32
    %dma_wait3A_73 = arith.constant 0 : i32
    %dma_wait3A_74 = tpu.memref_slice %arg8[%dma_wait3A_72, %dma_wait3A_73] : memref<40x125xi32, #tpu.memory_space<vmem>> -> memref<1x125xi32, #tpu.memory_space<vmem>>
    %dma_wait3A_75 = tpu.memref_squeeze %dma_wait3A_74 : memref<1x125xi32, #tpu.memory_space<vmem>> -> memref<125xi32, #tpu.memory_space<vmem>>
    %dma_wait3A_76 = arith.constant 0 : i32
    %dma_wait3A_77 = arith.constant 0 : i32
    %dma_wait3A_78 = tpu.memref_slice %arg15[%dma_wait3A_76, %dma_wait3A_77] : memref<10240x128xf32, #tpu.memory_space<vmem_shared>> -> memref<10240x128xf32, #tpu.memory_space<vmem_shared>>
    tpu.wait_indirect_dma semaphore(%arg13 : memref<!tpu.dma_semaphore, #tpu.memory_space<semaphore_mem>>) src(%arg9 : memref<125x128xf32, #tpu.memory_space<vmem>>) dst(%dma_wait3A_78 : memref<10240x128xf32, #tpu.memory_space<vmem_shared>>)
    %dma_wait3A_79 = arith.constant 39 : i32
    %dma_wait3A_80 = arith.constant 0 : i32
    %dma_wait3A_81 = tpu.memref_slice %arg8[%dma_wait3A_79, %dma_wait3A_80] : memref<40x125xi32, #tpu.memory_space<vmem>> -> memref<1x125xi32, #tpu.memory_space<vmem>>
    %dma_wait3A_82 = tpu.memref_squeeze %dma_wait3A_81 : memref<1x125xi32, #tpu.memory_space<vmem>> -> memref<125xi32, #tpu.memory_space<vmem>>
    %dma_wait3A_83 = arith.constant 0 : i32
    %dma_wait3A_84 = arith.constant 0 : i32
    %dma_wait3A_85 = tpu.memref_slice %arg15[%dma_wait3A_83, %dma_wait3A_84] : memref<10240x128xf32, #tpu.memory_space<vmem_shared>> -> memref<10240x128xf32, #tpu.memory_space<vmem_shared>>
    tpu.wait_indirect_dma semaphore(%arg14 : memref<!tpu.dma_semaphore, #tpu.memory_space<semaphore_mem>>) src(%arg10 : memref<125x128xf32, #tpu.memory_space<vmem>>) dst(%dma_wait3A_85 : memref<10240x128xf32, #tpu.memory_space<vmem_shared>>)
    %barrier3A_86 = arith.constant 0 : index
    tpu.barrier barrier_id(%barrier3A_86)
    %mul3A_87 = arith.constant 640 : i32
    %mul3A_88 = arith.muli %arg1, %mul3A_87 : i32
    %mul3A_89 = arith.constant 640 : i32
    %mul3A_90 = arith.muli %arg1, %mul3A_89 : i32
    "tpu.region"() ({
      %run_scoped3A = tpu.sem_alloc : memref<!tpu.dma_semaphore, #tpu.memory_space<semaphore_mem>>
      %dma_start3A_91 = arith.constant 0 : i32
      %dma_start3A_92 = tpu.memref_slice %arg6[%arg0, %mul3A_90, %dma_start3A_91] : memref<2x10240x128xf32, #tpu.memory_space<hbm>> -> memref<1x640x128xf32, #tpu.memory_space<hbm>>
      %dma_start3A_93 = tpu.memref_squeeze %dma_start3A_92 : memref<1x640x128xf32, #tpu.memory_space<hbm>> -> memref<640x128xf32, #tpu.memory_space<hbm>>
      %dma_start3A_94 = arith.constant 0 : i32
      %dma_start3A_95 = tpu.memref_slice %arg15[%mul3A_88, %dma_start3A_94] : memref<10240x128xf32, #tpu.memory_space<vmem_shared>> -> memref<640x128xf32, #tpu.memory_space<vmem_shared>>
      tpu.enqueue_dma source(%dma_start3A_95 : memref<640x128xf32, #tpu.memory_space<vmem_shared>>) target(%dma_start3A_93 : memref<640x128xf32, #tpu.memory_space<hbm>>) target_semaphore(%run_scoped3A : memref<!tpu.dma_semaphore, #tpu.memory_space<semaphore_mem>>)
      %dma_wait3A_96 = arith.constant 0 : i32
      %dma_wait3A_97 = tpu.memref_slice %arg6[%arg0, %mul3A_90, %dma_wait3A_96] : memref<2x10240x128xf32, #tpu.memory_space<hbm>> -> memref<1x640x128xf32, #tpu.memory_space<hbm>>
      %dma_wait3A_98 = tpu.memref_squeeze %dma_wait3A_97 : memref<1x640x128xf32, #tpu.memory_space<hbm>> -> memref<640x128xf32, #tpu.memory_space<hbm>>
      %dma_wait3A_99 = arith.constant 0 : i32
      %dma_wait3A_100 = tpu.memref_slice %arg15[%mul3A_88, %dma_wait3A_99] : memref<10240x128xf32, #tpu.memory_space<vmem_shared>> -> memref<640x128xf32, #tpu.memory_space<vmem_shared>>
      tpu.wait_dma2 semaphore(%run_scoped3A : memref<!tpu.dma_semaphore, #tpu.memory_space<semaphore_mem>>) src(%dma_wait3A_100 : memref<640x128xf32, #tpu.memory_space<vmem_shared>>) dst(%dma_wait3A_98 : memref<640x128xf32, #tpu.memory_space<hbm>>)
      tpu.yield
    }) : () -> ()
    return
  }
}

#map = affine_map<(d0, d1) -> (0, 0)>
#map1 = affine_map<(d0, d1) -> (0, 0, 0)>
module attributes {stable_mosaic.version = 14 : i64} {
  func.func @_scat_body(%arg0: i32, %arg1: i32, %arg2: memref<10000x128xf32, #tpu.memory_space<hbm>>, %arg3: memref<2560x125xi32, #tpu.memory_space<hbm>>, %arg4: memref<2560x125xi32, #tpu.memory_space<hbm>>, %arg5: memref<640x128xf32, #tpu.memory_space<hbm>>, %arg6: memref<2x10240x128xf32, #tpu.memory_space<hbm>>, %arg7: memref<40x125xi32, #tpu.memory_space<vmem>>, %arg8: memref<40x125xi32, #tpu.memory_space<vmem>>, %arg9: memref<125x128xf32, #tpu.memory_space<vmem>>, %arg10: memref<125x128xf32, #tpu.memory_space<vmem>>, %arg11: memref<!tpu.dma_semaphore, #tpu.memory_space<semaphore_mem>>, %arg12: memref<!tpu.dma_semaphore, #tpu.memory_space<semaphore_mem>>, %arg13: memref<!tpu.dma_semaphore, #tpu.memory_space<semaphore_mem>>, %arg14: memref<!tpu.dma_semaphore, #tpu.memory_space<semaphore_mem>>, %arg15: memref<10240x128xf32, #tpu.memory_space<vmem_shared>>) attributes {dimension_semantics = [#tpu.dimension_semantics<core_parallel>, #tpu.dimension_semantics<subcore_parallel>], iteration_bounds = array<i64: 2, 16>, scalar_prefetch = 0 : i64, scratch_operands = 9 : i64, tpu.core_type = #tpu.core_type<sc_vector_subcore>, window_params = [{transform_indices = #map}, {transform_indices = #map}, {transform_indices = #map}, {transform_indices = #map}, {transform_indices = #map1}]} {
    %mul3A = arith.constant 16 : i32
    %mul3A_0 = arith.muli %arg0, %mul3A : i32
    %add3A = arith.addi %mul3A_0, %arg1 : i32
    %mul3A_1 = arith.constant 640 : i32
    %mul3A_2 = arith.muli %arg1, %mul3A_1 : i32
    "tpu.region"() ({
      %run_scoped3A = tpu.sem_alloc : memref<!tpu.dma_semaphore, #tpu.memory_space<semaphore_mem>>
      %dma_start3A_91 = arith.constant 0 : i32
      %dma_start3A_92 = tpu.memref_slice %arg15[%mul3A_2, %dma_start3A_91] : memref<10240x128xf32, #tpu.memory_space<vmem_shared>> -> memref<640x128xf32, #tpu.memory_space<vmem_shared>>
      tpu.enqueue_dma source(%arg5 : memref<640x128xf32, #tpu.memory_space<hbm>>) target(%dma_start3A_92 : memref<640x128xf32, #tpu.memory_space<vmem_shared>>) target_semaphore(%run_scoped3A : memref<!tpu.dma_semaphore, #tpu.memory_space<semaphore_mem>>)
      %dma_wait3A_93 = arith.constant 0 : i32
      %dma_wait3A_94 = tpu.memref_slice %arg15[%mul3A_2, %dma_wait3A_93] : memref<10240x128xf32, #tpu.memory_space<vmem_shared>> -> memref<640x128xf32, #tpu.memory_space<vmem_shared>>
      tpu.wait_dma2 semaphore(%run_scoped3A : memref<!tpu.dma_semaphore, #tpu.memory_space<semaphore_mem>>) src(%arg5 : memref<640x128xf32, #tpu.memory_space<hbm>>) dst(%dma_wait3A_94 : memref<640x128xf32, #tpu.memory_space<vmem_shared>>)
      tpu.yield
    }) : () -> ()
    %barrier3A = arith.constant 0 : index
    tpu.barrier barrier_id(%barrier3A)
    %mul3A_3 = arith.constant 80 : i32
    %mul3A_4 = arith.muli %add3A, %mul3A_3 : i32
    %add3A_5 = arith.constant 0 : i32
    %add3A_6 = arith.addi %mul3A_4, %add3A_5 : i32
    "tpu.region"() ({
      %run_scoped3A = tpu.sem_alloc : memref<!tpu.dma_semaphore, #tpu.memory_space<semaphore_mem>>
      %dma_start3A_91 = arith.constant 0 : i32
      %dma_start3A_92 = tpu.memref_slice %arg3[%add3A_6, %dma_start3A_91] : memref<2560x125xi32, #tpu.memory_space<hbm>> -> memref<40x125xi32, #tpu.memory_space<hbm>>
      %dma_start3A_93 = arith.constant 0 : i32
      %dma_start3A_94 = tpu.memref_slice %arg3[%add3A_6, %dma_start3A_93] : memref<2560x125xi32, #tpu.memory_space<hbm>> -> memref<40x125xi32, #tpu.memory_space<hbm>>
      tpu.enqueue_dma source(%dma_start3A_94 : memref<40x125xi32, #tpu.memory_space<hbm>>) target(%arg7 : memref<40x125xi32, #tpu.memory_space<vmem>>) target_semaphore(%run_scoped3A : memref<!tpu.dma_semaphore, #tpu.memory_space<semaphore_mem>>)
      %dma_wait3A_95 = arith.constant 0 : i32
      %dma_wait3A_96 = tpu.memref_slice %arg3[%add3A_6, %dma_wait3A_95] : memref<2560x125xi32, #tpu.memory_space<hbm>> -> memref<40x125xi32, #tpu.memory_space<hbm>>
      %dma_wait3A_97 = arith.constant 0 : i32
      %dma_wait3A_98 = tpu.memref_slice %arg3[%add3A_6, %dma_wait3A_97] : memref<2560x125xi32, #tpu.memory_space<hbm>> -> memref<40x125xi32, #tpu.memory_space<hbm>>
      tpu.wait_dma2 semaphore(%run_scoped3A : memref<!tpu.dma_semaphore, #tpu.memory_space<semaphore_mem>>) src(%dma_wait3A_98 : memref<40x125xi32, #tpu.memory_space<hbm>>) dst(%arg7 : memref<40x125xi32, #tpu.memory_space<vmem>>)
      tpu.yield
    }) : () -> ()
    %mul3A_7 = arith.constant 80 : i32
    %mul3A_8 = arith.muli %add3A, %mul3A_7 : i32
    %add3A_9 = arith.constant 0 : i32
    %add3A_10 = arith.addi %mul3A_8, %add3A_9 : i32
    "tpu.region"() ({
      %run_scoped3A = tpu.sem_alloc : memref<!tpu.dma_semaphore, #tpu.memory_space<semaphore_mem>>
      %dma_start3A_91 = arith.constant 0 : i32
      %dma_start3A_92 = tpu.memref_slice %arg4[%add3A_10, %dma_start3A_91] : memref<2560x125xi32, #tpu.memory_space<hbm>> -> memref<40x125xi32, #tpu.memory_space<hbm>>
      %dma_start3A_93 = arith.constant 0 : i32
      %dma_start3A_94 = tpu.memref_slice %arg4[%add3A_10, %dma_start3A_93] : memref<2560x125xi32, #tpu.memory_space<hbm>> -> memref<40x125xi32, #tpu.memory_space<hbm>>
      tpu.enqueue_dma source(%dma_start3A_94 : memref<40x125xi32, #tpu.memory_space<hbm>>) target(%arg8 : memref<40x125xi32, #tpu.memory_space<vmem>>) target_semaphore(%run_scoped3A : memref<!tpu.dma_semaphore, #tpu.memory_space<semaphore_mem>>)
      %dma_wait3A_95 = arith.constant 0 : i32
      %dma_wait3A_96 = tpu.memref_slice %arg4[%add3A_10, %dma_wait3A_95] : memref<2560x125xi32, #tpu.memory_space<hbm>> -> memref<40x125xi32, #tpu.memory_space<hbm>>
      %dma_wait3A_97 = arith.constant 0 : i32
      %dma_wait3A_98 = tpu.memref_slice %arg4[%add3A_10, %dma_wait3A_97] : memref<2560x125xi32, #tpu.memory_space<hbm>> -> memref<40x125xi32, #tpu.memory_space<hbm>>
      tpu.wait_dma2 semaphore(%run_scoped3A : memref<!tpu.dma_semaphore, #tpu.memory_space<semaphore_mem>>) src(%dma_wait3A_98 : memref<40x125xi32, #tpu.memory_space<hbm>>) dst(%arg8 : memref<40x125xi32, #tpu.memory_space<vmem>>)
      tpu.yield
    }) : () -> ()
    %dma_start3A = arith.constant 0 : i32
    %dma_start3A_11 = arith.constant 0 : i32
    %dma_start3A_12 = tpu.memref_slice %arg7[%dma_start3A, %dma_start3A_11] : memref<40x125xi32, #tpu.memory_space<vmem>> -> memref<1x125xi32, #tpu.memory_space<vmem>>
    %dma_start3A_13 = tpu.memref_squeeze %dma_start3A_12 : memref<1x125xi32, #tpu.memory_space<vmem>> -> memref<125xi32, #tpu.memory_space<vmem>>
    %dma_start3A_14 = arith.constant 0 : i32
    %dma_start3A_15 = arith.constant 0 : i32
    %dma_start3A_16 = tpu.memref_slice %arg2[%dma_start3A_14, %dma_start3A_15] : memref<10000x128xf32, #tpu.memory_space<hbm>> -> memref<10000x128xf32, #tpu.memory_space<hbm>>
    tpu.enqueue_indirect_dma source(%dma_start3A_16 : memref<10000x128xf32, #tpu.memory_space<hbm>>) target(%arg9 : memref<125x128xf32, #tpu.memory_space<vmem>>) offsets(%dma_start3A_13 : memref<125xi32, #tpu.memory_space<vmem>>) semaphore(%arg11 : memref<!tpu.dma_semaphore, #tpu.memory_space<semaphore_mem>>)
    %dma_start3A_17 = arith.constant 1 : i32
    %dma_start3A_18 = arith.constant 0 : i32
    %dma_start3A_19 = tpu.memref_slice %arg7[%dma_start3A_17, %dma_start3A_18] : memref<40x125xi32, #tpu.memory_space<vmem>> -> memref<1x125xi32, #tpu.memory_space<vmem>>
    %dma_start3A_20 = tpu.memref_squeeze %dma_start3A_19 : memref<1x125xi32, #tpu.memory_space<vmem>> -> memref<125xi32, #tpu.memory_space<vmem>>
    %dma_start3A_21 = arith.constant 0 : i32
    %dma_start3A_22 = arith.constant 0 : i32
    %dma_start3A_23 = tpu.memref_slice %arg2[%dma_start3A_21, %dma_start3A_22] : memref<10000x128xf32, #tpu.memory_space<hbm>> -> memref<10000x128xf32, #tpu.memory_space<hbm>>
    tpu.enqueue_indirect_dma source(%dma_start3A_23 : memref<10000x128xf32, #tpu.memory_space<hbm>>) target(%arg10 : memref<125x128xf32, #tpu.memory_space<vmem>>) offsets(%dma_start3A_20 : memref<125xi32, #tpu.memory_space<vmem>>) semaphore(%arg12 : memref<!tpu.dma_semaphore, #tpu.memory_space<semaphore_mem>>)
    %scan3A = arith.constant 0 : i32
    %scan3A_24 = arith.constant 0 : i32
    %scan3A_25 = arith.constant 20 : i32
    %scan3A_26 = arith.addi %scan3A_24, %scan3A_25 : i32
    %scan3A_27 = arith.constant 1 : i32
    %scan3A_28 = scf.for %scan3A_91 = %scan3A_24 to %scan3A_26 step %scan3A_27 iter_args(%scan3A_92 = %scan3A) -> (i32)  : i32 {
      %mul3A_93 = arith.constant 2 : i32
      %mul3A_94 = arith.muli %scan3A_91, %mul3A_93 : i32
      %add3A_95 = arith.constant 0 : i32
      %add3A_96 = arith.addi %mul3A_94, %add3A_95 : i32
      %dma_wait3A_97 = arith.constant 0 : i32
      %dma_wait3A_98 = tpu.memref_slice %arg7[%add3A_96, %dma_wait3A_97] : memref<40x125xi32, #tpu.memory_space<vmem>> -> memref<1x125xi32, #tpu.memory_space<vmem>>
      %dma_wait3A_99 = tpu.memref_squeeze %dma_wait3A_98 : memref<1x125xi32, #tpu.memory_space<vmem>> -> memref<125xi32, #tpu.memory_space<vmem>>
      %dma_wait3A_100 = arith.constant 0 : i32
      %dma_wait3A_101 = arith.constant 0 : i32
      %dma_wait3A_102 = tpu.memref_slice %arg2[%dma_wait3A_100, %dma_wait3A_101] : memref<10000x128xf32, #tpu.memory_space<hbm>> -> memref<10000x128xf32, #tpu.memory_space<hbm>>
      tpu.wait_indirect_dma semaphore(%arg11 : memref<!tpu.dma_semaphore, #tpu.memory_space<semaphore_mem>>) src(%dma_wait3A_102 : memref<10000x128xf32, #tpu.memory_space<hbm>>) dst(%arg9 : memref<125x128xf32, #tpu.memory_space<vmem>>)
      %dma_start3A_103 = arith.constant 0 : i32
      %dma_start3A_104 = tpu.memref_slice %arg8[%add3A_96, %dma_start3A_103] : memref<40x125xi32, #tpu.memory_space<vmem>> -> memref<1x125xi32, #tpu.memory_space<vmem>>
      %dma_start3A_105 = tpu.memref_squeeze %dma_start3A_104 : memref<1x125xi32, #tpu.memory_space<vmem>> -> memref<125xi32, #tpu.memory_space<vmem>>
      %dma_start3A_106 = arith.constant 0 : i32
      %dma_start3A_107 = arith.constant 0 : i32
      %dma_start3A_108 = tpu.memref_slice %arg15[%dma_start3A_106, %dma_start3A_107] : memref<10240x128xf32, #tpu.memory_space<vmem_shared>> -> memref<10240x128xf32, #tpu.memory_space<vmem_shared>>
      tpu.enqueue_indirect_dma source(%arg9 : memref<125x128xf32, #tpu.memory_space<vmem>>) target(%dma_start3A_108 : memref<10240x128xf32, #tpu.memory_space<vmem_shared>>) offsets(%dma_start3A_105 : memref<125xi32, #tpu.memory_space<vmem>>) semaphore(%arg13 : memref<!tpu.dma_semaphore, #tpu.memory_space<semaphore_mem>>) {add = true}
      %add3A_109 = arith.constant 1 : i32
      %add3A_110 = arith.addi %mul3A_94, %add3A_109 : i32
      %dma_wait3A_111 = arith.constant 0 : i32
      %dma_wait3A_112 = tpu.memref_slice %arg7[%add3A_110, %dma_wait3A_111] : memref<40x125xi32, #tpu.memory_space<vmem>> -> memref<1x125xi32, #tpu.memory_space<vmem>>
      %dma_wait3A_113 = tpu.memref_squeeze %dma_wait3A_112 : memref<1x125xi32, #tpu.memory_space<vmem>> -> memref<125xi32, #tpu.memory_space<vmem>>
      %dma_wait3A_114 = arith.constant 0 : i32
      %dma_wait3A_115 = arith.constant 0 : i32
      %dma_wait3A_116 = tpu.memref_slice %arg2[%dma_wait3A_114, %dma_wait3A_115] : memref<10000x128xf32, #tpu.memory_space<hbm>> -> memref<10000x128xf32, #tpu.memory_space<hbm>>
      tpu.wait_indirect_dma semaphore(%arg12 : memref<!tpu.dma_semaphore, #tpu.memory_space<semaphore_mem>>) src(%dma_wait3A_116 : memref<10000x128xf32, #tpu.memory_space<hbm>>) dst(%arg10 : memref<125x128xf32, #tpu.memory_space<vmem>>)
      %dma_start3A_117 = arith.constant 0 : i32
      %dma_start3A_118 = tpu.memref_slice %arg8[%add3A_110, %dma_start3A_117] : memref<40x125xi32, #tpu.memory_space<vmem>> -> memref<1x125xi32, #tpu.memory_space<vmem>>
      %dma_start3A_119 = tpu.memref_squeeze %dma_start3A_118 : memref<1x125xi32, #tpu.memory_space<vmem>> -> memref<125xi32, #tpu.memory_space<vmem>>
      %dma_start3A_120 = arith.constant 0 : i32
      %dma_start3A_121 = arith.constant 0 : i32
      %dma_start3A_122 = tpu.memref_slice %arg15[%dma_start3A_120, %dma_start3A_121] : memref<10240x128xf32, #tpu.memory_space<vmem_shared>> -> memref<10240x128xf32, #tpu.memory_space<vmem_shared>>
      tpu.enqueue_indirect_dma source(%arg10 : memref<125x128xf32, #tpu.memory_space<vmem>>) target(%dma_start3A_122 : memref<10240x128xf32, #tpu.memory_space<vmem_shared>>) offsets(%dma_start3A_119 : memref<125xi32, #tpu.memory_space<vmem>>) semaphore(%arg14 : memref<!tpu.dma_semaphore, #tpu.memory_space<semaphore_mem>>) {add = true}
      %add3A_123 = arith.constant 0 : i32
      %add3A_124 = arith.addi %mul3A_94, %add3A_123 : i32
      %add3A_125 = arith.constant 2 : i32
      %add3A_126 = arith.addi %add3A_124, %add3A_125 : i32
      %lt3A = arith.constant 40 : i32
      %lt3A_127 = arith.cmpi slt, %add3A_126, %lt3A : i32
      %convert_element_type3A = arith.extui %lt3A_127 : i1 to i32
      %cond3A = arith.constant 0 : i32
      %cond3A_128 = arith.cmpi ne, %convert_element_type3A, %cond3A : i32
      scf.if %cond3A_128 {
        %dma_wait3A_139 = arith.constant 0 : i32
        %dma_wait3A_140 = tpu.memref_slice %arg8[%add3A_124, %dma_wait3A_139] : memref<40x125xi32, #tpu.memory_space<vmem>> -> memref<1x125xi32, #tpu.memory_space<vmem>>
        %dma_wait3A_141 = tpu.memref_squeeze %dma_wait3A_140 : memref<1x125xi32, #tpu.memory_space<vmem>> -> memref<125xi32, #tpu.memory_space<vmem>>
        %dma_wait3A_142 = arith.constant 0 : i32
        %dma_wait3A_143 = arith.constant 0 : i32
        %dma_wait3A_144 = tpu.memref_slice %arg15[%dma_wait3A_142, %dma_wait3A_143] : memref<10240x128xf32, #tpu.memory_space<vmem_shared>> -> memref<10240x128xf32, #tpu.memory_space<vmem_shared>>
        tpu.wait_indirect_dma semaphore(%arg13 : memref<!tpu.dma_semaphore, #tpu.memory_space<semaphore_mem>>) src(%arg9 : memref<125x128xf32, #tpu.memory_space<vmem>>) dst(%dma_wait3A_144 : memref<10240x128xf32, #tpu.memory_space<vmem_shared>>)
        %add3A_145 = arith.constant 2 : i32
        %add3A_146 = arith.addi %add3A_124, %add3A_145 : i32
        %dma_start3A_147 = arith.constant 0 : i32
        %dma_start3A_148 = tpu.memref_slice %arg7[%add3A_146, %dma_start3A_147] : memref<40x125xi32, #tpu.memory_space<vmem>> -> memref<1x125xi32, #tpu.memory_space<vmem>>
        %dma_start3A_149 = tpu.memref_squeeze %dma_start3A_148 : memref<1x125xi32, #tpu.memory_space<vmem>> -> memref<125xi32, #tpu.memory_space<vmem>>
        %dma_start3A_150 = arith.constant 0 : i32
        %dma_start3A_151 = arith.constant 0 : i32
        %dma_start3A_152 = tpu.memref_slice %arg2[%dma_start3A_150, %dma_start3A_151] : memref<10000x128xf32, #tpu.memory_space<hbm>> -> memref<10000x128xf32, #tpu.memory_space<hbm>>
        tpu.enqueue_indirect_dma source(%dma_start3A_152 : memref<10000x128xf32, #tpu.memory_space<hbm>>) target(%arg9 : memref<125x128xf32, #tpu.memory_space<vmem>>) offsets(%dma_start3A_149 : memref<125xi32, #tpu.memory_space<vmem>>) semaphore(%arg11 : memref<!tpu.dma_semaphore, #tpu.memory_space<semaphore_mem>>)
      } else {
      }
      %add3A_129 = arith.constant 1 : i32
      %add3A_130 = arith.addi %mul3A_94, %add3A_129 : i32
      %add3A_131 = arith.constant 2 : i32
      %add3A_132 = arith.addi %add3A_130, %add3A_131 : i32
      %lt3A_133 = arith.constant 40 : i32
      %lt3A_134 = arith.cmpi slt, %add3A_132, %lt3A_133 : i32
      %convert_element_type3A_135 = arith.extui %lt3A_134 : i1 to i32
      %cond3A_136 = arith.constant 0 : i32
      %cond3A_137 = arith.cmpi ne, %convert_element_type3A_135, %cond3A_136 : i32
      scf.if %cond3A_137 {
        %dma_wait3A_139 = arith.constant 0 : i32
        %dma_wait3A_140 = tpu.memref_slice %arg8[%add3A_130, %dma_wait3A_139] : memref<40x125xi32, #tpu.memory_space<vmem>> -> memref<1x125xi32, #tpu.memory_space<vmem>>
        %dma_wait3A_141 = tpu.memref_squeeze %dma_wait3A_140 : memref<1x125xi32, #tpu.memory_space<vmem>> -> memref<125xi32, #tpu.memory_space<vmem>>
        %dma_wait3A_142 = arith.constant 0 : i32
        %dma_wait3A_143 = arith.constant 0 : i32
        %dma_wait3A_144 = tpu.memref_slice %arg15[%dma_wait3A_142, %dma_wait3A_143] : memref<10240x128xf32, #tpu.memory_space<vmem_shared>> -> memref<10240x128xf32, #tpu.memory_space<vmem_shared>>
        tpu.wait_indirect_dma semaphore(%arg14 : memref<!tpu.dma_semaphore, #tpu.memory_space<semaphore_mem>>) src(%arg10 : memref<125x128xf32, #tpu.memory_space<vmem>>) dst(%dma_wait3A_144 : memref<10240x128xf32, #tpu.memory_space<vmem_shared>>)
        %add3A_145 = arith.constant 2 : i32
        %add3A_146 = arith.addi %add3A_130, %add3A_145 : i32
        %dma_start3A_147 = arith.constant 0 : i32
        %dma_start3A_148 = tpu.memref_slice %arg7[%add3A_146, %dma_start3A_147] : memref<40x125xi32, #tpu.memory_space<vmem>> -> memref<1x125xi32, #tpu.memory_space<vmem>>
        %dma_start3A_149 = tpu.memref_squeeze %dma_start3A_148 : memref<1x125xi32, #tpu.memory_space<vmem>> -> memref<125xi32, #tpu.memory_space<vmem>>
        %dma_start3A_150 = arith.constant 0 : i32
        %dma_start3A_151 = arith.constant 0 : i32
        %dma_start3A_152 = tpu.memref_slice %arg2[%dma_start3A_150, %dma_start3A_151] : memref<10000x128xf32, #tpu.memory_space<hbm>> -> memref<10000x128xf32, #tpu.memory_space<hbm>>
        tpu.enqueue_indirect_dma source(%dma_start3A_152 : memref<10000x128xf32, #tpu.memory_space<hbm>>) target(%arg10 : memref<125x128xf32, #tpu.memory_space<vmem>>) offsets(%dma_start3A_149 : memref<125xi32, #tpu.memory_space<vmem>>) semaphore(%arg12 : memref<!tpu.dma_semaphore, #tpu.memory_space<semaphore_mem>>)
      } else {
      }
      %scan3A_138 = arith.constant 0 : i32
      scf.yield %scan3A_138 : i32
    }
    %scan3A_29 = arith.constant 20 : i32
    %dma_wait3A = arith.constant 38 : i32
    %dma_wait3A_30 = arith.constant 0 : i32
    %dma_wait3A_31 = tpu.memref_slice %arg8[%dma_wait3A, %dma_wait3A_30] : memref<40x125xi32, #tpu.memory_space<vmem>> -> memref<1x125xi32, #tpu.memory_space<vmem>>
    %dma_wait3A_32 = tpu.memref_squeeze %dma_wait3A_31 : memref<1x125xi32, #tpu.memory_space<vmem>> -> memref<125xi32, #tpu.memory_space<vmem>>
    %dma_wait3A_33 = arith.constant 0 : i32
    %dma_wait3A_34 = arith.constant 0 : i32
    %dma_wait3A_35 = tpu.memref_slice %arg15[%dma_wait3A_33, %dma_wait3A_34] : memref<10240x128xf32, #tpu.memory_space<vmem_shared>> -> memref<10240x128xf32, #tpu.memory_space<vmem_shared>>
    tpu.wait_indirect_dma semaphore(%arg13 : memref<!tpu.dma_semaphore, #tpu.memory_space<semaphore_mem>>) src(%arg9 : memref<125x128xf32, #tpu.memory_space<vmem>>) dst(%dma_wait3A_35 : memref<10240x128xf32, #tpu.memory_space<vmem_shared>>)
    %dma_wait3A_36 = arith.constant 39 : i32
    %dma_wait3A_37 = arith.constant 0 : i32
    %dma_wait3A_38 = tpu.memref_slice %arg8[%dma_wait3A_36, %dma_wait3A_37] : memref<40x125xi32, #tpu.memory_space<vmem>> -> memref<1x125xi32, #tpu.memory_space<vmem>>
    %dma_wait3A_39 = tpu.memref_squeeze %dma_wait3A_38 : memref<1x125xi32, #tpu.memory_space<vmem>> -> memref<125xi32, #tpu.memory_space<vmem>>
    %dma_wait3A_40 = arith.constant 0 : i32
    %dma_wait3A_41 = arith.constant 0 : i32
    %dma_wait3A_42 = tpu.memref_slice %arg15[%dma_wait3A_40, %dma_wait3A_41] : memref<10240x128xf32, #tpu.memory_space<vmem_shared>> -> memref<10240x128xf32, #tpu.memory_space<vmem_shared>>
    tpu.wait_indirect_dma semaphore(%arg14 : memref<!tpu.dma_semaphore, #tpu.memory_space<semaphore_mem>>) src(%arg10 : memref<125x128xf32, #tpu.memory_space<vmem>>) dst(%dma_wait3A_42 : memref<10240x128xf32, #tpu.memory_space<vmem_shared>>)
    %mul3A_43 = arith.constant 80 : i32
    %mul3A_44 = arith.muli %add3A, %mul3A_43 : i32
    %add3A_45 = arith.constant 40 : i32
    %add3A_46 = arith.addi %mul3A_44, %add3A_45 : i32
    "tpu.region"() ({
      %run_scoped3A = tpu.sem_alloc : memref<!tpu.dma_semaphore, #tpu.memory_space<semaphore_mem>>
      %dma_start3A_91 = arith.constant 0 : i32
      %dma_start3A_92 = tpu.memref_slice %arg3[%add3A_46, %dma_start3A_91] : memref<2560x125xi32, #tpu.memory_space<hbm>> -> memref<40x125xi32, #tpu.memory_space<hbm>>
      %dma_start3A_93 = arith.constant 0 : i32
      %dma_start3A_94 = tpu.memref_slice %arg3[%add3A_46, %dma_start3A_93] : memref<2560x125xi32, #tpu.memory_space<hbm>> -> memref<40x125xi32, #tpu.memory_space<hbm>>
      tpu.enqueue_dma source(%dma_start3A_94 : memref<40x125xi32, #tpu.memory_space<hbm>>) target(%arg7 : memref<40x125xi32, #tpu.memory_space<vmem>>) target_semaphore(%run_scoped3A : memref<!tpu.dma_semaphore, #tpu.memory_space<semaphore_mem>>)
      %dma_wait3A_95 = arith.constant 0 : i32
      %dma_wait3A_96 = tpu.memref_slice %arg3[%add3A_46, %dma_wait3A_95] : memref<2560x125xi32, #tpu.memory_space<hbm>> -> memref<40x125xi32, #tpu.memory_space<hbm>>
      %dma_wait3A_97 = arith.constant 0 : i32
      %dma_wait3A_98 = tpu.memref_slice %arg3[%add3A_46, %dma_wait3A_97] : memref<2560x125xi32, #tpu.memory_space<hbm>> -> memref<40x125xi32, #tpu.memory_space<hbm>>
      tpu.wait_dma2 semaphore(%run_scoped3A : memref<!tpu.dma_semaphore, #tpu.memory_space<semaphore_mem>>) src(%dma_wait3A_98 : memref<40x125xi32, #tpu.memory_space<hbm>>) dst(%arg7 : memref<40x125xi32, #tpu.memory_space<vmem>>)
      tpu.yield
    }) : () -> ()
    %mul3A_47 = arith.constant 80 : i32
    %mul3A_48 = arith.muli %add3A, %mul3A_47 : i32
    %add3A_49 = arith.constant 40 : i32
    %add3A_50 = arith.addi %mul3A_48, %add3A_49 : i32
    "tpu.region"() ({
      %run_scoped3A = tpu.sem_alloc : memref<!tpu.dma_semaphore, #tpu.memory_space<semaphore_mem>>
      %dma_start3A_91 = arith.constant 0 : i32
      %dma_start3A_92 = tpu.memref_slice %arg4[%add3A_50, %dma_start3A_91] : memref<2560x125xi32, #tpu.memory_space<hbm>> -> memref<40x125xi32, #tpu.memory_space<hbm>>
      %dma_start3A_93 = arith.constant 0 : i32
      %dma_start3A_94 = tpu.memref_slice %arg4[%add3A_50, %dma_start3A_93] : memref<2560x125xi32, #tpu.memory_space<hbm>> -> memref<40x125xi32, #tpu.memory_space<hbm>>
      tpu.enqueue_dma source(%dma_start3A_94 : memref<40x125xi32, #tpu.memory_space<hbm>>) target(%arg8 : memref<40x125xi32, #tpu.memory_space<vmem>>) target_semaphore(%run_scoped3A : memref<!tpu.dma_semaphore, #tpu.memory_space<semaphore_mem>>)
      %dma_wait3A_95 = arith.constant 0 : i32
      %dma_wait3A_96 = tpu.memref_slice %arg4[%add3A_50, %dma_wait3A_95] : memref<2560x125xi32, #tpu.memory_space<hbm>> -> memref<40x125xi32, #tpu.memory_space<hbm>>
      %dma_wait3A_97 = arith.constant 0 : i32
      %dma_wait3A_98 = tpu.memref_slice %arg4[%add3A_50, %dma_wait3A_97] : memref<2560x125xi32, #tpu.memory_space<hbm>> -> memref<40x125xi32, #tpu.memory_space<hbm>>
      tpu.wait_dma2 semaphore(%run_scoped3A : memref<!tpu.dma_semaphore, #tpu.memory_space<semaphore_mem>>) src(%dma_wait3A_98 : memref<40x125xi32, #tpu.memory_space<hbm>>) dst(%arg8 : memref<40x125xi32, #tpu.memory_space<vmem>>)
      tpu.yield
    }) : () -> ()
    %dma_start3A_51 = arith.constant 0 : i32
    %dma_start3A_52 = arith.constant 0 : i32
    %dma_start3A_53 = tpu.memref_slice %arg7[%dma_start3A_51, %dma_start3A_52] : memref<40x125xi32, #tpu.memory_space<vmem>> -> memref<1x125xi32, #tpu.memory_space<vmem>>
    %dma_start3A_54 = tpu.memref_squeeze %dma_start3A_53 : memref<1x125xi32, #tpu.memory_space<vmem>> -> memref<125xi32, #tpu.memory_space<vmem>>
    %dma_start3A_55 = arith.constant 0 : i32
    %dma_start3A_56 = arith.constant 0 : i32
    %dma_start3A_57 = tpu.memref_slice %arg2[%dma_start3A_55, %dma_start3A_56] : memref<10000x128xf32, #tpu.memory_space<hbm>> -> memref<10000x128xf32, #tpu.memory_space<hbm>>
    tpu.enqueue_indirect_dma source(%dma_start3A_57 : memref<10000x128xf32, #tpu.memory_space<hbm>>) target(%arg9 : memref<125x128xf32, #tpu.memory_space<vmem>>) offsets(%dma_start3A_54 : memref<125xi32, #tpu.memory_space<vmem>>) semaphore(%arg11 : memref<!tpu.dma_semaphore, #tpu.memory_space<semaphore_mem>>)
    %dma_start3A_58 = arith.constant 1 : i32
    %dma_start3A_59 = arith.constant 0 : i32
    %dma_start3A_60 = tpu.memref_slice %arg7[%dma_start3A_58, %dma_start3A_59] : memref<40x125xi32, #tpu.memory_space<vmem>> -> memref<1x125xi32, #tpu.memory_space<vmem>>
    %dma_start3A_61 = tpu.memref_squeeze %dma_start3A_60 : memref<1x125xi32, #tpu.memory_space<vmem>> -> memref<125xi32, #tpu.memory_space<vmem>>
    %dma_start3A_62 = arith.constant 0 : i32
    %dma_start3A_63 = arith.constant 0 : i32
    %dma_start3A_64 = tpu.memref_slice %arg2[%dma_start3A_62, %dma_start3A_63] : memref<10000x128xf32, #tpu.memory_space<hbm>> -> memref<10000x128xf32, #tpu.memory_space<hbm>>
    tpu.enqueue_indirect_dma source(%dma_start3A_64 : memref<10000x128xf32, #tpu.memory_space<hbm>>) target(%arg10 : memref<125x128xf32, #tpu.memory_space<vmem>>) offsets(%dma_start3A_61 : memref<125xi32, #tpu.memory_space<vmem>>) semaphore(%arg12 : memref<!tpu.dma_semaphore, #tpu.memory_space<semaphore_mem>>)
    %scan3A_65 = arith.constant 0 : i32
    %scan3A_66 = arith.constant 0 : i32
    %scan3A_67 = arith.constant 20 : i32
    %scan3A_68 = arith.addi %scan3A_66, %scan3A_67 : i32
    %scan3A_69 = arith.constant 1 : i32
    %scan3A_70 = scf.for %scan3A_91 = %scan3A_66 to %scan3A_68 step %scan3A_69 iter_args(%scan3A_92 = %scan3A_65) -> (i32)  : i32 {
      %mul3A_93 = arith.constant 2 : i32
      %mul3A_94 = arith.muli %scan3A_91, %mul3A_93 : i32
      %add3A_95 = arith.constant 0 : i32
      %add3A_96 = arith.addi %mul3A_94, %add3A_95 : i32
      %dma_wait3A_97 = arith.constant 0 : i32
      %dma_wait3A_98 = tpu.memref_slice %arg7[%add3A_96, %dma_wait3A_97] : memref<40x125xi32, #tpu.memory_space<vmem>> -> memref<1x125xi32, #tpu.memory_space<vmem>>
      %dma_wait3A_99 = tpu.memref_squeeze %dma_wait3A_98 : memref<1x125xi32, #tpu.memory_space<vmem>> -> memref<125xi32, #tpu.memory_space<vmem>>
      %dma_wait3A_100 = arith.constant 0 : i32
      %dma_wait3A_101 = arith.constant 0 : i32
      %dma_wait3A_102 = tpu.memref_slice %arg2[%dma_wait3A_100, %dma_wait3A_101] : memref<10000x128xf32, #tpu.memory_space<hbm>> -> memref<10000x128xf32, #tpu.memory_space<hbm>>
      tpu.wait_indirect_dma semaphore(%arg11 : memref<!tpu.dma_semaphore, #tpu.memory_space<semaphore_mem>>) src(%dma_wait3A_102 : memref<10000x128xf32, #tpu.memory_space<hbm>>) dst(%arg9 : memref<125x128xf32, #tpu.memory_space<vmem>>)
      %dma_start3A_103 = arith.constant 0 : i32
      %dma_start3A_104 = tpu.memref_slice %arg8[%add3A_96, %dma_start3A_103] : memref<40x125xi32, #tpu.memory_space<vmem>> -> memref<1x125xi32, #tpu.memory_space<vmem>>
      %dma_start3A_105 = tpu.memref_squeeze %dma_start3A_104 : memref<1x125xi32, #tpu.memory_space<vmem>> -> memref<125xi32, #tpu.memory_space<vmem>>
      %dma_start3A_106 = arith.constant 0 : i32
      %dma_start3A_107 = arith.constant 0 : i32
      %dma_start3A_108 = tpu.memref_slice %arg15[%dma_start3A_106, %dma_start3A_107] : memref<10240x128xf32, #tpu.memory_space<vmem_shared>> -> memref<10240x128xf32, #tpu.memory_space<vmem_shared>>
      tpu.enqueue_indirect_dma source(%arg9 : memref<125x128xf32, #tpu.memory_space<vmem>>) target(%dma_start3A_108 : memref<10240x128xf32, #tpu.memory_space<vmem_shared>>) offsets(%dma_start3A_105 : memref<125xi32, #tpu.memory_space<vmem>>) semaphore(%arg13 : memref<!tpu.dma_semaphore, #tpu.memory_space<semaphore_mem>>) {add = true}
      %add3A_109 = arith.constant 1 : i32
      %add3A_110 = arith.addi %mul3A_94, %add3A_109 : i32
      %dma_wait3A_111 = arith.constant 0 : i32
      %dma_wait3A_112 = tpu.memref_slice %arg7[%add3A_110, %dma_wait3A_111] : memref<40x125xi32, #tpu.memory_space<vmem>> -> memref<1x125xi32, #tpu.memory_space<vmem>>
      %dma_wait3A_113 = tpu.memref_squeeze %dma_wait3A_112 : memref<1x125xi32, #tpu.memory_space<vmem>> -> memref<125xi32, #tpu.memory_space<vmem>>
      %dma_wait3A_114 = arith.constant 0 : i32
      %dma_wait3A_115 = arith.constant 0 : i32
      %dma_wait3A_116 = tpu.memref_slice %arg2[%dma_wait3A_114, %dma_wait3A_115] : memref<10000x128xf32, #tpu.memory_space<hbm>> -> memref<10000x128xf32, #tpu.memory_space<hbm>>
      tpu.wait_indirect_dma semaphore(%arg12 : memref<!tpu.dma_semaphore, #tpu.memory_space<semaphore_mem>>) src(%dma_wait3A_116 : memref<10000x128xf32, #tpu.memory_space<hbm>>) dst(%arg10 : memref<125x128xf32, #tpu.memory_space<vmem>>)
      %dma_start3A_117 = arith.constant 0 : i32
      %dma_start3A_118 = tpu.memref_slice %arg8[%add3A_110, %dma_start3A_117] : memref<40x125xi32, #tpu.memory_space<vmem>> -> memref<1x125xi32, #tpu.memory_space<vmem>>
      %dma_start3A_119 = tpu.memref_squeeze %dma_start3A_118 : memref<1x125xi32, #tpu.memory_space<vmem>> -> memref<125xi32, #tpu.memory_space<vmem>>
      %dma_start3A_120 = arith.constant 0 : i32
      %dma_start3A_121 = arith.constant 0 : i32
      %dma_start3A_122 = tpu.memref_slice %arg15[%dma_start3A_120, %dma_start3A_121] : memref<10240x128xf32, #tpu.memory_space<vmem_shared>> -> memref<10240x128xf32, #tpu.memory_space<vmem_shared>>
      tpu.enqueue_indirect_dma source(%arg10 : memref<125x128xf32, #tpu.memory_space<vmem>>) target(%dma_start3A_122 : memref<10240x128xf32, #tpu.memory_space<vmem_shared>>) offsets(%dma_start3A_119 : memref<125xi32, #tpu.memory_space<vmem>>) semaphore(%arg14 : memref<!tpu.dma_semaphore, #tpu.memory_space<semaphore_mem>>) {add = true}
      %add3A_123 = arith.constant 0 : i32
      %add3A_124 = arith.addi %mul3A_94, %add3A_123 : i32
      %add3A_125 = arith.constant 2 : i32
      %add3A_126 = arith.addi %add3A_124, %add3A_125 : i32
      %lt3A = arith.constant 40 : i32
      %lt3A_127 = arith.cmpi slt, %add3A_126, %lt3A : i32
      %convert_element_type3A = arith.extui %lt3A_127 : i1 to i32
      %cond3A = arith.constant 0 : i32
      %cond3A_128 = arith.cmpi ne, %convert_element_type3A, %cond3A : i32
      scf.if %cond3A_128 {
        %dma_wait3A_139 = arith.constant 0 : i32
        %dma_wait3A_140 = tpu.memref_slice %arg8[%add3A_124, %dma_wait3A_139] : memref<40x125xi32, #tpu.memory_space<vmem>> -> memref<1x125xi32, #tpu.memory_space<vmem>>
        %dma_wait3A_141 = tpu.memref_squeeze %dma_wait3A_140 : memref<1x125xi32, #tpu.memory_space<vmem>> -> memref<125xi32, #tpu.memory_space<vmem>>
        %dma_wait3A_142 = arith.constant 0 : i32
        %dma_wait3A_143 = arith.constant 0 : i32
        %dma_wait3A_144 = tpu.memref_slice %arg15[%dma_wait3A_142, %dma_wait3A_143] : memref<10240x128xf32, #tpu.memory_space<vmem_shared>> -> memref<10240x128xf32, #tpu.memory_space<vmem_shared>>
        tpu.wait_indirect_dma semaphore(%arg13 : memref<!tpu.dma_semaphore, #tpu.memory_space<semaphore_mem>>) src(%arg9 : memref<125x128xf32, #tpu.memory_space<vmem>>) dst(%dma_wait3A_144 : memref<10240x128xf32, #tpu.memory_space<vmem_shared>>)
        %add3A_145 = arith.constant 2 : i32
        %add3A_146 = arith.addi %add3A_124, %add3A_145 : i32
        %dma_start3A_147 = arith.constant 0 : i32
        %dma_start3A_148 = tpu.memref_slice %arg7[%add3A_146, %dma_start3A_147] : memref<40x125xi32, #tpu.memory_space<vmem>> -> memref<1x125xi32, #tpu.memory_space<vmem>>
        %dma_start3A_149 = tpu.memref_squeeze %dma_start3A_148 : memref<1x125xi32, #tpu.memory_space<vmem>> -> memref<125xi32, #tpu.memory_space<vmem>>
        %dma_start3A_150 = arith.constant 0 : i32
        %dma_start3A_151 = arith.constant 0 : i32
        %dma_start3A_152 = tpu.memref_slice %arg2[%dma_start3A_150, %dma_start3A_151] : memref<10000x128xf32, #tpu.memory_space<hbm>> -> memref<10000x128xf32, #tpu.memory_space<hbm>>
        tpu.enqueue_indirect_dma source(%dma_start3A_152 : memref<10000x128xf32, #tpu.memory_space<hbm>>) target(%arg9 : memref<125x128xf32, #tpu.memory_space<vmem>>) offsets(%dma_start3A_149 : memref<125xi32, #tpu.memory_space<vmem>>) semaphore(%arg11 : memref<!tpu.dma_semaphore, #tpu.memory_space<semaphore_mem>>)
      } else {
      }
      %add3A_129 = arith.constant 1 : i32
      %add3A_130 = arith.addi %mul3A_94, %add3A_129 : i32
      %add3A_131 = arith.constant 2 : i32
      %add3A_132 = arith.addi %add3A_130, %add3A_131 : i32
      %lt3A_133 = arith.constant 40 : i32
      %lt3A_134 = arith.cmpi slt, %add3A_132, %lt3A_133 : i32
      %convert_element_type3A_135 = arith.extui %lt3A_134 : i1 to i32
      %cond3A_136 = arith.constant 0 : i32
      %cond3A_137 = arith.cmpi ne, %convert_element_type3A_135, %cond3A_136 : i32
      scf.if %cond3A_137 {
        %dma_wait3A_139 = arith.constant 0 : i32
        %dma_wait3A_140 = tpu.memref_slice %arg8[%add3A_130, %dma_wait3A_139] : memref<40x125xi32, #tpu.memory_space<vmem>> -> memref<1x125xi32, #tpu.memory_space<vmem>>
        %dma_wait3A_141 = tpu.memref_squeeze %dma_wait3A_140 : memref<1x125xi32, #tpu.memory_space<vmem>> -> memref<125xi32, #tpu.memory_space<vmem>>
        %dma_wait3A_142 = arith.constant 0 : i32
        %dma_wait3A_143 = arith.constant 0 : i32
        %dma_wait3A_144 = tpu.memref_slice %arg15[%dma_wait3A_142, %dma_wait3A_143] : memref<10240x128xf32, #tpu.memory_space<vmem_shared>> -> memref<10240x128xf32, #tpu.memory_space<vmem_shared>>
        tpu.wait_indirect_dma semaphore(%arg14 : memref<!tpu.dma_semaphore, #tpu.memory_space<semaphore_mem>>) src(%arg10 : memref<125x128xf32, #tpu.memory_space<vmem>>) dst(%dma_wait3A_144 : memref<10240x128xf32, #tpu.memory_space<vmem_shared>>)
        %add3A_145 = arith.constant 2 : i32
        %add3A_146 = arith.addi %add3A_130, %add3A_145 : i32
        %dma_start3A_147 = arith.constant 0 : i32
        %dma_start3A_148 = tpu.memref_slice %arg7[%add3A_146, %dma_start3A_147] : memref<40x125xi32, #tpu.memory_space<vmem>> -> memref<1x125xi32, #tpu.memory_space<vmem>>
        %dma_start3A_149 = tpu.memref_squeeze %dma_start3A_148 : memref<1x125xi32, #tpu.memory_space<vmem>> -> memref<125xi32, #tpu.memory_space<vmem>>
        %dma_start3A_150 = arith.constant 0 : i32
        %dma_start3A_151 = arith.constant 0 : i32
        %dma_start3A_152 = tpu.memref_slice %arg2[%dma_start3A_150, %dma_start3A_151] : memref<10000x128xf32, #tpu.memory_space<hbm>> -> memref<10000x128xf32, #tpu.memory_space<hbm>>
        tpu.enqueue_indirect_dma source(%dma_start3A_152 : memref<10000x128xf32, #tpu.memory_space<hbm>>) target(%arg10 : memref<125x128xf32, #tpu.memory_space<vmem>>) offsets(%dma_start3A_149 : memref<125xi32, #tpu.memory_space<vmem>>) semaphore(%arg12 : memref<!tpu.dma_semaphore, #tpu.memory_space<semaphore_mem>>)
      } else {
      }
      %scan3A_138 = arith.constant 0 : i32
      scf.yield %scan3A_138 : i32
    }
    %scan3A_71 = arith.constant 20 : i32
    %dma_wait3A_72 = arith.constant 38 : i32
    %dma_wait3A_73 = arith.constant 0 : i32
    %dma_wait3A_74 = tpu.memref_slice %arg8[%dma_wait3A_72, %dma_wait3A_73] : memref<40x125xi32, #tpu.memory_space<vmem>> -> memref<1x125xi32, #tpu.memory_space<vmem>>
    %dma_wait3A_75 = tpu.memref_squeeze %dma_wait3A_74 : memref<1x125xi32, #tpu.memory_space<vmem>> -> memref<125xi32, #tpu.memory_space<vmem>>
    %dma_wait3A_76 = arith.constant 0 : i32
    %dma_wait3A_77 = arith.constant 0 : i32
    %dma_wait3A_78 = tpu.memref_slice %arg15[%dma_wait3A_76, %dma_wait3A_77] : memref<10240x128xf32, #tpu.memory_space<vmem_shared>> -> memref<10240x128xf32, #tpu.memory_space<vmem_shared>>
    tpu.wait_indirect_dma semaphore(%arg13 : memref<!tpu.dma_semaphore, #tpu.memory_space<semaphore_mem>>) src(%arg9 : memref<125x128xf32, #tpu.memory_space<vmem>>) dst(%dma_wait3A_78 : memref<10240x128xf32, #tpu.memory_space<vmem_shared>>)
    %dma_wait3A_79 = arith.constant 39 : i32
    %dma_wait3A_80 = arith.constant 0 : i32
    %dma_wait3A_81 = tpu.memref_slice %arg8[%dma_wait3A_79, %dma_wait3A_80] : memref<40x125xi32, #tpu.memory_space<vmem>> -> memref<1x125xi32, #tpu.memory_space<vmem>>
    %dma_wait3A_82 = tpu.memref_squeeze %dma_wait3A_81 : memref<1x125xi32, #tpu.memory_space<vmem>> -> memref<125xi32, #tpu.memory_space<vmem>>
    %dma_wait3A_83 = arith.constant 0 : i32
    %dma_wait3A_84 = arith.constant 0 : i32
    %dma_wait3A_85 = tpu.memref_slice %arg15[%dma_wait3A_83, %dma_wait3A_84] : memref<10240x128xf32, #tpu.memory_space<vmem_shared>> -> memref<10240x128xf32, #tpu.memory_space<vmem_shared>>
    tpu.wait_indirect_dma semaphore(%arg14 : memref<!tpu.dma_semaphore, #tpu.memory_space<semaphore_mem>>) src(%arg10 : memref<125x128xf32, #tpu.memory_space<vmem>>) dst(%dma_wait3A_85 : memref<10240x128xf32, #tpu.memory_space<vmem_shared>>)
    %barrier3A_86 = arith.constant 0 : index
    tpu.barrier barrier_id(%barrier3A_86)
    %mul3A_87 = arith.constant 640 : i32
    %mul3A_88 = arith.muli %arg1, %mul3A_87 : i32
    %mul3A_89 = arith.constant 640 : i32
    %mul3A_90 = arith.muli %arg1, %mul3A_89 : i32
    "tpu.region"() ({
      %run_scoped3A = tpu.sem_alloc : memref<!tpu.dma_semaphore, #tpu.memory_space<semaphore_mem>>
      %dma_start3A_91 = arith.constant 0 : i32
      %dma_start3A_92 = tpu.memref_slice %arg6[%arg0, %mul3A_90, %dma_start3A_91] : memref<2x10240x128xf32, #tpu.memory_space<hbm>> -> memref<1x640x128xf32, #tpu.memory_space<hbm>>
      %dma_start3A_93 = tpu.memref_squeeze %dma_start3A_92 : memref<1x640x128xf32, #tpu.memory_space<hbm>> -> memref<640x128xf32, #tpu.memory_space<hbm>>
      %dma_start3A_94 = arith.constant 0 : i32
      %dma_start3A_95 = tpu.memref_slice %arg15[%mul3A_88, %dma_start3A_94] : memref<10240x128xf32, #tpu.memory_space<vmem_shared>> -> memref<640x128xf32, #tpu.memory_space<vmem_shared>>
      tpu.enqueue_dma source(%dma_start3A_95 : memref<640x128xf32, #tpu.memory_space<vmem_shared>>) target(%dma_start3A_93 : memref<640x128xf32, #tpu.memory_space<hbm>>) target_semaphore(%run_scoped3A : memref<!tpu.dma_semaphore, #tpu.memory_space<semaphore_mem>>)
      %dma_wait3A_96 = arith.constant 0 : i32
      %dma_wait3A_97 = tpu.memref_slice %arg6[%arg0, %mul3A_90, %dma_wait3A_96] : memref<2x10240x128xf32, #tpu.memory_space<hbm>> -> memref<1x640x128xf32, #tpu.memory_space<hbm>>
      %dma_wait3A_98 = tpu.memref_squeeze %dma_wait3A_97 : memref<1x640x128xf32, #tpu.memory_space<hbm>> -> memref<640x128xf32, #tpu.memory_space<hbm>>
      %dma_wait3A_99 = arith.constant 0 : i32
      %dma_wait3A_100 = tpu.memref_slice %arg15[%mul3A_88, %dma_wait3A_99] : memref<10240x128xf32, #tpu.memory_space<vmem_shared>> -> memref<640x128xf32, #tpu.memory_space<vmem_shared>>
      tpu.wait_dma2 semaphore(%run_scoped3A : memref<!tpu.dma_semaphore, #tpu.memory_space<semaphore_mem>>) src(%dma_wait3A_100 : memref<640x128xf32, #tpu.memory_space<vmem_shared>>) dst(%dma_wait3A_98 : memref<640x128xf32, #tpu.memory_space<hbm>>)
      tpu.yield
    }) : () -> ()
    return
  }
}

#map = affine_map<(d0, d1) -> (0)>
#map1 = affine_map<(d0, d1) -> (0, 0)>
module attributes {stable_mosaic.version = 14 : i64} {
  func.func @_deg_body(%arg0: i32, %arg1: i32, %arg2: memref<320000xi32, #tpu.memory_space<hbm>>, %arg3: memref<2x10240xf32, #tpu.memory_space<hbm>>, %arg4: memref<10000xi32, #tpu.memory_space<vmem>>, %arg5: memref<10240xf32, #tpu.memory_space<vmem>>, %arg6: memref<640xf32, #tpu.memory_space<vmem>>, %arg7: memref<640xf32, #tpu.memory_space<vmem>>, %arg8: memref<16x10240xf32, #tpu.memory_space<vmem_shared>>) attributes {dimension_semantics = [#tpu.dimension_semantics<core_parallel>, #tpu.dimension_semantics<subcore_parallel>], iteration_bounds = array<i64: 2, 16>, scalar_prefetch = 0 : i64, scratch_operands = 5 : i64, tpu.core_type = #tpu.core_type<sc_vector_subcore>, window_params = [{transform_indices = #map}, {transform_indices = #map1}]} {
    %mul3A = arith.constant 16 : i32
    %mul3A_0 = arith.muli %arg0, %mul3A : i32
    %add3A = arith.addi %mul3A_0, %arg1 : i32
    %scan3A = arith.constant 0 : i32
    %scan3A_1 = arith.constant 0 : i32
    %scan3A_2 = arith.constant 640 : i32
    %scan3A_3 = arith.addi %scan3A_1, %scan3A_2 : i32
    %scan3A_4 = arith.constant 1 : i32
    %scan3A_5 = scf.for %scan3A_33 = %scan3A_1 to %scan3A_3 step %scan3A_4 iter_args(%scan3A_34 = %scan3A) -> (i32)  : i32 {
      %broadcast_in_dim3A_35 = arith.constant 0.000000e+00 : f32
      %broadcast_in_dim3A_36 = vector.broadcast %broadcast_in_dim3A_35 : f32 to vector<16xf32>
      %mul3A_37 = arith.constant 16 : i32
      %mul3A_38 = arith.muli %scan3A_33, %mul3A_37 : i32
      %swap3A = arith.index_cast %mul3A_38 : i32 to index
      %swap3A_39 = tpu.vector_load %arg5[%swap3A] {strides = array<i32>} : memref<10240xf32, #tpu.memory_space<vmem>>, vector<16xf32>,
      tpu.vector_store %arg5[%swap3A], %broadcast_in_dim3A_36 {strides = array<i32>} : memref<10240xf32, #tpu.memory_space<vmem>>, vector<16xf32>,
      %scan3A_40 = arith.constant 0 : i32
      scf.yield %scan3A_40 : i32
    }
    %scan3A_6 = arith.constant 640 : i32
    %mul3A_7 = arith.constant 10000 : i32
    %mul3A_8 = arith.muli %add3A, %mul3A_7 : i32
    "tpu.region"() ({
      %run_scoped3A = tpu.sem_alloc : memref<!tpu.dma_semaphore, #tpu.memory_space<semaphore_mem>>
      %dma_start3A = tpu.memref_slice %arg2[%mul3A_8] : memref<320000xi32, #tpu.memory_space<hbm>> -> memref<10000xi32, #tpu.memory_space<hbm>>
      %dma_start3A_33 = tpu.memref_slice %arg2[%mul3A_8] : memref<320000xi32, #tpu.memory_space<hbm>> -> memref<10000xi32, #tpu.memory_space<hbm>>
      tpu.enqueue_dma source(%dma_start3A_33 : memref<10000xi32, #tpu.memory_space<hbm>>) target(%arg4 : memref<10000xi32, #tpu.memory_space<vmem>>) target_semaphore(%run_scoped3A : memref<!tpu.dma_semaphore, #tpu.memory_space<semaphore_mem>>)
      %dma_wait3A = tpu.memref_slice %arg2[%mul3A_8] : memref<320000xi32, #tpu.memory_space<hbm>> -> memref<10000xi32, #tpu.memory_space<hbm>>
      %dma_wait3A_34 = tpu.memref_slice %arg2[%mul3A_8] : memref<320000xi32, #tpu.memory_space<hbm>> -> memref<10000xi32, #tpu.memory_space<hbm>>
      tpu.wait_dma2 semaphore(%run_scoped3A : memref<!tpu.dma_semaphore, #tpu.memory_space<semaphore_mem>>) src(%dma_wait3A_34 : memref<10000xi32, #tpu.memory_space<hbm>>) dst(%arg4 : memref<10000xi32, #tpu.memory_space<vmem>>)
      tpu.yield
    }) : () -> ()
    %broadcast_in_dim3A = arith.constant 1.000000e+00 : f32
    %broadcast_in_dim3A_9 = vector.broadcast %broadcast_in_dim3A : f32 to vector<16xf32>
    %scan3A_10 = arith.constant 0 : i32
    %scan3A_11 = arith.constant 0 : i32
    %scan3A_12 = arith.constant 625 : i32
    %scan3A_13 = arith.addi %scan3A_11, %scan3A_12 : i32
    %scan3A_14 = arith.constant 1 : i32
    %scan3A_15 = scf.for %scan3A_33 = %scan3A_11 to %scan3A_13 step %scan3A_14 iter_args(%scan3A_34 = %scan3A_10) -> (i32)  : i32 {
      %mul3A_35 = arith.constant 16 : i32
      %mul3A_36 = arith.muli %scan3A_33, %mul3A_35 : i32
      %get3A = arith.index_cast %mul3A_36 : i32 to index
      %get3A_37 = tpu.vector_load %arg4[%get3A] {strides = array<i32>} : memref<10000xi32, #tpu.memory_space<vmem>>, vector<16xi32>,
      tpu.vector_store_idx %arg5[%get3A_37], %broadcast_in_dim3A_9 {add = true} : memref<10240xf32, #tpu.memory_space<vmem>>[vector<16xi32>], vector<16xf32>,
      %scan3A_38 = arith.constant 0 : i32
      scf.yield %scan3A_38 : i32
    }
    %scan3A_16 = arith.constant 625 : i32
    "tpu.region"() ({
      %run_scoped3A = tpu.sem_alloc : memref<!tpu.dma_semaphore, #tpu.memory_space<semaphore_mem>>
      %dma_start3A = arith.constant 0 : i32
      %dma_start3A_33 = tpu.memref_slice %arg8[%arg1, %dma_start3A] : memref<16x10240xf32, #tpu.memory_space<vmem_shared>> -> memref<1x10240xf32, #tpu.memory_space<vmem_shared>>
      %dma_start3A_34 = tpu.memref_squeeze %dma_start3A_33 : memref<1x10240xf32, #tpu.memory_space<vmem_shared>> -> memref<10240xf32, #tpu.memory_space<vmem_shared>>
      %dma_start3A_35 = arith.constant 0 : i32
      %dma_start3A_36 = tpu.memref_slice %arg8[%arg1, %dma_start3A_35] : memref<16x10240xf32, #tpu.memory_space<vmem_shared>> -> memref<1x10240xf32, #tpu.memory_space<vmem_shared>>
      %dma_start3A_37 = tpu.memref_squeeze %dma_start3A_36 : memref<1x10240xf32, #tpu.memory_space<vmem_shared>> -> memref<10240xf32, #tpu.memory_space<vmem_shared>>
      tpu.enqueue_dma source(%arg5 : memref<10240xf32, #tpu.memory_space<vmem>>) target(%dma_start3A_37 : memref<10240xf32, #tpu.memory_space<vmem_shared>>) target_semaphore(%run_scoped3A : memref<!tpu.dma_semaphore, #tpu.memory_space<semaphore_mem>>)
      %dma_wait3A = arith.constant 0 : i32
      %dma_wait3A_38 = tpu.memref_slice %arg8[%arg1, %dma_wait3A] : memref<16x10240xf32, #tpu.memory_space<vmem_shared>> -> memref<1x10240xf32, #tpu.memory_space<vmem_shared>>
      %dma_wait3A_39 = tpu.memref_squeeze %dma_wait3A_38 : memref<1x10240xf32, #tpu.memory_space<vmem_shared>> -> memref<10240xf32, #tpu.memory_space<vmem_shared>>
      %dma_wait3A_40 = arith.constant 0 : i32
      %dma_wait3A_41 = tpu.memref_slice %arg8[%arg1, %dma_wait3A_40] : memref<16x10240xf32, #tpu.memory_space<vmem_shared>> -> memref<1x10240xf32, #tpu.memory_space<vmem_shared>>
      %dma_wait3A_42 = tpu.memref_squeeze %dma_wait3A_41 : memref<1x10240xf32, #tpu.memory_space<vmem_shared>> -> memref<10240xf32, #tpu.memory_space<vmem_shared>>
      tpu.wait_dma2 semaphore(%run_scoped3A : memref<!tpu.dma_semaphore, #tpu.memory_space<semaphore_mem>>) src(%arg5 : memref<10240xf32, #tpu.memory_space<vmem>>) dst(%dma_wait3A_42 : memref<10240xf32, #tpu.memory_space<vmem_shared>>)
      tpu.yield
    }) : () -> ()
    %barrier3A = arith.constant 0 : index
    tpu.barrier barrier_id(%barrier3A)
    %scan3A_17 = arith.constant 0 : i32
    %scan3A_18 = arith.constant 0 : i32
    %scan3A_19 = arith.constant 40 : i32
    %scan3A_20 = arith.addi %scan3A_18, %scan3A_19 : i32
    %scan3A_21 = arith.constant 1 : i32
    %scan3A_22 = scf.for %scan3A_33 = %scan3A_18 to %scan3A_20 step %scan3A_21 iter_args(%scan3A_34 = %scan3A_17) -> (i32)  : i32 {
      %broadcast_in_dim3A_35 = arith.constant 0.000000e+00 : f32
      %broadcast_in_dim3A_36 = vector.broadcast %broadcast_in_dim3A_35 : f32 to vector<16xf32>
      %mul3A_37 = arith.constant 16 : i32
      %mul3A_38 = arith.muli %scan3A_33, %mul3A_37 : i32
      %swap3A = arith.index_cast %mul3A_38 : i32 to index
      %swap3A_39 = tpu.vector_load %arg6[%swap3A] {strides = array<i32>} : memref<640xf32, #tpu.memory_space<vmem>>, vector<16xf32>,
      tpu.vector_store %arg6[%swap3A], %broadcast_in_dim3A_36 {strides = array<i32>} : memref<640xf32, #tpu.memory_space<vmem>>, vector<16xf32>,
      %scan3A_40 = arith.constant 0 : i32
      scf.yield %scan3A_40 : i32
    }
    %scan3A_23 = arith.constant 40 : i32
    %scan3A_24 = arith.constant 0 : i32
    %scan3A_25 = arith.constant 0 : i32
    %scan3A_26 = arith.constant 16 : i32
    %scan3A_27 = arith.addi %scan3A_25, %scan3A_26 : i32
    %scan3A_28 = arith.constant 1 : i32
    %scan3A_29 = scf.for %scan3A_33 = %scan3A_25 to %scan3A_27 step %scan3A_28 iter_args(%scan3A_34 = %scan3A_24) -> (i32)  : i32 {
      %mul3A_35 = arith.constant 640 : i32
      %mul3A_36 = arith.muli %arg1, %mul3A_35 : i32
      "tpu.region"() ({
        %run_scoped3A = tpu.sem_alloc : memref<!tpu.dma_semaphore, #tpu.memory_space<semaphore_mem>>
        %dma_start3A = tpu.memref_slice %arg8[%scan3A_33, %mul3A_36] : memref<16x10240xf32, #tpu.memory_space<vmem_shared>> -> memref<1x640xf32, #tpu.memory_space<vmem_shared>>
        %dma_start3A_45 = tpu.memref_squeeze %dma_start3A : memref<1x640xf32, #tpu.memory_space<vmem_shared>> -> memref<640xf32, #tpu.memory_space<vmem_shared>>
        %dma_start3A_46 = tpu.memref_slice %arg8[%scan3A_33, %mul3A_36] : memref<16x10240xf32, #tpu.memory_space<vmem_shared>> -> memref<1x640xf32, #tpu.memory_space<vmem_shared>>
        %dma_start3A_47 = tpu.memref_squeeze %dma_start3A_46 : memref<1x640xf32, #tpu.memory_space<vmem_shared>> -> memref<640xf32, #tpu.memory_space<vmem_shared>>
        tpu.enqueue_dma source(%dma_start3A_47 : memref<640xf32, #tpu.memory_space<vmem_shared>>) target(%arg7 : memref<640xf32, #tpu.memory_space<vmem>>) target_semaphore(%run_scoped3A : memref<!tpu.dma_semaphore, #tpu.memory_space<semaphore_mem>>)
        %dma_wait3A = tpu.memref_slice %arg8[%scan3A_33, %mul3A_36] : memref<16x10240xf32, #tpu.memory_space<vmem_shared>> -> memref<1x640xf32, #tpu.memory_space<vmem_shared>>
        %dma_wait3A_48 = tpu.memref_squeeze %dma_wait3A : memref<1x640xf32, #tpu.memory_space<vmem_shared>> -> memref<640xf32, #tpu.memory_space<vmem_shared>>
        %dma_wait3A_49 = tpu.memref_slice %arg8[%scan3A_33, %mul3A_36] : memref<16x10240xf32, #tpu.memory_space<vmem_shared>> -> memref<1x640xf32, #tpu.memory_space<vmem_shared>>
        %dma_wait3A_50 = tpu.memref_squeeze %dma_wait3A_49 : memref<1x640xf32, #tpu.memory_space<vmem_shared>> -> memref<640xf32, #tpu.memory_space<vmem_shared>>
        tpu.wait_dma2 semaphore(%run_scoped3A : memref<!tpu.dma_semaphore, #tpu.memory_space<semaphore_mem>>) src(%dma_wait3A_50 : memref<640xf32, #tpu.memory_space<vmem_shared>>) dst(%arg7 : memref<640xf32, #tpu.memory_space<vmem>>)
        tpu.yield
      }) : () -> ()
      %scan3A_37 = arith.constant 0 : i32
      %scan3A_38 = arith.constant 0 : i32
      %scan3A_39 = arith.constant 40 : i32
      %scan3A_40 = arith.addi %scan3A_38, %scan3A_39 : i32
      %scan3A_41 = arith.constant 1 : i32
      %scan3A_42 = scf.for %scan3A_45 = %scan3A_38 to %scan3A_40 step %scan3A_41 iter_args(%scan3A_46 = %scan3A_37) -> (i32)  : i32 {
        %mul3A_47 = arith.constant 16 : i32
        %mul3A_48 = arith.muli %scan3A_45, %mul3A_47 : i32
        %get3A = arith.index_cast %mul3A_48 : i32 to index
        %get3A_49 = tpu.vector_load %arg6[%get3A] {strides = array<i32>} : memref<640xf32, #tpu.memory_space<vmem>>, vector<16xf32>,
        %mul3A_50 = arith.constant 16 : i32
        %mul3A_51 = arith.muli %scan3A_45, %mul3A_50 : i32
        %get3A_52 = arith.index_cast %mul3A_51 : i32 to index
        %get3A_53 = tpu.vector_load %arg7[%get3A_52] {strides = array<i32>} : memref<640xf32, #tpu.memory_space<vmem>>, vector<16xf32>,
        %add3A_54 = arith.addf %get3A_49, %get3A_53 : vector<16xf32>
        %mul3A_55 = arith.constant 16 : i32
        %mul3A_56 = arith.muli %scan3A_45, %mul3A_55 : i32
        %swap3A = arith.index_cast %mul3A_56 : i32 to index
        %swap3A_57 = tpu.vector_load %arg6[%swap3A] {strides = array<i32>} : memref<640xf32, #tpu.memory_space<vmem>>, vector<16xf32>,
        tpu.vector_store %arg6[%swap3A], %add3A_54 {strides = array<i32>} : memref<640xf32, #tpu.memory_space<vmem>>, vector<16xf32>,
        %scan3A_58 = arith.constant 0 : i32
        scf.yield %scan3A_58 : i32
      }
      %scan3A_43 = arith.constant 40 : i32
      %scan3A_44 = arith.constant 0 : i32
      scf.yield %scan3A_44 : i32
    }
    %scan3A_30 = arith.constant 16 : i32
    %mul3A_31 = arith.constant 640 : i32
    %mul3A_32 = arith.muli %arg1, %mul3A_31 : i32
    "tpu.region"() ({
      %run_scoped3A = tpu.sem_alloc : memref<!tpu.dma_semaphore, #tpu.memory_space<semaphore_mem>>
      %dma_start3A = tpu.memref_slice %arg3[%arg0, %mul3A_32] : memref<2x10240xf32, #tpu.memory_space<hbm>> -> memref<1x640xf32, #tpu.memory_space<hbm>>
      %dma_start3A_33 = tpu.memref_squeeze %dma_start3A : memref<1x640xf32, #tpu.memory_space<hbm>> -> memref<640xf32, #tpu.memory_space<hbm>>
      %dma_start3A_34 = tpu.memref_slice %arg3[%arg0, %mul3A_32] : memref<2x10240xf32, #tpu.memory_space<hbm>> -> memref<1x640xf32, #tpu.memory_space<hbm>>
      %dma_start3A_35 = tpu.memref_squeeze %dma_start3A_34 : memref<1x640xf32, #tpu.memory_space<hbm>> -> memref<640xf32, #tpu.memory_space<hbm>>
      tpu.enqueue_dma source(%arg6 : memref<640xf32, #tpu.memory_space<vmem>>) target(%dma_start3A_35 : memref<640xf32, #tpu.memory_space<hbm>>) target_semaphore(%run_scoped3A : memref<!tpu.dma_semaphore, #tpu.memory_space<semaphore_mem>>)
      %dma_wait3A = tpu.memref_slice %arg3[%arg0, %mul3A_32] : memref<2x10240xf32, #tpu.memory_space<hbm>> -> memref<1x640xf32, #tpu.memory_space<hbm>>
      %dma_wait3A_36 = tpu.memref_squeeze %dma_wait3A : memref<1x640xf32, #tpu.memory_space<hbm>> -> memref<640xf32, #tpu.memory_space<hbm>>
      %dma_wait3A_37 = tpu.memref_slice %arg3[%arg0, %mul3A_32] : memref<2x10240xf32, #tpu.memory_space<hbm>> -> memref<1x640xf32, #tpu.memory_space<hbm>>
      %dma_wait3A_38 = tpu.memref_squeeze %dma_wait3A_37 : memref<1x640xf32, #tpu.memory_space<hbm>> -> memref<640xf32, #tpu.memory_space<hbm>>
      tpu.wait_dma2 semaphore(%run_scoped3A : memref<!tpu.dma_semaphore, #tpu.memory_space<semaphore_mem>>) src(%arg6 : memref<640xf32, #tpu.memory_space<vmem>>) dst(%dma_wait3A_38 : memref<640xf32, #tpu.memory_space<hbm>>)
      tpu.yield
    }) : () -> ()
    return
  }
}

#map = affine_map<(d0, d1) -> (0, 0)>
#map1 = affine_map<(d0, d1) -> (0, 0, 0)>
module attributes {stable_mosaic.version = 14 : i64} {
  func.func @_scat_body(%arg0: i32, %arg1: i32, %arg2: memref<10000x128xf32, #tpu.memory_space<hbm>>, %arg3: memref<2560x125xi32, #tpu.memory_space<hbm>>, %arg4: memref<2560x125xi32, #tpu.memory_space<hbm>>, %arg5: memref<640x128xf32, #tpu.memory_space<hbm>>, %arg6: memref<2x10240x128xf32, #tpu.memory_space<hbm>>, %arg7: memref<40x125xi32, #tpu.memory_space<vmem>>, %arg8: memref<40x125xi32, #tpu.memory_space<vmem>>, %arg9: memref<125x128xf32, #tpu.memory_space<vmem>>, %arg10: memref<125x128xf32, #tpu.memory_space<vmem>>, %arg11: memref<!tpu.dma_semaphore, #tpu.memory_space<semaphore_mem>>, %arg12: memref<!tpu.dma_semaphore, #tpu.memory_space<semaphore_mem>>, %arg13: memref<!tpu.dma_semaphore, #tpu.memory_space<semaphore_mem>>, %arg14: memref<!tpu.dma_semaphore, #tpu.memory_space<semaphore_mem>>, %arg15: memref<10240x128xf32, #tpu.memory_space<vmem_shared>>) attributes {dimension_semantics = [#tpu.dimension_semantics<core_parallel>, #tpu.dimension_semantics<subcore_parallel>], iteration_bounds = array<i64: 2, 16>, scalar_prefetch = 0 : i64, scratch_operands = 9 : i64, tpu.core_type = #tpu.core_type<sc_vector_subcore>, window_params = [{transform_indices = #map}, {transform_indices = #map}, {transform_indices = #map}, {transform_indices = #map}, {transform_indices = #map1}]} {
    %mul3A = arith.constant 16 : i32
    %mul3A_0 = arith.muli %arg0, %mul3A : i32
    %add3A = arith.addi %mul3A_0, %arg1 : i32
    %mul3A_1 = arith.constant 640 : i32
    %mul3A_2 = arith.muli %arg1, %mul3A_1 : i32
    "tpu.region"() ({
      %run_scoped3A = tpu.sem_alloc : memref<!tpu.dma_semaphore, #tpu.memory_space<semaphore_mem>>
      %dma_start3A_91 = arith.constant 0 : i32
      %dma_start3A_92 = tpu.memref_slice %arg15[%mul3A_2, %dma_start3A_91] : memref<10240x128xf32, #tpu.memory_space<vmem_shared>> -> memref<640x128xf32, #tpu.memory_space<vmem_shared>>
      tpu.enqueue_dma source(%arg5 : memref<640x128xf32, #tpu.memory_space<hbm>>) target(%dma_start3A_92 : memref<640x128xf32, #tpu.memory_space<vmem_shared>>) target_semaphore(%run_scoped3A : memref<!tpu.dma_semaphore, #tpu.memory_space<semaphore_mem>>)
      %dma_wait3A_93 = arith.constant 0 : i32
      %dma_wait3A_94 = tpu.memref_slice %arg15[%mul3A_2, %dma_wait3A_93] : memref<10240x128xf32, #tpu.memory_space<vmem_shared>> -> memref<640x128xf32, #tpu.memory_space<vmem_shared>>
      tpu.wait_dma2 semaphore(%run_scoped3A : memref<!tpu.dma_semaphore, #tpu.memory_space<semaphore_mem>>) src(%arg5 : memref<640x128xf32, #tpu.memory_space<hbm>>) dst(%dma_wait3A_94 : memref<640x128xf32, #tpu.memory_space<vmem_shared>>)
      tpu.yield
    }) : () -> ()
    %barrier3A = arith.constant 0 : index
    tpu.barrier barrier_id(%barrier3A)
    %mul3A_3 = arith.constant 80 : i32
    %mul3A_4 = arith.muli %add3A, %mul3A_3 : i32
    %add3A_5 = arith.constant 0 : i32
    %add3A_6 = arith.addi %mul3A_4, %add3A_5 : i32
    "tpu.region"() ({
      %run_scoped3A = tpu.sem_alloc : memref<!tpu.dma_semaphore, #tpu.memory_space<semaphore_mem>>
      %dma_start3A_91 = arith.constant 0 : i32
      %dma_start3A_92 = tpu.memref_slice %arg3[%add3A_6, %dma_start3A_91] : memref<2560x125xi32, #tpu.memory_space<hbm>> -> memref<40x125xi32, #tpu.memory_space<hbm>>
      %dma_start3A_93 = arith.constant 0 : i32
      %dma_start3A_94 = tpu.memref_slice %arg3[%add3A_6, %dma_start3A_93] : memref<2560x125xi32, #tpu.memory_space<hbm>> -> memref<40x125xi32, #tpu.memory_space<hbm>>
      tpu.enqueue_dma source(%dma_start3A_94 : memref<40x125xi32, #tpu.memory_space<hbm>>) target(%arg7 : memref<40x125xi32, #tpu.memory_space<vmem>>) target_semaphore(%run_scoped3A : memref<!tpu.dma_semaphore, #tpu.memory_space<semaphore_mem>>)
      %dma_wait3A_95 = arith.constant 0 : i32
      %dma_wait3A_96 = tpu.memref_slice %arg3[%add3A_6, %dma_wait3A_95] : memref<2560x125xi32, #tpu.memory_space<hbm>> -> memref<40x125xi32, #tpu.memory_space<hbm>>
      %dma_wait3A_97 = arith.constant 0 : i32
      %dma_wait3A_98 = tpu.memref_slice %arg3[%add3A_6, %dma_wait3A_97] : memref<2560x125xi32, #tpu.memory_space<hbm>> -> memref<40x125xi32, #tpu.memory_space<hbm>>
      tpu.wait_dma2 semaphore(%run_scoped3A : memref<!tpu.dma_semaphore, #tpu.memory_space<semaphore_mem>>) src(%dma_wait3A_98 : memref<40x125xi32, #tpu.memory_space<hbm>>) dst(%arg7 : memref<40x125xi32, #tpu.memory_space<vmem>>)
      tpu.yield
    }) : () -> ()
    %mul3A_7 = arith.constant 80 : i32
    %mul3A_8 = arith.muli %add3A, %mul3A_7 : i32
    %add3A_9 = arith.constant 0 : i32
    %add3A_10 = arith.addi %mul3A_8, %add3A_9 : i32
    "tpu.region"() ({
      %run_scoped3A = tpu.sem_alloc : memref<!tpu.dma_semaphore, #tpu.memory_space<semaphore_mem>>
      %dma_start3A_91 = arith.constant 0 : i32
      %dma_start3A_92 = tpu.memref_slice %arg4[%add3A_10, %dma_start3A_91] : memref<2560x125xi32, #tpu.memory_space<hbm>> -> memref<40x125xi32, #tpu.memory_space<hbm>>
      %dma_start3A_93 = arith.constant 0 : i32
      %dma_start3A_94 = tpu.memref_slice %arg4[%add3A_10, %dma_start3A_93] : memref<2560x125xi32, #tpu.memory_space<hbm>> -> memref<40x125xi32, #tpu.memory_space<hbm>>
      tpu.enqueue_dma source(%dma_start3A_94 : memref<40x125xi32, #tpu.memory_space<hbm>>) target(%arg8 : memref<40x125xi32, #tpu.memory_space<vmem>>) target_semaphore(%run_scoped3A : memref<!tpu.dma_semaphore, #tpu.memory_space<semaphore_mem>>)
      %dma_wait3A_95 = arith.constant 0 : i32
      %dma_wait3A_96 = tpu.memref_slice %arg4[%add3A_10, %dma_wait3A_95] : memref<2560x125xi32, #tpu.memory_space<hbm>> -> memref<40x125xi32, #tpu.memory_space<hbm>>
      %dma_wait3A_97 = arith.constant 0 : i32
      %dma_wait3A_98 = tpu.memref_slice %arg4[%add3A_10, %dma_wait3A_97] : memref<2560x125xi32, #tpu.memory_space<hbm>> -> memref<40x125xi32, #tpu.memory_space<hbm>>
      tpu.wait_dma2 semaphore(%run_scoped3A : memref<!tpu.dma_semaphore, #tpu.memory_space<semaphore_mem>>) src(%dma_wait3A_98 : memref<40x125xi32, #tpu.memory_space<hbm>>) dst(%arg8 : memref<40x125xi32, #tpu.memory_space<vmem>>)
      tpu.yield
    }) : () -> ()
    %dma_start3A = arith.constant 0 : i32
    %dma_start3A_11 = arith.constant 0 : i32
    %dma_start3A_12 = tpu.memref_slice %arg7[%dma_start3A, %dma_start3A_11] : memref<40x125xi32, #tpu.memory_space<vmem>> -> memref<1x125xi32, #tpu.memory_space<vmem>>
    %dma_start3A_13 = tpu.memref_squeeze %dma_start3A_12 : memref<1x125xi32, #tpu.memory_space<vmem>> -> memref<125xi32, #tpu.memory_space<vmem>>
    %dma_start3A_14 = arith.constant 0 : i32
    %dma_start3A_15 = arith.constant 0 : i32
    %dma_start3A_16 = tpu.memref_slice %arg2[%dma_start3A_14, %dma_start3A_15] : memref<10000x128xf32, #tpu.memory_space<hbm>> -> memref<10000x128xf32, #tpu.memory_space<hbm>>
    tpu.enqueue_indirect_dma source(%dma_start3A_16 : memref<10000x128xf32, #tpu.memory_space<hbm>>) target(%arg9 : memref<125x128xf32, #tpu.memory_space<vmem>>) offsets(%dma_start3A_13 : memref<125xi32, #tpu.memory_space<vmem>>) semaphore(%arg11 : memref<!tpu.dma_semaphore, #tpu.memory_space<semaphore_mem>>)
    %dma_start3A_17 = arith.constant 1 : i32
    %dma_start3A_18 = arith.constant 0 : i32
    %dma_start3A_19 = tpu.memref_slice %arg7[%dma_start3A_17, %dma_start3A_18] : memref<40x125xi32, #tpu.memory_space<vmem>> -> memref<1x125xi32, #tpu.memory_space<vmem>>
    %dma_start3A_20 = tpu.memref_squeeze %dma_start3A_19 : memref<1x125xi32, #tpu.memory_space<vmem>> -> memref<125xi32, #tpu.memory_space<vmem>>
    %dma_start3A_21 = arith.constant 0 : i32
    %dma_start3A_22 = arith.constant 0 : i32
    %dma_start3A_23 = tpu.memref_slice %arg2[%dma_start3A_21, %dma_start3A_22] : memref<10000x128xf32, #tpu.memory_space<hbm>> -> memref<10000x128xf32, #tpu.memory_space<hbm>>
    tpu.enqueue_indirect_dma source(%dma_start3A_23 : memref<10000x128xf32, #tpu.memory_space<hbm>>) target(%arg10 : memref<125x128xf32, #tpu.memory_space<vmem>>) offsets(%dma_start3A_20 : memref<125xi32, #tpu.memory_space<vmem>>) semaphore(%arg12 : memref<!tpu.dma_semaphore, #tpu.memory_space<semaphore_mem>>)
    %scan3A = arith.constant 0 : i32
    %scan3A_24 = arith.constant 0 : i32
    %scan3A_25 = arith.constant 20 : i32
    %scan3A_26 = arith.addi %scan3A_24, %scan3A_25 : i32
    %scan3A_27 = arith.constant 1 : i32
    %scan3A_28 = scf.for %scan3A_91 = %scan3A_24 to %scan3A_26 step %scan3A_27 iter_args(%scan3A_92 = %scan3A) -> (i32)  : i32 {
      %mul3A_93 = arith.constant 2 : i32
      %mul3A_94 = arith.muli %scan3A_91, %mul3A_93 : i32
      %add3A_95 = arith.constant 0 : i32
      %add3A_96 = arith.addi %mul3A_94, %add3A_95 : i32
      %dma_wait3A_97 = arith.constant 0 : i32
      %dma_wait3A_98 = tpu.memref_slice %arg7[%add3A_96, %dma_wait3A_97] : memref<40x125xi32, #tpu.memory_space<vmem>> -> memref<1x125xi32, #tpu.memory_space<vmem>>
      %dma_wait3A_99 = tpu.memref_squeeze %dma_wait3A_98 : memref<1x125xi32, #tpu.memory_space<vmem>> -> memref<125xi32, #tpu.memory_space<vmem>>
      %dma_wait3A_100 = arith.constant 0 : i32
      %dma_wait3A_101 = arith.constant 0 : i32
      %dma_wait3A_102 = tpu.memref_slice %arg2[%dma_wait3A_100, %dma_wait3A_101] : memref<10000x128xf32, #tpu.memory_space<hbm>> -> memref<10000x128xf32, #tpu.memory_space<hbm>>
      tpu.wait_indirect_dma semaphore(%arg11 : memref<!tpu.dma_semaphore, #tpu.memory_space<semaphore_mem>>) src(%dma_wait3A_102 : memref<10000x128xf32, #tpu.memory_space<hbm>>) dst(%arg9 : memref<125x128xf32, #tpu.memory_space<vmem>>)
      %dma_start3A_103 = arith.constant 0 : i32
      %dma_start3A_104 = tpu.memref_slice %arg8[%add3A_96, %dma_start3A_103] : memref<40x125xi32, #tpu.memory_space<vmem>> -> memref<1x125xi32, #tpu.memory_space<vmem>>
      %dma_start3A_105 = tpu.memref_squeeze %dma_start3A_104 : memref<1x125xi32, #tpu.memory_space<vmem>> -> memref<125xi32, #tpu.memory_space<vmem>>
      %dma_start3A_106 = arith.constant 0 : i32
      %dma_start3A_107 = arith.constant 0 : i32
      %dma_start3A_108 = tpu.memref_slice %arg15[%dma_start3A_106, %dma_start3A_107] : memref<10240x128xf32, #tpu.memory_space<vmem_shared>> -> memref<10240x128xf32, #tpu.memory_space<vmem_shared>>
      tpu.enqueue_indirect_dma source(%arg9 : memref<125x128xf32, #tpu.memory_space<vmem>>) target(%dma_start3A_108 : memref<10240x128xf32, #tpu.memory_space<vmem_shared>>) offsets(%dma_start3A_105 : memref<125xi32, #tpu.memory_space<vmem>>) semaphore(%arg13 : memref<!tpu.dma_semaphore, #tpu.memory_space<semaphore_mem>>) {add = true}
      %add3A_109 = arith.constant 1 : i32
      %add3A_110 = arith.addi %mul3A_94, %add3A_109 : i32
      %dma_wait3A_111 = arith.constant 0 : i32
      %dma_wait3A_112 = tpu.memref_slice %arg7[%add3A_110, %dma_wait3A_111] : memref<40x125xi32, #tpu.memory_space<vmem>> -> memref<1x125xi32, #tpu.memory_space<vmem>>
      %dma_wait3A_113 = tpu.memref_squeeze %dma_wait3A_112 : memref<1x125xi32, #tpu.memory_space<vmem>> -> memref<125xi32, #tpu.memory_space<vmem>>
      %dma_wait3A_114 = arith.constant 0 : i32
      %dma_wait3A_115 = arith.constant 0 : i32
      %dma_wait3A_116 = tpu.memref_slice %arg2[%dma_wait3A_114, %dma_wait3A_115] : memref<10000x128xf32, #tpu.memory_space<hbm>> -> memref<10000x128xf32, #tpu.memory_space<hbm>>
      tpu.wait_indirect_dma semaphore(%arg12 : memref<!tpu.dma_semaphore, #tpu.memory_space<semaphore_mem>>) src(%dma_wait3A_116 : memref<10000x128xf32, #tpu.memory_space<hbm>>) dst(%arg10 : memref<125x128xf32, #tpu.memory_space<vmem>>)
      %dma_start3A_117 = arith.constant 0 : i32
      %dma_start3A_118 = tpu.memref_slice %arg8[%add3A_110, %dma_start3A_117] : memref<40x125xi32, #tpu.memory_space<vmem>> -> memref<1x125xi32, #tpu.memory_space<vmem>>
      %dma_start3A_119 = tpu.memref_squeeze %dma_start3A_118 : memref<1x125xi32, #tpu.memory_space<vmem>> -> memref<125xi32, #tpu.memory_space<vmem>>
      %dma_start3A_120 = arith.constant 0 : i32
      %dma_start3A_121 = arith.constant 0 : i32
      %dma_start3A_122 = tpu.memref_slice %arg15[%dma_start3A_120, %dma_start3A_121] : memref<10240x128xf32, #tpu.memory_space<vmem_shared>> -> memref<10240x128xf32, #tpu.memory_space<vmem_shared>>
      tpu.enqueue_indirect_dma source(%arg10 : memref<125x128xf32, #tpu.memory_space<vmem>>) target(%dma_start3A_122 : memref<10240x128xf32, #tpu.memory_space<vmem_shared>>) offsets(%dma_start3A_119 : memref<125xi32, #tpu.memory_space<vmem>>) semaphore(%arg14 : memref<!tpu.dma_semaphore, #tpu.memory_space<semaphore_mem>>) {add = true}
      %add3A_123 = arith.constant 0 : i32
      %add3A_124 = arith.addi %mul3A_94, %add3A_123 : i32
      %add3A_125 = arith.constant 2 : i32
      %add3A_126 = arith.addi %add3A_124, %add3A_125 : i32
      %lt3A = arith.constant 40 : i32
      %lt3A_127 = arith.cmpi slt, %add3A_126, %lt3A : i32
      %convert_element_type3A = arith.extui %lt3A_127 : i1 to i32
      %cond3A = arith.constant 0 : i32
      %cond3A_128 = arith.cmpi ne, %convert_element_type3A, %cond3A : i32
      scf.if %cond3A_128 {
        %dma_wait3A_139 = arith.constant 0 : i32
        %dma_wait3A_140 = tpu.memref_slice %arg8[%add3A_124, %dma_wait3A_139] : memref<40x125xi32, #tpu.memory_space<vmem>> -> memref<1x125xi32, #tpu.memory_space<vmem>>
        %dma_wait3A_141 = tpu.memref_squeeze %dma_wait3A_140 : memref<1x125xi32, #tpu.memory_space<vmem>> -> memref<125xi32, #tpu.memory_space<vmem>>
        %dma_wait3A_142 = arith.constant 0 : i32
        %dma_wait3A_143 = arith.constant 0 : i32
        %dma_wait3A_144 = tpu.memref_slice %arg15[%dma_wait3A_142, %dma_wait3A_143] : memref<10240x128xf32, #tpu.memory_space<vmem_shared>> -> memref<10240x128xf32, #tpu.memory_space<vmem_shared>>
        tpu.wait_indirect_dma semaphore(%arg13 : memref<!tpu.dma_semaphore, #tpu.memory_space<semaphore_mem>>) src(%arg9 : memref<125x128xf32, #tpu.memory_space<vmem>>) dst(%dma_wait3A_144 : memref<10240x128xf32, #tpu.memory_space<vmem_shared>>)
        %add3A_145 = arith.constant 2 : i32
        %add3A_146 = arith.addi %add3A_124, %add3A_145 : i32
        %dma_start3A_147 = arith.constant 0 : i32
        %dma_start3A_148 = tpu.memref_slice %arg7[%add3A_146, %dma_start3A_147] : memref<40x125xi32, #tpu.memory_space<vmem>> -> memref<1x125xi32, #tpu.memory_space<vmem>>
        %dma_start3A_149 = tpu.memref_squeeze %dma_start3A_148 : memref<1x125xi32, #tpu.memory_space<vmem>> -> memref<125xi32, #tpu.memory_space<vmem>>
        %dma_start3A_150 = arith.constant 0 : i32
        %dma_start3A_151 = arith.constant 0 : i32
        %dma_start3A_152 = tpu.memref_slice %arg2[%dma_start3A_150, %dma_start3A_151] : memref<10000x128xf32, #tpu.memory_space<hbm>> -> memref<10000x128xf32, #tpu.memory_space<hbm>>
        tpu.enqueue_indirect_dma source(%dma_start3A_152 : memref<10000x128xf32, #tpu.memory_space<hbm>>) target(%arg9 : memref<125x128xf32, #tpu.memory_space<vmem>>) offsets(%dma_start3A_149 : memref<125xi32, #tpu.memory_space<vmem>>) semaphore(%arg11 : memref<!tpu.dma_semaphore, #tpu.memory_space<semaphore_mem>>)
      } else {
      }
      %add3A_129 = arith.constant 1 : i32
      %add3A_130 = arith.addi %mul3A_94, %add3A_129 : i32
      %add3A_131 = arith.constant 2 : i32
      %add3A_132 = arith.addi %add3A_130, %add3A_131 : i32
      %lt3A_133 = arith.constant 40 : i32
      %lt3A_134 = arith.cmpi slt, %add3A_132, %lt3A_133 : i32
      %convert_element_type3A_135 = arith.extui %lt3A_134 : i1 to i32
      %cond3A_136 = arith.constant 0 : i32
      %cond3A_137 = arith.cmpi ne, %convert_element_type3A_135, %cond3A_136 : i32
      scf.if %cond3A_137 {
        %dma_wait3A_139 = arith.constant 0 : i32
        %dma_wait3A_140 = tpu.memref_slice %arg8[%add3A_130, %dma_wait3A_139] : memref<40x125xi32, #tpu.memory_space<vmem>> -> memref<1x125xi32, #tpu.memory_space<vmem>>
        %dma_wait3A_141 = tpu.memref_squeeze %dma_wait3A_140 : memref<1x125xi32, #tpu.memory_space<vmem>> -> memref<125xi32, #tpu.memory_space<vmem>>
        %dma_wait3A_142 = arith.constant 0 : i32
        %dma_wait3A_143 = arith.constant 0 : i32
        %dma_wait3A_144 = tpu.memref_slice %arg15[%dma_wait3A_142, %dma_wait3A_143] : memref<10240x128xf32, #tpu.memory_space<vmem_shared>> -> memref<10240x128xf32, #tpu.memory_space<vmem_shared>>
        tpu.wait_indirect_dma semaphore(%arg14 : memref<!tpu.dma_semaphore, #tpu.memory_space<semaphore_mem>>) src(%arg10 : memref<125x128xf32, #tpu.memory_space<vmem>>) dst(%dma_wait3A_144 : memref<10240x128xf32, #tpu.memory_space<vmem_shared>>)
        %add3A_145 = arith.constant 2 : i32
        %add3A_146 = arith.addi %add3A_130, %add3A_145 : i32
        %dma_start3A_147 = arith.constant 0 : i32
        %dma_start3A_148 = tpu.memref_slice %arg7[%add3A_146, %dma_start3A_147] : memref<40x125xi32, #tpu.memory_space<vmem>> -> memref<1x125xi32, #tpu.memory_space<vmem>>
        %dma_start3A_149 = tpu.memref_squeeze %dma_start3A_148 : memref<1x125xi32, #tpu.memory_space<vmem>> -> memref<125xi32, #tpu.memory_space<vmem>>
        %dma_start3A_150 = arith.constant 0 : i32
        %dma_start3A_151 = arith.constant 0 : i32
        %dma_start3A_152 = tpu.memref_slice %arg2[%dma_start3A_150, %dma_start3A_151] : memref<10000x128xf32, #tpu.memory_space<hbm>> -> memref<10000x128xf32, #tpu.memory_space<hbm>>
        tpu.enqueue_indirect_dma source(%dma_start3A_152 : memref<10000x128xf32, #tpu.memory_space<hbm>>) target(%arg10 : memref<125x128xf32, #tpu.memory_space<vmem>>) offsets(%dma_start3A_149 : memref<125xi32, #tpu.memory_space<vmem>>) semaphore(%arg12 : memref<!tpu.dma_semaphore, #tpu.memory_space<semaphore_mem>>)
      } else {
      }
      %scan3A_138 = arith.constant 0 : i32
      scf.yield %scan3A_138 : i32
    }
    %scan3A_29 = arith.constant 20 : i32
    %dma_wait3A = arith.constant 38 : i32
    %dma_wait3A_30 = arith.constant 0 : i32
    %dma_wait3A_31 = tpu.memref_slice %arg8[%dma_wait3A, %dma_wait3A_30] : memref<40x125xi32, #tpu.memory_space<vmem>> -> memref<1x125xi32, #tpu.memory_space<vmem>>
    %dma_wait3A_32 = tpu.memref_squeeze %dma_wait3A_31 : memref<1x125xi32, #tpu.memory_space<vmem>> -> memref<125xi32, #tpu.memory_space<vmem>>
    %dma_wait3A_33 = arith.constant 0 : i32
    %dma_wait3A_34 = arith.constant 0 : i32
    %dma_wait3A_35 = tpu.memref_slice %arg15[%dma_wait3A_33, %dma_wait3A_34] : memref<10240x128xf32, #tpu.memory_space<vmem_shared>> -> memref<10240x128xf32, #tpu.memory_space<vmem_shared>>
    tpu.wait_indirect_dma semaphore(%arg13 : memref<!tpu.dma_semaphore, #tpu.memory_space<semaphore_mem>>) src(%arg9 : memref<125x128xf32, #tpu.memory_space<vmem>>) dst(%dma_wait3A_35 : memref<10240x128xf32, #tpu.memory_space<vmem_shared>>)
    %dma_wait3A_36 = arith.constant 39 : i32
    %dma_wait3A_37 = arith.constant 0 : i32
    %dma_wait3A_38 = tpu.memref_slice %arg8[%dma_wait3A_36, %dma_wait3A_37] : memref<40x125xi32, #tpu.memory_space<vmem>> -> memref<1x125xi32, #tpu.memory_space<vmem>>
    %dma_wait3A_39 = tpu.memref_squeeze %dma_wait3A_38 : memref<1x125xi32, #tpu.memory_space<vmem>> -> memref<125xi32, #tpu.memory_space<vmem>>
    %dma_wait3A_40 = arith.constant 0 : i32
    %dma_wait3A_41 = arith.constant 0 : i32
    %dma_wait3A_42 = tpu.memref_slice %arg15[%dma_wait3A_40, %dma_wait3A_41] : memref<10240x128xf32, #tpu.memory_space<vmem_shared>> -> memref<10240x128xf32, #tpu.memory_space<vmem_shared>>
    tpu.wait_indirect_dma semaphore(%arg14 : memref<!tpu.dma_semaphore, #tpu.memory_space<semaphore_mem>>) src(%arg10 : memref<125x128xf32, #tpu.memory_space<vmem>>) dst(%dma_wait3A_42 : memref<10240x128xf32, #tpu.memory_space<vmem_shared>>)
    %mul3A_43 = arith.constant 80 : i32
    %mul3A_44 = arith.muli %add3A, %mul3A_43 : i32
    %add3A_45 = arith.constant 40 : i32
    %add3A_46 = arith.addi %mul3A_44, %add3A_45 : i32
    "tpu.region"() ({
      %run_scoped3A = tpu.sem_alloc : memref<!tpu.dma_semaphore, #tpu.memory_space<semaphore_mem>>
      %dma_start3A_91 = arith.constant 0 : i32
      %dma_start3A_92 = tpu.memref_slice %arg3[%add3A_46, %dma_start3A_91] : memref<2560x125xi32, #tpu.memory_space<hbm>> -> memref<40x125xi32, #tpu.memory_space<hbm>>
      %dma_start3A_93 = arith.constant 0 : i32
      %dma_start3A_94 = tpu.memref_slice %arg3[%add3A_46, %dma_start3A_93] : memref<2560x125xi32, #tpu.memory_space<hbm>> -> memref<40x125xi32, #tpu.memory_space<hbm>>
      tpu.enqueue_dma source(%dma_start3A_94 : memref<40x125xi32, #tpu.memory_space<hbm>>) target(%arg7 : memref<40x125xi32, #tpu.memory_space<vmem>>) target_semaphore(%run_scoped3A : memref<!tpu.dma_semaphore, #tpu.memory_space<semaphore_mem>>)
      %dma_wait3A_95 = arith.constant 0 : i32
      %dma_wait3A_96 = tpu.memref_slice %arg3[%add3A_46, %dma_wait3A_95] : memref<2560x125xi32, #tpu.memory_space<hbm>> -> memref<40x125xi32, #tpu.memory_space<hbm>>
      %dma_wait3A_97 = arith.constant 0 : i32
      %dma_wait3A_98 = tpu.memref_slice %arg3[%add3A_46, %dma_wait3A_97] : memref<2560x125xi32, #tpu.memory_space<hbm>> -> memref<40x125xi32, #tpu.memory_space<hbm>>
      tpu.wait_dma2 semaphore(%run_scoped3A : memref<!tpu.dma_semaphore, #tpu.memory_space<semaphore_mem>>) src(%dma_wait3A_98 : memref<40x125xi32, #tpu.memory_space<hbm>>) dst(%arg7 : memref<40x125xi32, #tpu.memory_space<vmem>>)
      tpu.yield
    }) : () -> ()
    %mul3A_47 = arith.constant 80 : i32
    %mul3A_48 = arith.muli %add3A, %mul3A_47 : i32
    %add3A_49 = arith.constant 40 : i32
    %add3A_50 = arith.addi %mul3A_48, %add3A_49 : i32
    "tpu.region"() ({
      %run_scoped3A = tpu.sem_alloc : memref<!tpu.dma_semaphore, #tpu.memory_space<semaphore_mem>>
      %dma_start3A_91 = arith.constant 0 : i32
      %dma_start3A_92 = tpu.memref_slice %arg4[%add3A_50, %dma_start3A_91] : memref<2560x125xi32, #tpu.memory_space<hbm>> -> memref<40x125xi32, #tpu.memory_space<hbm>>
      %dma_start3A_93 = arith.constant 0 : i32
      %dma_start3A_94 = tpu.memref_slice %arg4[%add3A_50, %dma_start3A_93] : memref<2560x125xi32, #tpu.memory_space<hbm>> -> memref<40x125xi32, #tpu.memory_space<hbm>>
      tpu.enqueue_dma source(%dma_start3A_94 : memref<40x125xi32, #tpu.memory_space<hbm>>) target(%arg8 : memref<40x125xi32, #tpu.memory_space<vmem>>) target_semaphore(%run_scoped3A : memref<!tpu.dma_semaphore, #tpu.memory_space<semaphore_mem>>)
      %dma_wait3A_95 = arith.constant 0 : i32
      %dma_wait3A_96 = tpu.memref_slice %arg4[%add3A_50, %dma_wait3A_95] : memref<2560x125xi32, #tpu.memory_space<hbm>> -> memref<40x125xi32, #tpu.memory_space<hbm>>
      %dma_wait3A_97 = arith.constant 0 : i32
      %dma_wait3A_98 = tpu.memref_slice %arg4[%add3A_50, %dma_wait3A_97] : memref<2560x125xi32, #tpu.memory_space<hbm>> -> memref<40x125xi32, #tpu.memory_space<hbm>>
      tpu.wait_dma2 semaphore(%run_scoped3A : memref<!tpu.dma_semaphore, #tpu.memory_space<semaphore_mem>>) src(%dma_wait3A_98 : memref<40x125xi32, #tpu.memory_space<hbm>>) dst(%arg8 : memref<40x125xi32, #tpu.memory_space<vmem>>)
      tpu.yield
    }) : () -> ()
    %dma_start3A_51 = arith.constant 0 : i32
    %dma_start3A_52 = arith.constant 0 : i32
    %dma_start3A_53 = tpu.memref_slice %arg7[%dma_start3A_51, %dma_start3A_52] : memref<40x125xi32, #tpu.memory_space<vmem>> -> memref<1x125xi32, #tpu.memory_space<vmem>>
    %dma_start3A_54 = tpu.memref_squeeze %dma_start3A_53 : memref<1x125xi32, #tpu.memory_space<vmem>> -> memref<125xi32, #tpu.memory_space<vmem>>
    %dma_start3A_55 = arith.constant 0 : i32
    %dma_start3A_56 = arith.constant 0 : i32
    %dma_start3A_57 = tpu.memref_slice %arg2[%dma_start3A_55, %dma_start3A_56] : memref<10000x128xf32, #tpu.memory_space<hbm>> -> memref<10000x128xf32, #tpu.memory_space<hbm>>
    tpu.enqueue_indirect_dma source(%dma_start3A_57 : memref<10000x128xf32, #tpu.memory_space<hbm>>) target(%arg9 : memref<125x128xf32, #tpu.memory_space<vmem>>) offsets(%dma_start3A_54 : memref<125xi32, #tpu.memory_space<vmem>>) semaphore(%arg11 : memref<!tpu.dma_semaphore, #tpu.memory_space<semaphore_mem>>)
    %dma_start3A_58 = arith.constant 1 : i32
    %dma_start3A_59 = arith.constant 0 : i32
    %dma_start3A_60 = tpu.memref_slice %arg7[%dma_start3A_58, %dma_start3A_59] : memref<40x125xi32, #tpu.memory_space<vmem>> -> memref<1x125xi32, #tpu.memory_space<vmem>>
    %dma_start3A_61 = tpu.memref_squeeze %dma_start3A_60 : memref<1x125xi32, #tpu.memory_space<vmem>> -> memref<125xi32, #tpu.memory_space<vmem>>
    %dma_start3A_62 = arith.constant 0 : i32
    %dma_start3A_63 = arith.constant 0 : i32
    %dma_start3A_64 = tpu.memref_slice %arg2[%dma_start3A_62, %dma_start3A_63] : memref<10000x128xf32, #tpu.memory_space<hbm>> -> memref<10000x128xf32, #tpu.memory_space<hbm>>
    tpu.enqueue_indirect_dma source(%dma_start3A_64 : memref<10000x128xf32, #tpu.memory_space<hbm>>) target(%arg10 : memref<125x128xf32, #tpu.memory_space<vmem>>) offsets(%dma_start3A_61 : memref<125xi32, #tpu.memory_space<vmem>>) semaphore(%arg12 : memref<!tpu.dma_semaphore, #tpu.memory_space<semaphore_mem>>)
    %scan3A_65 = arith.constant 0 : i32
    %scan3A_66 = arith.constant 0 : i32
    %scan3A_67 = arith.constant 20 : i32
    %scan3A_68 = arith.addi %scan3A_66, %scan3A_67 : i32
    %scan3A_69 = arith.constant 1 : i32
    %scan3A_70 = scf.for %scan3A_91 = %scan3A_66 to %scan3A_68 step %scan3A_69 iter_args(%scan3A_92 = %scan3A_65) -> (i32)  : i32 {
      %mul3A_93 = arith.constant 2 : i32
      %mul3A_94 = arith.muli %scan3A_91, %mul3A_93 : i32
      %add3A_95 = arith.constant 0 : i32
      %add3A_96 = arith.addi %mul3A_94, %add3A_95 : i32
      %dma_wait3A_97 = arith.constant 0 : i32
      %dma_wait3A_98 = tpu.memref_slice %arg7[%add3A_96, %dma_wait3A_97] : memref<40x125xi32, #tpu.memory_space<vmem>> -> memref<1x125xi32, #tpu.memory_space<vmem>>
      %dma_wait3A_99 = tpu.memref_squeeze %dma_wait3A_98 : memref<1x125xi32, #tpu.memory_space<vmem>> -> memref<125xi32, #tpu.memory_space<vmem>>
      %dma_wait3A_100 = arith.constant 0 : i32
      %dma_wait3A_101 = arith.constant 0 : i32
      %dma_wait3A_102 = tpu.memref_slice %arg2[%dma_wait3A_100, %dma_wait3A_101] : memref<10000x128xf32, #tpu.memory_space<hbm>> -> memref<10000x128xf32, #tpu.memory_space<hbm>>
      tpu.wait_indirect_dma semaphore(%arg11 : memref<!tpu.dma_semaphore, #tpu.memory_space<semaphore_mem>>) src(%dma_wait3A_102 : memref<10000x128xf32, #tpu.memory_space<hbm>>) dst(%arg9 : memref<125x128xf32, #tpu.memory_space<vmem>>)
      %dma_start3A_103 = arith.constant 0 : i32
      %dma_start3A_104 = tpu.memref_slice %arg8[%add3A_96, %dma_start3A_103] : memref<40x125xi32, #tpu.memory_space<vmem>> -> memref<1x125xi32, #tpu.memory_space<vmem>>
      %dma_start3A_105 = tpu.memref_squeeze %dma_start3A_104 : memref<1x125xi32, #tpu.memory_space<vmem>> -> memref<125xi32, #tpu.memory_space<vmem>>
      %dma_start3A_106 = arith.constant 0 : i32
      %dma_start3A_107 = arith.constant 0 : i32
      %dma_start3A_108 = tpu.memref_slice %arg15[%dma_start3A_106, %dma_start3A_107] : memref<10240x128xf32, #tpu.memory_space<vmem_shared>> -> memref<10240x128xf32, #tpu.memory_space<vmem_shared>>
      tpu.enqueue_indirect_dma source(%arg9 : memref<125x128xf32, #tpu.memory_space<vmem>>) target(%dma_start3A_108 : memref<10240x128xf32, #tpu.memory_space<vmem_shared>>) offsets(%dma_start3A_105 : memref<125xi32, #tpu.memory_space<vmem>>) semaphore(%arg13 : memref<!tpu.dma_semaphore, #tpu.memory_space<semaphore_mem>>) {add = true}
      %add3A_109 = arith.constant 1 : i32
      %add3A_110 = arith.addi %mul3A_94, %add3A_109 : i32
      %dma_wait3A_111 = arith.constant 0 : i32
      %dma_wait3A_112 = tpu.memref_slice %arg7[%add3A_110, %dma_wait3A_111] : memref<40x125xi32, #tpu.memory_space<vmem>> -> memref<1x125xi32, #tpu.memory_space<vmem>>
      %dma_wait3A_113 = tpu.memref_squeeze %dma_wait3A_112 : memref<1x125xi32, #tpu.memory_space<vmem>> -> memref<125xi32, #tpu.memory_space<vmem>>
      %dma_wait3A_114 = arith.constant 0 : i32
      %dma_wait3A_115 = arith.constant 0 : i32
      %dma_wait3A_116 = tpu.memref_slice %arg2[%dma_wait3A_114, %dma_wait3A_115] : memref<10000x128xf32, #tpu.memory_space<hbm>> -> memref<10000x128xf32, #tpu.memory_space<hbm>>
      tpu.wait_indirect_dma semaphore(%arg12 : memref<!tpu.dma_semaphore, #tpu.memory_space<semaphore_mem>>) src(%dma_wait3A_116 : memref<10000x128xf32, #tpu.memory_space<hbm>>) dst(%arg10 : memref<125x128xf32, #tpu.memory_space<vmem>>)
      %dma_start3A_117 = arith.constant 0 : i32
      %dma_start3A_118 = tpu.memref_slice %arg8[%add3A_110, %dma_start3A_117] : memref<40x125xi32, #tpu.memory_space<vmem>> -> memref<1x125xi32, #tpu.memory_space<vmem>>
      %dma_start3A_119 = tpu.memref_squeeze %dma_start3A_118 : memref<1x125xi32, #tpu.memory_space<vmem>> -> memref<125xi32, #tpu.memory_space<vmem>>
      %dma_start3A_120 = arith.constant 0 : i32
      %dma_start3A_121 = arith.constant 0 : i32
      %dma_start3A_122 = tpu.memref_slice %arg15[%dma_start3A_120, %dma_start3A_121] : memref<10240x128xf32, #tpu.memory_space<vmem_shared>> -> memref<10240x128xf32, #tpu.memory_space<vmem_shared>>
      tpu.enqueue_indirect_dma source(%arg10 : memref<125x128xf32, #tpu.memory_space<vmem>>) target(%dma_start3A_122 : memref<10240x128xf32, #tpu.memory_space<vmem_shared>>) offsets(%dma_start3A_119 : memref<125xi32, #tpu.memory_space<vmem>>) semaphore(%arg14 : memref<!tpu.dma_semaphore, #tpu.memory_space<semaphore_mem>>) {add = true}
      %add3A_123 = arith.constant 0 : i32
      %add3A_124 = arith.addi %mul3A_94, %add3A_123 : i32
      %add3A_125 = arith.constant 2 : i32
      %add3A_126 = arith.addi %add3A_124, %add3A_125 : i32
      %lt3A = arith.constant 40 : i32
      %lt3A_127 = arith.cmpi slt, %add3A_126, %lt3A : i32
      %convert_element_type3A = arith.extui %lt3A_127 : i1 to i32
      %cond3A = arith.constant 0 : i32
      %cond3A_128 = arith.cmpi ne, %convert_element_type3A, %cond3A : i32
      scf.if %cond3A_128 {
        %dma_wait3A_139 = arith.constant 0 : i32
        %dma_wait3A_140 = tpu.memref_slice %arg8[%add3A_124, %dma_wait3A_139] : memref<40x125xi32, #tpu.memory_space<vmem>> -> memref<1x125xi32, #tpu.memory_space<vmem>>
        %dma_wait3A_141 = tpu.memref_squeeze %dma_wait3A_140 : memref<1x125xi32, #tpu.memory_space<vmem>> -> memref<125xi32, #tpu.memory_space<vmem>>
        %dma_wait3A_142 = arith.constant 0 : i32
        %dma_wait3A_143 = arith.constant 0 : i32
        %dma_wait3A_144 = tpu.memref_slice %arg15[%dma_wait3A_142, %dma_wait3A_143] : memref<10240x128xf32, #tpu.memory_space<vmem_shared>> -> memref<10240x128xf32, #tpu.memory_space<vmem_shared>>
        tpu.wait_indirect_dma semaphore(%arg13 : memref<!tpu.dma_semaphore, #tpu.memory_space<semaphore_mem>>) src(%arg9 : memref<125x128xf32, #tpu.memory_space<vmem>>) dst(%dma_wait3A_144 : memref<10240x128xf32, #tpu.memory_space<vmem_shared>>)
        %add3A_145 = arith.constant 2 : i32
        %add3A_146 = arith.addi %add3A_124, %add3A_145 : i32
        %dma_start3A_147 = arith.constant 0 : i32
        %dma_start3A_148 = tpu.memref_slice %arg7[%add3A_146, %dma_start3A_147] : memref<40x125xi32, #tpu.memory_space<vmem>> -> memref<1x125xi32, #tpu.memory_space<vmem>>
        %dma_start3A_149 = tpu.memref_squeeze %dma_start3A_148 : memref<1x125xi32, #tpu.memory_space<vmem>> -> memref<125xi32, #tpu.memory_space<vmem>>
        %dma_start3A_150 = arith.constant 0 : i32
        %dma_start3A_151 = arith.constant 0 : i32
        %dma_start3A_152 = tpu.memref_slice %arg2[%dma_start3A_150, %dma_start3A_151] : memref<10000x128xf32, #tpu.memory_space<hbm>> -> memref<10000x128xf32, #tpu.memory_space<hbm>>
        tpu.enqueue_indirect_dma source(%dma_start3A_152 : memref<10000x128xf32, #tpu.memory_space<hbm>>) target(%arg9 : memref<125x128xf32, #tpu.memory_space<vmem>>) offsets(%dma_start3A_149 : memref<125xi32, #tpu.memory_space<vmem>>) semaphore(%arg11 : memref<!tpu.dma_semaphore, #tpu.memory_space<semaphore_mem>>)
      } else {
      }
      %add3A_129 = arith.constant 1 : i32
      %add3A_130 = arith.addi %mul3A_94, %add3A_129 : i32
      %add3A_131 = arith.constant 2 : i32
      %add3A_132 = arith.addi %add3A_130, %add3A_131 : i32
      %lt3A_133 = arith.constant 40 : i32
      %lt3A_134 = arith.cmpi slt, %add3A_132, %lt3A_133 : i32
      %convert_element_type3A_135 = arith.extui %lt3A_134 : i1 to i32
      %cond3A_136 = arith.constant 0 : i32
      %cond3A_137 = arith.cmpi ne, %convert_element_type3A_135, %cond3A_136 : i32
      scf.if %cond3A_137 {
        %dma_wait3A_139 = arith.constant 0 : i32
        %dma_wait3A_140 = tpu.memref_slice %arg8[%add3A_130, %dma_wait3A_139] : memref<40x125xi32, #tpu.memory_space<vmem>> -> memref<1x125xi32, #tpu.memory_space<vmem>>
        %dma_wait3A_141 = tpu.memref_squeeze %dma_wait3A_140 : memref<1x125xi32, #tpu.memory_space<vmem>> -> memref<125xi32, #tpu.memory_space<vmem>>
        %dma_wait3A_142 = arith.constant 0 : i32
        %dma_wait3A_143 = arith.constant 0 : i32
        %dma_wait3A_144 = tpu.memref_slice %arg15[%dma_wait3A_142, %dma_wait3A_143] : memref<10240x128xf32, #tpu.memory_space<vmem_shared>> -> memref<10240x128xf32, #tpu.memory_space<vmem_shared>>
        tpu.wait_indirect_dma semaphore(%arg14 : memref<!tpu.dma_semaphore, #tpu.memory_space<semaphore_mem>>) src(%arg10 : memref<125x128xf32, #tpu.memory_space<vmem>>) dst(%dma_wait3A_144 : memref<10240x128xf32, #tpu.memory_space<vmem_shared>>)
        %add3A_145 = arith.constant 2 : i32
        %add3A_146 = arith.addi %add3A_130, %add3A_145 : i32
        %dma_start3A_147 = arith.constant 0 : i32
        %dma_start3A_148 = tpu.memref_slice %arg7[%add3A_146, %dma_start3A_147] : memref<40x125xi32, #tpu.memory_space<vmem>> -> memref<1x125xi32, #tpu.memory_space<vmem>>
        %dma_start3A_149 = tpu.memref_squeeze %dma_start3A_148 : memref<1x125xi32, #tpu.memory_space<vmem>> -> memref<125xi32, #tpu.memory_space<vmem>>
        %dma_start3A_150 = arith.constant 0 : i32
        %dma_start3A_151 = arith.constant 0 : i32
        %dma_start3A_152 = tpu.memref_slice %arg2[%dma_start3A_150, %dma_start3A_151] : memref<10000x128xf32, #tpu.memory_space<hbm>> -> memref<10000x128xf32, #tpu.memory_space<hbm>>
        tpu.enqueue_indirect_dma source(%dma_start3A_152 : memref<10000x128xf32, #tpu.memory_space<hbm>>) target(%arg10 : memref<125x128xf32, #tpu.memory_space<vmem>>) offsets(%dma_start3A_149 : memref<125xi32, #tpu.memory_space<vmem>>) semaphore(%arg12 : memref<!tpu.dma_semaphore, #tpu.memory_space<semaphore_mem>>)
      } else {
      }
      %scan3A_138 = arith.constant 0 : i32
      scf.yield %scan3A_138 : i32
    }
    %scan3A_71 = arith.constant 20 : i32
    %dma_wait3A_72 = arith.constant 38 : i32
    %dma_wait3A_73 = arith.constant 0 : i32
    %dma_wait3A_74 = tpu.memref_slice %arg8[%dma_wait3A_72, %dma_wait3A_73] : memref<40x125xi32, #tpu.memory_space<vmem>> -> memref<1x125xi32, #tpu.memory_space<vmem>>
    %dma_wait3A_75 = tpu.memref_squeeze %dma_wait3A_74 : memref<1x125xi32, #tpu.memory_space<vmem>> -> memref<125xi32, #tpu.memory_space<vmem>>
    %dma_wait3A_76 = arith.constant 0 : i32
    %dma_wait3A_77 = arith.constant 0 : i32
    %dma_wait3A_78 = tpu.memref_slice %arg15[%dma_wait3A_76, %dma_wait3A_77] : memref<10240x128xf32, #tpu.memory_space<vmem_shared>> -> memref<10240x128xf32, #tpu.memory_space<vmem_shared>>
    tpu.wait_indirect_dma semaphore(%arg13 : memref<!tpu.dma_semaphore, #tpu.memory_space<semaphore_mem>>) src(%arg9 : memref<125x128xf32, #tpu.memory_space<vmem>>) dst(%dma_wait3A_78 : memref<10240x128xf32, #tpu.memory_space<vmem_shared>>)
    %dma_wait3A_79 = arith.constant 39 : i32
    %dma_wait3A_80 = arith.constant 0 : i32
    %dma_wait3A_81 = tpu.memref_slice %arg8[%dma_wait3A_79, %dma_wait3A_80] : memref<40x125xi32, #tpu.memory_space<vmem>> -> memref<1x125xi32, #tpu.memory_space<vmem>>
    %dma_wait3A_82 = tpu.memref_squeeze %dma_wait3A_81 : memref<1x125xi32, #tpu.memory_space<vmem>> -> memref<125xi32, #tpu.memory_space<vmem>>
    %dma_wait3A_83 = arith.constant 0 : i32
    %dma_wait3A_84 = arith.constant 0 : i32
    %dma_wait3A_85 = tpu.memref_slice %arg15[%dma_wait3A_83, %dma_wait3A_84] : memref<10240x128xf32, #tpu.memory_space<vmem_shared>> -> memref<10240x128xf32, #tpu.memory_space<vmem_shared>>
    tpu.wait_indirect_dma semaphore(%arg14 : memref<!tpu.dma_semaphore, #tpu.memory_space<semaphore_mem>>) src(%arg10 : memref<125x128xf32, #tpu.memory_space<vmem>>) dst(%dma_wait3A_85 : memref<10240x128xf32, #tpu.memory_space<vmem_shared>>)
    %barrier3A_86 = arith.constant 0 : index
    tpu.barrier barrier_id(%barrier3A_86)
    %mul3A_87 = arith.constant 640 : i32
    %mul3A_88 = arith.muli %arg1, %mul3A_87 : i32
    %mul3A_89 = arith.constant 640 : i32
    %mul3A_90 = arith.muli %arg1, %mul3A_89 : i32
    "tpu.region"() ({
      %run_scoped3A = tpu.sem_alloc : memref<!tpu.dma_semaphore, #tpu.memory_space<semaphore_mem>>
      %dma_start3A_91 = arith.constant 0 : i32
      %dma_start3A_92 = tpu.memref_slice %arg6[%arg0, %mul3A_90, %dma_start3A_91] : memref<2x10240x128xf32, #tpu.memory_space<hbm>> -> memref<1x640x128xf32, #tpu.memory_space<hbm>>
      %dma_start3A_93 = tpu.memref_squeeze %dma_start3A_92 : memref<1x640x128xf32, #tpu.memory_space<hbm>> -> memref<640x128xf32, #tpu.memory_space<hbm>>
      %dma_start3A_94 = arith.constant 0 : i32
      %dma_start3A_95 = tpu.memref_slice %arg15[%mul3A_88, %dma_start3A_94] : memref<10240x128xf32, #tpu.memory_space<vmem_shared>> -> memref<640x128xf32, #tpu.memory_space<vmem_shared>>
      tpu.enqueue_dma source(%dma_start3A_95 : memref<640x128xf32, #tpu.memory_space<vmem_shared>>) target(%dma_start3A_93 : memref<640x128xf32, #tpu.memory_space<hbm>>) target_semaphore(%run_scoped3A : memref<!tpu.dma_semaphore, #tpu.memory_space<semaphore_mem>>)
      %dma_wait3A_96 = arith.constant 0 : i32
      %dma_wait3A_97 = tpu.memref_slice %arg6[%arg0, %mul3A_90, %dma_wait3A_96] : memref<2x10240x128xf32, #tpu.memory_space<hbm>> -> memref<1x640x128xf32, #tpu.memory_space<hbm>>
      %dma_wait3A_98 = tpu.memref_squeeze %dma_wait3A_97 : memref<1x640x128xf32, #tpu.memory_space<hbm>> -> memref<640x128xf32, #tpu.memory_space<hbm>>
      %dma_wait3A_99 = arith.constant 0 : i32
      %dma_wait3A_100 = tpu.memref_slice %arg15[%mul3A_88, %dma_wait3A_99] : memref<10240x128xf32, #tpu.memory_space<vmem_shared>> -> memref<640x128xf32, #tpu.memory_space<vmem_shared>>
      tpu.wait_dma2 semaphore(%run_scoped3A : memref<!tpu.dma_semaphore, #tpu.memory_space<semaphore_mem>>) src(%dma_wait3A_100 : memref<640x128xf32, #tpu.memory_space<vmem_shared>>) dst(%dma_wait3A_98 : memref<640x128xf32, #tpu.memory_space<hbm>>)
      tpu.yield
    }) : () -> ()
    return
  }
}

module attributes {stable_mosaic.version = 14 : i64} {
  func.func @_l1_body(%arg0: i32, %arg1: memref<2000x128xf32, #tpu.memory_space<vmem>>, %arg2: memref<128x128xf32, #tpu.memory_space<vmem>>, %arg3: memref<2000x2xf32, #tpu.memory_space<vmem>>, %arg4: memref<2000x1xf32, #tpu.memory_space<vmem>>, %arg5: memref<2000x128xf32, #tpu.memory_space<vmem>>) attributes {dimension_semantics = [#tpu.dimension_semantics<arbitrary>], iteration_bounds = array<i64: 5>, scalar_prefetch = 0 : i64, scratch_operands = 0 : i64, tpu.core_type = #tpu.core_type<tc>, window_params = [{transform_indices = @transform_0, window_bounds = array<i64: 2000, 128>}, {pipeline_mode = #tpu.pipeline_mode<synchronous>, transform_indices = @transform_1, window_bounds = array<i64: 128, 128>}, {transform_indices = @transform_2, window_bounds = array<i64: 2000, 2>}, {transform_indices = @transform_3, window_bounds = array<i64: 2000, 1>}, {transform_indices = @transform_4, window_bounds = array<i64: 2000, 128>}]} {
    %get3A = arith.constant 0 : index
    %get3A_0 = arith.constant 0 : index
    %get3A_1 = vector.load %arg3[%get3A, %get3A_0] : memref<2000x2xf32, #tpu.memory_space<vmem>>, vector<2000x1xf32>
    %get3A_2 = arith.constant 0 : index
    %get3A_3 = arith.constant 1 : index
    %get3A_4 = vector.load %arg3[%get3A_2, %get3A_3] : memref<2000x2xf32, #tpu.memory_space<vmem>>, vector<2000x1xf32>
    %add3A = arith.addf %get3A_1, %get3A_4 : vector<2000x1xf32>
    %add3A_5 = arith.constant 1.000000e+00 : f32
    %add3A_6 = vector.broadcast %add3A_5 : f32 to vector<2000x1xf32>
    %add3A_7 = arith.addf %add3A, %add3A_6 : vector<2000x1xf32>
    %rsqrt3A = math.rsqrt %add3A_7 : vector<2000x1xf32>
    %swap3A = arith.constant 0 : index
    %swap3A_8 = arith.constant 0 : index
    %swap3A_9 = vector.load %arg4[%swap3A, %swap3A_8] : memref<2000x1xf32, #tpu.memory_space<vmem>>, vector<2000x1xf32>
    tpu.vector_store %arg4[%swap3A, %swap3A_8], %rsqrt3A {strides = array<i32>} : memref<2000x1xf32, #tpu.memory_space<vmem>>, vector<2000x1xf32>,
    %get3A_10 = arith.constant 0 : index
    %get3A_11 = arith.constant 0 : index
    %get3A_12 = vector.load %arg1[%get3A_10, %get3A_11] : memref<2000x128xf32, #tpu.memory_space<vmem>>, vector<2000x128xf32>
    %get3A_13 = arith.constant 0 : index
    %get3A_14 = arith.constant 0 : index
    %get3A_15 = vector.load %arg2[%get3A_13, %get3A_14] : memref<128x128xf32, #tpu.memory_space<vmem>>, vector<128x128xf32>
    %dot_general3A = arith.constant dense<0.000000e+00> : vector<2000x128xf32>
    %dot_general3A_16 = tpu.matmul %get3A_12, %get3A_15, %dot_general3A {dimension_numbers = #tpu.dot_dimension_numbers<[1], [0], [0], [1], [0, 0, 1, 1], [], []>, precision = #tpu.contract_precision<fp32>, transpose_lhs_hint = false} : vector<2000x128xf32>, vector<128x128xf32>, vector<2000x128xf32> -> vector<2000x128xf32>
    %mul3A = vector.broadcast %rsqrt3A : vector<2000x1xf32> to vector<2000x128xf32>
    %mul3A_17 = arith.mulf %mul3A, %dot_general3A_16 : vector<2000x128xf32>
    %swap3A_18 = arith.constant 0 : index
    %swap3A_19 = arith.constant 0 : index
    %swap3A_20 = vector.load %arg5[%swap3A_18, %swap3A_19] : memref<2000x128xf32, #tpu.memory_space<vmem>>, vector<2000x128xf32>
    tpu.vector_store %arg5[%swap3A_18, %swap3A_19], %mul3A_17 {strides = array<i32>} : memref<2000x128xf32, #tpu.memory_space<vmem>>, vector<2000x128xf32>,
    return
  }
  func.func @transform_0(%arg0: i32) -> (i32, i32) {
    %c0_i32 = arith.constant 0 : i32
    %c0_i32_0 = arith.constant 0 : i32
    return %arg0, %c0_i32 : i32, i32
  }
  func.func @transform_1(%arg0: i32) -> (i32, i32) {
    %c0_i32 = arith.constant 0 : i32
    %c0_i32_0 = arith.constant 0 : i32
    %c0_i32_1 = arith.constant 0 : i32
    return %c0_i32, %c0_i32_0 : i32, i32
  }
  func.func @transform_2(%arg0: i32) -> (i32, i32) {
    %c0_i32 = arith.constant 0 : i32
    %c0_i32_0 = arith.constant 0 : i32
    return %arg0, %c0_i32 : i32, i32
  }
  func.func @transform_3(%arg0: i32) -> (i32, i32) {
    %c0_i32 = arith.constant 0 : i32
    %c0_i32_0 = arith.constant 0 : i32
    return %arg0, %c0_i32 : i32, i32
  }
  func.func @transform_4(%arg0: i32) -> (i32, i32) {
    %c0_i32 = arith.constant 0 : i32
    %c0_i32_0 = arith.constant 0 : i32
    return %arg0, %c0_i32 : i32, i32
  }
}

module attributes {stable_mosaic.version = 14 : i64} {
  func.func @_lmid_body(%arg0: i32, %arg1: memref<2x2000x128xf32, #tpu.memory_space<vmem>>, %arg2: memref<2000x128xf32, #tpu.memory_space<vmem>>, %arg3: memref<1x128xf32, #tpu.memory_space<vmem>>, %arg4: memref<2000x1xf32, #tpu.memory_space<vmem>>, %arg5: memref<128x128xf32, #tpu.memory_space<vmem>>, %arg6: memref<2000x128xf32, #tpu.memory_space<vmem>>) attributes {dimension_semantics = [#tpu.dimension_semantics<arbitrary>], iteration_bounds = array<i64: 5>, scalar_prefetch = 0 : i64, scratch_operands = 0 : i64, tpu.core_type = #tpu.core_type<tc>, window_params = [{transform_indices = @transform_0, window_bounds = array<i64: 2, 2000, 128>}, {transform_indices = @transform_1, window_bounds = array<i64: 2000, 128>}, {pipeline_mode = #tpu.pipeline_mode<synchronous>, transform_indices = @transform_2, window_bounds = array<i64: 1, 128>}, {transform_indices = @transform_3, window_bounds = array<i64: 2000, 1>}, {pipeline_mode = #tpu.pipeline_mode<synchronous>, transform_indices = @transform_4, window_bounds = array<i64: 128, 128>}, {transform_indices = @transform_5, window_bounds = array<i64: 2000, 128>}]} {
    %get3A = arith.constant 0 : index
    %get3A_0 = arith.constant 0 : index
    %get3A_1 = vector.load %arg4[%get3A, %get3A_0] : memref<2000x1xf32, #tpu.memory_space<vmem>>, vector<2000x1xf32>
    %get3A_2 = arith.constant 0 : index
    %get3A_3 = arith.constant 0 : index
    %get3A_4 = arith.constant 0 : index
    %get3A_5 = vector.load %arg1[%get3A_2, %get3A_3, %get3A_4] : memref<2x2000x128xf32, #tpu.memory_space<vmem>>, vector<1x2000x128xf32>
    %get3A_6 = vector.shape_cast %get3A_5 : vector<1x2000x128xf32> to vector<2000x128xf32>
    %get3A_7 = arith.constant 1 : index
    %get3A_8 = arith.constant 0 : index
    %get3A_9 = arith.constant 0 : index
    %get3A_10 = vector.load %arg1[%get3A_7, %get3A_8, %get3A_9] : memref<2x2000x128xf32, #tpu.memory_space<vmem>>, vector<1x2000x128xf32>
    %get3A_11 = vector.shape_cast %get3A_10 : vector<1x2000x128xf32> to vector<2000x128xf32>
    %add3A = arith.addf %get3A_6, %get3A_11 : vector<2000x128xf32>
    %get3A_12 = arith.constant 0 : index
    %get3A_13 = arith.constant 0 : index
    %get3A_14 = vector.load %arg2[%get3A_12, %get3A_13] : memref<2000x128xf32, #tpu.memory_space<vmem>>, vector<2000x128xf32>
    %add3A_15 = arith.addf %add3A, %get3A_14 : vector<2000x128xf32>
    %mul3A = vector.broadcast %get3A_1 : vector<2000x1xf32> to vector<2000x128xf32>
    %mul3A_16 = arith.mulf %mul3A, %add3A_15 : vector<2000x128xf32>
    %get3A_17 = arith.constant 0 : index
    %get3A_18 = arith.constant 0 : index
    %get3A_19 = vector.load %arg3[%get3A_17, %get3A_18] : memref<1x128xf32, #tpu.memory_space<vmem>>, vector<1x128xf32>
    %add3A_20 = vector.broadcast %get3A_19 : vector<1x128xf32> to vector<2000x128xf32>
    %add3A_21 = arith.addf %mul3A_16, %add3A_20 : vector<2000x128xf32>
    %max3A = arith.constant 0.000000e+00 : f32
    %max3A_22 = vector.broadcast %max3A : f32 to vector<2000x128xf32>
    %max3A_23 = arith.maximumf %add3A_21, %max3A_22 : vector<2000x128xf32>
    %get3A_24 = arith.constant 0 : index
    %get3A_25 = arith.constant 0 : index
    %get3A_26 = vector.load %arg5[%get3A_24, %get3A_25] : memref<128x128xf32, #tpu.memory_space<vmem>>, vector<128x128xf32>
    %dot_general3A = arith.constant dense<0.000000e+00> : vector<2000x128xf32>
    %dot_general3A_27 = tpu.matmul %max3A_23, %get3A_26, %dot_general3A {dimension_numbers = #tpu.dot_dimension_numbers<[1], [0], [0], [1], [0, 0, 1, 1], [], []>, precision = #tpu.contract_precision<fp32>, transpose_lhs_hint = false} : vector<2000x128xf32>, vector<128x128xf32>, vector<2000x128xf32> -> vector<2000x128xf32>
    %mul3A_28 = vector.broadcast %get3A_1 : vector<2000x1xf32> to vector<2000x128xf32>
    %mul3A_29 = arith.mulf %mul3A_28, %dot_general3A_27 : vector<2000x128xf32>
    %swap3A = arith.constant 0 : index
    %swap3A_30 = arith.constant 0 : index
    %swap3A_31 = vector.load %arg6[%swap3A, %swap3A_30] : memref<2000x128xf32, #tpu.memory_space<vmem>>, vector<2000x128xf32>
    tpu.vector_store %arg6[%swap3A, %swap3A_30], %mul3A_29 {strides = array<i32>} : memref<2000x128xf32, #tpu.memory_space<vmem>>, vector<2000x128xf32>,
    return
  }
  func.func @transform_0(%arg0: i32) -> (i32, i32, i32) {
    %c0_i32 = arith.constant 0 : i32
    %c0_i32_0 = arith.constant 0 : i32
    %c0_i32_1 = arith.constant 0 : i32
    return %c0_i32, %arg0, %c0_i32_0 : i32, i32, i32
  }
  func.func @transform_1(%arg0: i32) -> (i32, i32) {
    %c0_i32 = arith.constant 0 : i32
    %c0_i32_0 = arith.constant 0 : i32
    return %arg0, %c0_i32 : i32, i32
  }
  func.func @transform_2(%arg0: i32) -> (i32, i32) {
    %c0_i32 = arith.constant 0 : i32
    %c0_i32_0 = arith.constant 0 : i32
    %c0_i32_1 = arith.constant 0 : i32
    return %c0_i32, %c0_i32_0 : i32, i32
  }
  func.func @transform_3(%arg0: i32) -> (i32, i32) {
    %c0_i32 = arith.constant 0 : i32
    %c0_i32_0 = arith.constant 0 : i32
    return %arg0, %c0_i32 : i32, i32
  }
  func.func @transform_4(%arg0: i32) -> (i32, i32) {
    %c0_i32 = arith.constant 0 : i32
    %c0_i32_0 = arith.constant 0 : i32
    %c0_i32_1 = arith.constant 0 : i32
    return %c0_i32, %c0_i32_0 : i32, i32
  }
  func.func @transform_5(%arg0: i32) -> (i32, i32) {
    %c0_i32 = arith.constant 0 : i32
    %c0_i32_0 = arith.constant 0 : i32
    return %arg0, %c0_i32 : i32, i32
  }
}

module attributes {stable_mosaic.version = 14 : i64} {
  func.func @_pool_body(%arg0: i32, %arg1: memref<2x2000x128xf32, #tpu.memory_space<vmem>>, %arg2: memref<2000x128xf32, #tpu.memory_space<vmem>>, %arg3: memref<1x128xf32, #tpu.memory_space<vmem>>, %arg4: memref<2000x1xf32, #tpu.memory_space<vmem>>, %arg5: memref<2000x1xi32, #tpu.memory_space<vmem>>, %arg6: memref<256x128xf32, #tpu.memory_space<vmem>>, %arg7: memref<1x128xf32, #tpu.memory_space<vmem>>, %arg8: memref<128x16xf32, #tpu.memory_space<vmem>>, %arg9: memref<1x16xf32, #tpu.memory_space<vmem>>, %arg10: memref<64x16xf32, #tpu.memory_space<vmem>>, %arg11: memref<64x128xf32, #tpu.memory_space<vmem>>, %arg12: memref<64x1xf32, #tpu.memory_space<vmem>>, %arg13: memref<64x128xf32, #tpu.memory_space<vmem>>) attributes {dimension_semantics = [#tpu.dimension_semantics<arbitrary>], iteration_bounds = array<i64: 5>, scalar_prefetch = 0 : i64, scratch_operands = 3 : i64, tpu.core_type = #tpu.core_type<tc>, window_params = [{transform_indices = @transform_0, window_bounds = array<i64: 2, 2000, 128>}, {transform_indices = @transform_1, window_bounds = array<i64: 2000, 128>}, {pipeline_mode = #tpu.pipeline_mode<synchronous>, transform_indices = @transform_2, window_bounds = array<i64: 1, 128>}, {transform_indices = @transform_3, window_bounds = array<i64: 2000, 1>}, {transform_indices = @transform_4, window_bounds = array<i64: 2000, 1>}, {pipeline_mode = #tpu.pipeline_mode<synchronous>, transform_indices = @transform_5, window_bounds = array<i64: 256, 128>}, {pipeline_mode = #tpu.pipeline_mode<synchronous>, transform_indices = @transform_6, window_bounds = array<i64: 1, 128>}, {pipeline_mode = #tpu.pipeline_mode<synchronous>, transform_indices = @transform_7, window_bounds = array<i64: 128, 16>}, {pipeline_mode = #tpu.pipeline_mode<synchronous>, transform_indices = @transform_8, window_bounds = array<i64: 1, 16>}, {pipeline_mode = #tpu.pipeline_mode<synchronous>, transform_indices = @transform_9, window_bounds = array<i64: 64, 16>}]} {
    %get3A = arith.constant 0 : index
    %get3A_0 = arith.constant 0 : index
    %get3A_1 = vector.load %arg4[%get3A, %get3A_0] : memref<2000x1xf32, #tpu.memory_space<vmem>>, vector<2000x1xf32>
    %get3A_2 = arith.constant 0 : index
    %get3A_3 = arith.constant 0 : index
    %get3A_4 = arith.constant 0 : index
    %get3A_5 = vector.load %arg1[%get3A_2, %get3A_3, %get3A_4] : memref<2x2000x128xf32, #tpu.memory_space<vmem>>, vector<1x2000x128xf32>
    %get3A_6 = vector.shape_cast %get3A_5 : vector<1x2000x128xf32> to vector<2000x128xf32>
    %get3A_7 = arith.constant 1 : index
    %get3A_8 = arith.constant 0 : index
    %get3A_9 = arith.constant 0 : index
    %get3A_10 = vector.load %arg1[%get3A_7, %get3A_8, %get3A_9] : memref<2x2000x128xf32, #tpu.memory_space<vmem>>, vector<1x2000x128xf32>
    %get3A_11 = vector.shape_cast %get3A_10 : vector<1x2000x128xf32> to vector<2000x128xf32>
    %add3A = arith.addf %get3A_6, %get3A_11 : vector<2000x128xf32>
    %get3A_12 = arith.constant 0 : index
    %get3A_13 = arith.constant 0 : index
    %get3A_14 = vector.load %arg2[%get3A_12, %get3A_13] : memref<2000x128xf32, #tpu.memory_space<vmem>>, vector<2000x128xf32>
    %add3A_15 = arith.addf %add3A, %get3A_14 : vector<2000x128xf32>
    %mul3A = vector.broadcast %get3A_1 : vector<2000x1xf32> to vector<2000x128xf32>
    %mul3A_16 = arith.mulf %mul3A, %add3A_15 : vector<2000x128xf32>
    %get3A_17 = arith.constant 0 : index
    %get3A_18 = arith.constant 0 : index
    %get3A_19 = vector.load %arg3[%get3A_17, %get3A_18] : memref<1x128xf32, #tpu.memory_space<vmem>>, vector<1x128xf32>
    %add3A_20 = vector.broadcast %get3A_19 : vector<1x128xf32> to vector<2000x128xf32>
    %add3A_21 = arith.addf %mul3A_16, %add3A_20 : vector<2000x128xf32>
    %get3A_22 = arith.constant 0 : index
    %get3A_23 = arith.constant 0 : index
    %get3A_24 = vector.load %arg5[%get3A_22, %get3A_23] : memref<2000x1xi32, #tpu.memory_space<vmem>>, vector<2000x1xi32>
    %iota3A = tpu.iota {dimensions = array<i32: 1>} : vector<1x64xi32>
    %eq3A = vector.broadcast %get3A_24 : vector<2000x1xi32> to vector<2000x64xi32>
    %eq3A_25 = vector.broadcast %iota3A : vector<1x64xi32> to vector<2000x64xi32>
    %eq3A_26 = arith.cmpi eq, %eq3A, %eq3A_25 : vector<2000x64xi32>
    %convert_element_type3A = arith.extui %eq3A_26 : vector<2000x64xi1> to vector<2000x64xi32>
    %convert_element_type3A_27 = arith.sitofp %convert_element_type3A : vector<2000x64xi32> to vector<2000x64xf32>
    %dot_general3A = arith.constant dense<0.000000e+00> : vector<64x128xf32>
    %dot_general3A_28 = tpu.matmul %convert_element_type3A_27, %add3A_21, %dot_general3A {dimension_numbers = #tpu.dot_dimension_numbers<[0], [0], [1], [1], [0, 1, 1, 1], [], []>, precision = #tpu.contract_precision<fp32>, transpose_lhs_hint = false} : vector<2000x64xf32>, vector<2000x128xf32>, vector<64x128xf32> -> vector<64x128xf32>
    %reduce_sum3A = arith.constant dense<0.000000e+00> : vector<64xf32>
    %reduce_sum3A_29 = vector.multi_reduction <add>, %convert_element_type3A_27, %reduce_sum3A [0] : vector<2000x64xf32> to vector<64xf32>
    %broadcast_in_dim3A = vector.shape_cast %reduce_sum3A_29 : vector<64xf32> to vector<64x1xf32>
    %eq3A_30 = arith.constant 0 : i32
    %eq3A_31 = arith.cmpi eq, %arg0, %eq3A_30 : i32
    %convert_element_type3A_32 = arith.extui %eq3A_31 : i1 to i32
    %cond3A = arith.constant 0 : i32
    %cond3A_33 = arith.cmpi ne, %convert_element_type3A_32, %cond3A : i32
    scf.if %cond3A_33 {
      %swap3A = arith.constant 0 : index
      %swap3A_47 = arith.constant 0 : index
      %swap3A_48 = vector.load %arg11[%swap3A, %swap3A_47] : memref<64x128xf32, #tpu.memory_space<vmem>>, vector<64x128xf32>
      tpu.vector_store %arg11[%swap3A, %swap3A_47], %dot_general3A_28 {strides = array<i32>} : memref<64x128xf32, #tpu.memory_space<vmem>>, vector<64x128xf32>,
      %swap3A_49 = arith.constant 0 : index
      %swap3A_50 = arith.constant 0 : index
      %swap3A_51 = vector.load %arg12[%swap3A_49, %swap3A_50] : memref<64x1xf32, #tpu.memory_space<vmem>>, vector<64x1xf32>
      tpu.vector_store %arg12[%swap3A_49, %swap3A_50], %broadcast_in_dim3A {strides = array<i32>} : memref<64x1xf32, #tpu.memory_space<vmem>>, vector<64x1xf32>,
      %broadcast_in_dim3A_52 = arith.constant 0xFF800000 : f32
      %broadcast_in_dim3A_53 = vector.broadcast %broadcast_in_dim3A_52 : f32 to vector<64x128xf32>
      %swap3A_54 = arith.constant 0 : index
      %swap3A_55 = arith.constant 0 : index
      %swap3A_56 = vector.load %arg13[%swap3A_54, %swap3A_55] : memref<64x128xf32, #tpu.memory_space<vmem>>, vector<64x128xf32>
      tpu.vector_store %arg13[%swap3A_54, %swap3A_55], %broadcast_in_dim3A_53 {strides = array<i32>} : memref<64x128xf32, #tpu.memory_space<vmem>>, vector<64x128xf32>,
    } else {
    }
    %gt3A = arith.constant 0 : i32
    %gt3A_34 = arith.cmpi sgt, %arg0, %gt3A : i32
    %convert_element_type3A_35 = arith.extui %gt3A_34 : i1 to i32
    %cond3A_36 = arith.constant 0 : i32
    %cond3A_37 = arith.cmpi ne, %convert_element_type3A_35, %cond3A_36 : i32
    scf.if %cond3A_37 {
      %get3A_47 = arith.constant 0 : index
      %get3A_48 = arith.constant 0 : index
      %get3A_49 = vector.load %arg11[%get3A_47, %get3A_48] : memref<64x128xf32, #tpu.memory_space<vmem>>, vector<64x128xf32>
      %add3A_50 = arith.addf %get3A_49, %dot_general3A_28 : vector<64x128xf32>
      %swap3A = arith.constant 0 : index
      %swap3A_51 = arith.constant 0 : index
      %swap3A_52 = vector.load %arg11[%swap3A, %swap3A_51] : memref<64x128xf32, #tpu.memory_space<vmem>>, vector<64x128xf32>
      tpu.vector_store %arg11[%swap3A, %swap3A_51], %add3A_50 {strides = array<i32>} : memref<64x128xf32, #tpu.memory_space<vmem>>, vector<64x128xf32>,
      %get3A_53 = arith.constant 0 : index
      %get3A_54 = arith.constant 0 : index
      %get3A_55 = vector.load %arg12[%get3A_53, %get3A_54] : memref<64x1xf32, #tpu.memory_space<vmem>>, vector<64x1xf32>
      %add3A_56 = arith.addf %get3A_55, %broadcast_in_dim3A : vector<64x1xf32>
      %swap3A_57 = arith.constant 0 : index
      %swap3A_58 = arith.constant 0 : index
      %swap3A_59 = vector.load %arg12[%swap3A_57, %swap3A_58] : memref<64x1xf32, #tpu.memory_space<vmem>>, vector<64x1xf32>
      tpu.vector_store %arg12[%swap3A_57, %swap3A_58], %add3A_56 {strides = array<i32>} : memref<64x1xf32, #tpu.memory_space<vmem>>, vector<64x1xf32>,
    } else {
    }
    %scan3A = arith.constant 0 : i32
    %scan3A_38 = arith.constant 64 : i32
    %scan3A_39 = arith.addi %scan3A, %scan3A_38 : i32
    %scan3A_40 = arith.constant 1 : i32
    scf.for %scan3A_47 = %scan3A to %scan3A_39 step %scan3A_40  : i32 {
      %eq3A_48 = vector.broadcast %scan3A_47 : i32 to vector<2000x1xi32>
      %eq3A_49 = arith.cmpi eq, %get3A_24, %eq3A_48 : vector<2000x1xi32>
      %jit3A = arith.constant 0xFF800000 : f32
      %broadcast_in_dim3A_50 = vector.shape_cast %eq3A_49 : vector<2000x1xi1> to vector<2000x1xi1>
      %broadcast_in_dim3A_51 = vector.broadcast %broadcast_in_dim3A_50 : vector<2000x1xi1> to vector<2000x128xi1>
      %broadcast_in_dim3A_52 = vector.broadcast %jit3A : f32 to vector<2000x128xf32>
      %select_n3A = arith.select %broadcast_in_dim3A_51, %add3A_21, %broadcast_in_dim3A_52 : vector<2000x128xi1>, vector<2000x128xf32>
      %reduce_max3A = arith.constant dense<0xFF800000> : vector<128xf32>
      %reduce_max3A_53 = vector.multi_reduction <maximumf>, %select_n3A, %reduce_max3A [0] : vector<2000x128xf32> to vector<128xf32>
      %broadcast_in_dim3A_54 = vector.shape_cast %reduce_max3A_53 : vector<128xf32> to vector<1x128xf32>
      %get3A_55 = arith.index_cast %scan3A_47 : i32 to index
      %get3A_56 = arith.constant 0 : index
      %get3A_57 = vector.load %arg13[%get3A_55, %get3A_56] : memref<64x128xf32, #tpu.memory_space<vmem>>, vector<1x128xf32>
      %max3A = arith.maximumf %get3A_57, %broadcast_in_dim3A_54 : vector<1x128xf32>
      %swap3A = arith.index_cast %scan3A_47 : i32 to index
      %swap3A_58 = arith.constant 0 : index
      %swap3A_59 = vector.load %arg13[%swap3A, %swap3A_58] : memref<64x128xf32, #tpu.memory_space<vmem>>, vector<1x128xf32>
      tpu.vector_store %arg13[%swap3A, %swap3A_58], %max3A {strides = array<i32>} : memref<64x128xf32, #tpu.memory_space<vmem>>, vector<1x128xf32>,
    }
    %scan3A_41 = arith.constant 64 : i32
    %eq3A_42 = arith.constant 4 : i32
    %eq3A_43 = arith.cmpi eq, %arg0, %eq3A_42 : i32
    %convert_element_type3A_44 = arith.extui %eq3A_43 : i1 to i32
    %cond3A_45 = arith.constant 0 : i32
    %cond3A_46 = arith.cmpi ne, %convert_element_type3A_44, %cond3A_45 : i32
    scf.if %cond3A_46 {
      %get3A_47 = arith.constant 0 : index
      %get3A_48 = arith.constant 0 : index
      %get3A_49 = vector.load %arg11[%get3A_47, %get3A_48] : memref<64x128xf32, #tpu.memory_space<vmem>>, vector<64x128xf32>
      %get3A_50 = arith.constant 0 : index
      %get3A_51 = arith.constant 0 : index
      %get3A_52 = vector.load %arg12[%get3A_50, %get3A_51] : memref<64x1xf32, #tpu.memory_space<vmem>>, vector<64x1xf32>
      %max3A = arith.constant 1.000000e+00 : f32
      %max3A_53 = vector.broadcast %max3A : f32 to vector<64x1xf32>
      %max3A_54 = arith.maximumf %get3A_52, %max3A_53 : vector<64x1xf32>
      %div3A = vector.broadcast %max3A_54 : vector<64x1xf32> to vector<64x128xf32>
      %div3A_55 = arith.divf %get3A_49, %div3A : vector<64x128xf32>
      %get3A_56 = arith.constant 0 : index
      %get3A_57 = arith.constant 0 : index
      %get3A_58 = vector.load %arg13[%get3A_56, %get3A_57] : memref<64x128xf32, #tpu.memory_space<vmem>>, vector<64x128xf32>
      %get3A_59 = arith.constant 0 : index
      %get3A_60 = arith.constant 0 : index
      %get3A_61 = vector.load %arg6[%get3A_59, %get3A_60] : memref<256x128xf32, #tpu.memory_space<vmem>>, vector<128x128xf32>
      %dot_general3A_62 = arith.constant dense<0.000000e+00> : vector<64x128xf32>
      %dot_general3A_63 = tpu.matmul %div3A_55, %get3A_61, %dot_general3A_62 {dimension_numbers = #tpu.dot_dimension_numbers<[1], [0], [0], [1], [0, 0, 1, 1], [], []>, precision = #tpu.contract_precision<fp32>, transpose_lhs_hint = false} : vector<64x128xf32>, vector<128x128xf32>, vector<64x128xf32> -> vector<64x128xf32>
      %get3A_64 = arith.constant 128 : index
      %get3A_65 = arith.constant 0 : index
      %get3A_66 = vector.load %arg6[%get3A_64, %get3A_65] : memref<256x128xf32, #tpu.memory_space<vmem>>, vector<128x128xf32>
      %dot_general3A_67 = arith.constant dense<0.000000e+00> : vector<64x128xf32>
      %dot_general3A_68 = tpu.matmul %get3A_58, %get3A_66, %dot_general3A_67 {dimension_numbers = #tpu.dot_dimension_numbers<[1], [0], [0], [1], [0, 0, 1, 1], [], []>, precision = #tpu.contract_precision<fp32>, transpose_lhs_hint = false} : vector<64x128xf32>, vector<128x128xf32>, vector<64x128xf32> -> vector<64x128xf32>
      %add3A_69 = arith.addf %dot_general3A_63, %dot_general3A_68 : vector<64x128xf32>
      %get3A_70 = arith.constant 0 : index
      %get3A_71 = arith.constant 0 : index
      %get3A_72 = vector.load %arg7[%get3A_70, %get3A_71] : memref<1x128xf32, #tpu.memory_space<vmem>>, vector<1x128xf32>
      %add3A_73 = vector.broadcast %get3A_72 : vector<1x128xf32> to vector<64x128xf32>
      %add3A_74 = arith.addf %add3A_69, %add3A_73 : vector<64x128xf32>
      %max3A_75 = arith.constant 0.000000e+00 : f32
      %max3A_76 = vector.broadcast %max3A_75 : f32 to vector<64x128xf32>
      %max3A_77 = arith.maximumf %add3A_74, %max3A_76 : vector<64x128xf32>
      %get3A_78 = arith.constant 0 : index
      %get3A_79 = arith.constant 0 : index
      %get3A_80 = vector.load %arg8[%get3A_78, %get3A_79] : memref<128x16xf32, #tpu.memory_space<vmem>>, vector<128x16xf32>
      %dot_general3A_81 = arith.constant dense<0.000000e+00> : vector<64x16xf32>
      %dot_general3A_82 = tpu.matmul %max3A_77, %get3A_80, %dot_general3A_81 {dimension_numbers = #tpu.dot_dimension_numbers<[1], [0], [0], [1], [0, 0, 1, 1], [], []>, precision = #tpu.contract_precision<fp32>, transpose_lhs_hint = false} : vector<64x128xf32>, vector<128x16xf32>, vector<64x16xf32> -> vector<64x16xf32>
      %get3A_83 = arith.constant 0 : index
      %get3A_84 = arith.constant 0 : index
      %get3A_85 = vector.load %arg9[%get3A_83, %get3A_84] : memref<1x16xf32, #tpu.memory_space<vmem>>, vector<1x16xf32>
      %add3A_86 = vector.broadcast %get3A_85 : vector<1x16xf32> to vector<64x16xf32>
      %add3A_87 = arith.addf %dot_general3A_82, %add3A_86 : vector<64x16xf32>
      %swap3A = arith.constant 0 : index
      %swap3A_88 = arith.constant 0 : index
      %swap3A_89 = vector.load %arg10[%swap3A, %swap3A_88] : memref<64x16xf32, #tpu.memory_space<vmem>>, vector<64x16xf32>
      tpu.vector_store %arg10[%swap3A, %swap3A_88], %add3A_87 {strides = array<i32>} : memref<64x16xf32, #tpu.memory_space<vmem>>, vector<64x16xf32>,
    } else {
    }
    return
  }
  func.func @transform_0(%arg0: i32) -> (i32, i32, i32) {
    %c0_i32 = arith.constant 0 : i32
    %c0_i32_0 = arith.constant 0 : i32
    %c0_i32_1 = arith.constant 0 : i32
    return %c0_i32, %arg0, %c0_i32_0 : i32, i32, i32
  }
  func.func @transform_1(%arg0: i32) -> (i32, i32) {
    %c0_i32 = arith.constant 0 : i32
    %c0_i32_0 = arith.constant 0 : i32
    return %arg0, %c0_i32 : i32, i32
  }
  func.func @transform_2(%arg0: i32) -> (i32, i32) {
    %c0_i32 = arith.constant 0 : i32
    %c0_i32_0 = arith.constant 0 : i32
    %c0_i32_1 = arith.constant 0 : i32
    return %c0_i32, %c0_i32_0 : i32, i32
  }
  func.func @transform_3(%arg0: i32) -> (i32, i32) {
    %c0_i32 = arith.constant 0 : i32
    %c0_i32_0 = arith.constant 0 : i32
    return %arg0, %c0_i32 : i32, i32
  }
  func.func @transform_4(%arg0: i32) -> (i32, i32) {
    %c0_i32 = arith.constant 0 : i32
    %c0_i32_0 = arith.constant 0 : i32
    return %arg0, %c0_i32 : i32, i32
  }
  func.func @transform_5(%arg0: i32) -> (i32, i32) {
    %c0_i32 = arith.constant 0 : i32
    %c0_i32_0 = arith.constant 0 : i32
    %c0_i32_1 = arith.constant 0 : i32
    return %c0_i32, %c0_i32_0 : i32, i32
  }
  func.func @transform_6(%arg0: i32) -> (i32, i32) {
    %c0_i32 = arith.constant 0 : i32
    %c0_i32_0 = arith.constant 0 : i32
    %c0_i32_1 = arith.constant 0 : i32
    return %c0_i32, %c0_i32_0 : i32, i32
  }
  func.func @transform_7(%arg0: i32) -> (i32, i32) {
    %c0_i32 = arith.constant 0 : i32
    %c0_i32_0 = arith.constant 0 : i32
    %c0_i32_1 = arith.constant 0 : i32
    return %c0_i32, %c0_i32_0 : i32, i32
  }
  func.func @transform_8(%arg0: i32) -> (i32, i32) {
    %c0_i32 = arith.constant 0 : i32
    %c0_i32_0 = arith.constant 0 : i32
    %c0_i32_1 = arith.constant 0 : i32
    return %c0_i32, %c0_i32_0 : i32, i32
  }
  func.func @transform_9(%arg0: i32) -> (i32, i32) {
    %c0_i32 = arith.constant 0 : i32
    %c0_i32_0 = arith.constant 0 : i32
    %c0_i32_1 = arith.constant 0 : i32
    return %c0_i32, %c0_i32_0 : i32, i32
  }
}

</mosaic_0001>

<sc_bundles>
// kernel: kernel.10.cloned.1.call-start
scs
__scs_entry_jumppad:
0x0: {  	(pc) =	sbr.rel $0x88, $3  }
0x1: {  	(tag) =	ssettag $0x0;
	lr =	simm.s32 $0x1  }
0x2: {  	[smem:$0x3F94] =	sst lr;
	_ =	strace $0xD0000000  }
0x3: {  	_ = 	snop  }
0x4: {  	_ = 	snop  }
0x5: {  	_ = 	snop  }
0x6: {  	_ = 	snop  }
0x7: {  	_ = 	snop  }
__scs_overlays_trampoline_lowered:
0x8: {  	[smem:$0x3FA3] =	sst s0  }
0x9: {  	[smem:$0x3FA4] =	sst s1  }
0xa: {  	[smem:$0x3FA5] =	sst s2  }
0xb: {  	[smem:$0x3FA6] =	sst s3  }
0xc: {  	[smem:$0x3FA7] =	sst s4  }
0xd: {  	[smem:$0x3FA8] =	sst s5  }
0xe: {  	[smem:$0x3FA9] =	sst s6  }
0xf: {  	[smem:$0x3FAA] =	sst s7  }
0x10: {  	[smem:$0x3FAB] =	sst s8  }
0x11: {  	[smem:$0x3FAC] =	sst s9;
	s0 =	simm.s32 @!p0 $0x0  }
0x12: {  	s1 =	sld [smem:$0x3F92];
	s0 =	simm.s32 @p0 $0x1  }
0x13: {  	[smem:$0x3FAD] =	sst s0;
	s0 =	simm.s32 @!p1 $0x0  }
0x14: {  	s2 =	sld [smem:$0x3F91];
	s0 =	simm.s32 @p1 $0x1  }
0x15: {  	[smem:$0x3FAE] =	sst s0;
	s0 =	simm.s32 @!p2 $0x0  }
0x16: {  	s3 =	sld [smem:$0x3FDB];
	s0 =	simm.s32 @p2 $0x1  }
0x17: {  	s4 =	simm.s32 $0x1BF5;
	[smem:$0x3FB0] =	sst s0  }
0x18: {  	s0 =	sld [smem:$0x3F93];
	_ =	swait.ge [sflag:s4], $0x0  }
0x19: {  	s7 =	sld [smem:$0x3F94]  }
0x1a: {  	s8 =	sadd.s32 $0xFFFFE003, lr  }
0x1b: {  	s9 =	sadd.s32 $0xFFFFFEF7, lr;
	s5 =	simm.s32 $0xFFFFFFFF;
	p2 =	slt.u32 s8, $0xFFFFF086  }
0x1c: {  	p1 =	slt.u32 s9, $0xF7A;
	s5 =	simm.s32 @!p2 $0x0  }
0x1d: {  	s5 =	simm.s32 @p1 $0x1;
	p0 =	seq.s32 s7, s2  }
0x1e: {  	s7 =	smul.u32 @!p0 $0xF7A, s2;
	p2 =	seq.s32 @!p0 s5, $0x0  }
0x1f: {  	s9 =	smul.u32 $0xF7A, s1;
	s8 =	simm.s32 @!p0 $0x1BF5;
	p2 =	por !p2, p0  }
0x20: {  	[sflag:s8] =	ssyncset.s32 @!p0 $0xFFFFF086;
	s6 =	sadd.s32 @!p0 s3, s7;
	s7 =	simm.s32 @!p0 $0x108  }
0x21: {  	s3 =	sadd.s32 s3, s9;
	s6 =	sadd.s32 @!p0 $0x88, s6;
	s7 =	simm.s32 @p2 $0x1082  }
0x22: {  	[simem:s7], [sflag:s8] =	dma.local @!p0 [hbm:s6], $0xF7A  }
0x23: {  	s9 =	sor.u32 $0xD0000000, s2;
	s6 =	simm.s32 $0x108;
	_ =	swait.ge @!p0 [sflag:s8], $0x0  }
0x24: {  	s3 =	sadd.s32 $0x88, s3;
	s6 =	simm.s32 @!p1 $0x1082;
	[sflag:s4] =	ssyncset.s32 $0xFFFFF086  }
0x25: {  	[simem:s6], [sflag:s4] =	dma.local [hbm:s3], $0xF7A  }
0x26: {  	[smem:$0x3F94] =	sst s1;
	(tag) =	ssettag s2;
	_ =	strace s9  }
0x27: {  	s1 =	sld [smem:$0x3FA4]  }
0x28: {  	s2 =	sld [smem:$0x3FA5]  }
0x29: {  	s4 =	sld [smem:$0x3FA7]  }
0x2a: {  	p0 =	seq.s32 s5, $0x0;
	s5 =	sld [smem:$0x3FA8]  }
0x2b: {  	s6 =	sld [smem:$0x3FA9]  }
0x2c: {  	s7 =	sld [smem:$0x3FAA]  }
0x2d: {  	s3 =	simm.s32 $0x108;
	s8 =	sld [smem:$0x3FAB]  }
0x2e: {  	s3 =	simm.s32 @!p0 $0x1082;
	s9 =	sld [smem:$0x3FAC]  }
0x2f: {  	lr =	sadd.s32 s0, s3;
	s0 =	sld [smem:$0x3FA3]  }
0x30: {  	s3 =	sld [smem:$0x3FA6]  }
0x31: {  	[smem:$0x3FAF] =	sst s10  }
0x32: {  	s10 =	sld [smem:$0x3FAD];
	_ =	sdelay $0x3  }
0x33: {  	p0 =	seq.s32 s10, $0x1;
	s10 =	sld [smem:$0x3FAF];
	_ =	sdelay $0x3  }
0x34: {  	[smem:$0x3FAF] =	sst s10  }
0x35: {  	s10 =	sld [smem:$0x3FAE];
	_ =	sdelay $0x3  }
0x36: {  	p1 =	seq.s32 s10, $0x1;
	s10 =	sld [smem:$0x3FAF];
	_ =	sdelay $0x3  }
0x37: {  	[smem:$0x3FAF] =	sst s10  }
0x38: {  	s10 =	sld [smem:$0x3FB0]  }
0x39: {  	_ = 	snop;
	(pc) =	sbr.ind lr, $3  }
0x3a: {  	_ = 	snop  }
0x3b: {  	_ = 	snop  }
0x3c: {  	p2 =	seq.s32 s10, $0x1;
	s10 =	sld [smem:$0x3FAF]  }
0x3d: {  	_ =	shalt  }
0x3e: {  	_ =	shalt  }
0x3f: {  	_ =	shalt  }
0x40: {  	_ =	shalt  }
0x41: {  	_ =	shalt  }
0x42: {  	_ =	shalt  }
0x43: {  	_ =	shalt  }
0x44: {  	_ =	shalt  }
0x45: {  	_ =	shalt  }
0x46: {  	_ =	shalt  }
0x47: {  	_ =	shalt  }
0x48: {  	_ =	shalt  }
0x49: {  	_ =	shalt  }
0x4a: {  	_ =	shalt  }
0x4b: {  	_ =	shalt  }
0x4c: {  	_ =	shalt  }
0x4d: {  	_ =	shalt  }
0x4e: {  	_ =	shalt  }
0x4f: {  	_ =	shalt  }
0x50: {  	_ =	shalt  }
0x51: {  	_ =	shalt  }
0x52: {  	_ =	shalt  }
0x53: {  	_ =	shalt  }
0x54: {  	_ =	shalt  }
0x55: {  	_ =	shalt  }
0x56: {  	_ =	shalt  }
0x57: {  	_ =	shalt  }
0x58: {  	_ =	shalt  }
0x59: {  	_ =	shalt  }
0x5a: {  	_ =	shalt  }
0x5b: {  	_ =	shalt  }
0x5c: {  	_ =	shalt  }
0x5d: {  	_ =	shalt  }
0x5e: {  	_ =	shalt  }
0x5f: {  	_ =	shalt  }
0x60: {  	_ =	shalt  }
0x61: {  	_ =	shalt  }
0x62: {  	_ =	shalt  }
0x63: {  	_ =	shalt  }
0x64: {  	_ =	shalt  }
0x65: {  	_ =	shalt  }
0x66: {  	_ =	shalt  }
0x67: {  	_ =	shalt  }
0x68: {  	_ =	shalt  }
0x69: {  	_ =	shalt  }
0x6a: {  	_ =	shalt  }
0x6b: {  	_ =	shalt  }
0x6c: {  	_ =	shalt  }
0x6d: {  	_ =	shalt  }
0x6e: {  	_ =	shalt  }
0x6f: {  	_ =	shalt  }
0x70: {  	_ =	shalt  }
0x71: {  	_ =	shalt  }
0x72: {  	_ =	shalt  }
0x73: {  	_ =	shalt  }
0x74: {  	_ =	shalt  }
0x75: {  	_ =	shalt  }
0x76: {  	_ =	shalt  }
0x77: {  	_ =	shalt  }
0x78: {  	_ =	shalt  }
0x79: {  	_ =	shalt  }
0x7a: {  	_ =	shalt  }
0x7b: {  	_ =	shalt  }
0x7c: {  	_ =	shalt  }
0x7d: {  	_ =	shalt  }
0x7e: {  	_ =	shalt  }
0x7f: {  	_ =	shalt  }
0x80: {  	_ =	shalt  }
0x81: {  	_ =	shalt  }
0x82: {  	_ =	shalt  }
0x83: {  	_ =	shalt  }
0x84: {  	_ =	shalt  }
0x85: {  	_ =	shalt  }
0x86: {  	_ =	shalt  }
0x87: {  	_ =	shalt  }
.Lfunc_end0:
.L_simem_size_0:
called_computation_lowered:
.L_overlay_start_0:
0x88: {  	s2 =	sld [smem:$0x3FD9]  }
0x89: {  	s3 =	sld [smem:$0x3FFE];
	_ =	sdelay $0x1  }
0x8a: {  	s1 =	srdreg.scid  }
0x8b: {  	s0 =	sand.u32 $0x1, s1  }
0x8c: {  	s16 =	sshll.u32 s0, $0xA;
	s2 =	sadd.s32 s3, s2  }
0x8d: {  	s2 =	sadd.s32 s2, s16  }
0x8e: {  	[smem:$0x3FBB] =	sst s2  }
0x8f: {  	_ = 	snop  }
0x90: {  	(tm) =	ssettm $0x1  }
0x91: {  	s17 =	sld [smem:$0x3FFB];
	_ =	sdelay $0x3  }
0x92: {  	_ =	strace s17  }
0x93: {  	s2 =	sld [smem:$0x3FFC];
	_ =	sdelay $0x3  }
0x94: {  	_ =	strace s2  }
0x95: {  	s2 =	sld [smem:$0x3FFD];
	_ =	sdelay $0x3  }
0x96: {  	_ =	strace s2  }
0x97: {  	_ =	strace $0x8FFFFFFF  }
0x98: {  	s18 =	sld [smem:$0x3FDB];
	_ =	sdelay $0x1  }
0x99: {  	s19 =	simm.s32 $_scs_section_size  }
0x9a: {  	s4 =	simm.s32 $_size__tile_overlayer_lowered;
	s5 =	simm.s32 $_tile_overlayer_lowered  }
0x9b: {  	s22 =	simm.s32 $0x1BFF;
	s21 =	sshll.u32 s5, $0x1;
	s2 =	sadd.s32 s19, s18  }
0x9c: {  	s6 =	simm.s32 $0x0;
	s20 =	sshll.u32 s4, $0x1;
	s4 =	sadd.s32 s21, s2  }
0x9d: {  	[timem:s6], [sflag:s22] =	dma.local [hbm:s4], s20  }
0x9e: {  	_ =	swait.ge [sflag:s22], s20  }
0x9f: {  	s3 =	ssub.s32 $0x0, s20;
	[sflag:s22] =	ssyncset.done $0x0  }
0xa0: {  	[sflag:s22] =	ssyncadd.s32 s3;
	_ =	sdelay $0x1  }
0xa1: {  	s23 =	simm.s32 $0x1B8B  }
0xa2: {  	_ =	swait.ge [sflag:s23], $0x1  }
0xa3: {  	[sflag:s23] =	ssyncset.done $0x0  }
0xa4: {  	s25 =	simm.s32 $0x1B8E;
	s24 =	sld [smem:$0x3FFE];
	[sflag:s23] =	ssyncadd.s32 $0xFFFFFFFF  }
0xa5: {  	s26 =	simm.s32 $execute0_lowered;
	[smem:$0x3FD2] =	sst s25  }
0xa6: {  	s4 =	sshll.u32 s26, $0x1;
	_ =	strace $0x80000046;
	[dreg:$0x1] =	wrdreg $0xFFFFFFFF  }
0xa7: {  	s28 =	simm.s32 $_size_execute0_lowered;
	s2 =	sadd.s32 s2, s4;
	[dreg:$0x0] =	wrdreg $0x0  }
0xa8: {  	s4 =	sshll.u32 s28, $0x1;
	[dreg:$0x2] =	wrdreg s2  }
0xa9: {  	[dreg:$0x3] =	wrdreg s4  }
0xaa: {  	[dreg:$0x4] =	wrdreg $0xC0  }
0xab: {  	_ =	task [dreg:s6], $0x5FFFF  }
0xac: {  	[dreg:$0x1] =	wrdreg $0xFFFFFFFF  }
0xad: {  	[dreg:$0x0] =	wrdreg $0x60  }
0xae: {  	[dreg:$0x2] =	wrdreg s24  }
0xaf: {  	[dreg:$0x3] =	wrdreg $0x54800  }
0xb0: {  	[dreg:$0x4] =	wrdreg $0x9  }
0xb1: {  	_ =	task.clear_ibuf [dreg:s6], $0x5FFFF;
	_ =	strace $0x90000046  }
0xb2: {  	s29 =	simm.s32 $0x9;
	_ =	strace $0x80000048  }
0xb3: {  	_ =	swait.ge [sflag:s29], $0x1  }
0xb4: {  	[sflag:s29] =	ssyncadd.s32 $0xFFFFFFFF  }
0xb5: {  	_ =	strace $0x90000048  }
0xb6: {  	_ =	sfence  }
0xb7: {  	s30 =	sld [smem:$0x0];
	_ =	sdelay $0x2  }
0xb8: {  	s31 =	sshll.u32 s1, $0xD;
	s1 =	sshrl.u32 s1, $0x2  }
0xb9: {  	s3 =	sand.u32 $0x4000, s31;
	s1 =	sadd.s32 s1, s30  }
0xba: {  	s0 =	sor.u32 s3, s0;
	s1 =	sshll.u32 s1, $0x11  }
0xbb: {  	s0 =	sor.u32 s1, s0  }
0xbc: {  	s0 =	sadd.s32 $0x8F2B, s0  }
0xbd: {  	[sflag:s0] =	ssyncadd.remote.s32 $0x1  }
0xbe: {  	_ =	sfence.sel $0xFFFF  }
0xbf: {  	[dreg:$0x0] =	wrdreg $0xFFFFFFFF;
	(pc) =	sbr.abs _section_cstart, $3  }
0xc0: {  	[dreg:$0x1] =	wrdreg $0xFFFFFFFF  }
0xc1: {  	_ =	task.clear_ibuf [dreg:s6], $0x2FFFF;
	_ =	strace $0x9FFFFFFF  }
0xc2: {  	(tm) =	ssettm $0x7FFFFFFF  }
0xc3: {  	_ =	shalt  }
tec
execute0_lowered:
.L_overlay_start_1:
0x0: {  	(tag) =	ssettag $0x1  }
0x1: {  	s0 =	srdreg.scid;
	s4 =	rddreg [dreg:$0x0]  }
0x2: {  	s5 =	rddreg [dreg:$0x1];
	s2 =	simm.s32 $0x0;
	s11 =	simm.s32 $0x400  }
0x3: {  	s12 =	simm.s32 $0x5200;
	s13 =	simm.s32 $0x100;
	s14 =	simm.s32 $0x4F80  }
0x4: {  	s3 =	sand.u32 $0x1, s0;
	s0 =	stileid.u32;
	[smem:$0x7FF] =	sst s2  }
0x5: {  	s1 =	sshll.u32 s3, $0x4;
	s7 =	smul.u32 $0x500, s0;
	s8 =	sshll.u32 s3, $0x7  }
0x6: {  	s26 =	sshrl.u32 s0, $0x3;
	s3 =	ssub.s32 $0x2, s3;
	s9 =	smul.u32 $0x5000, s0  }
0x7: {  	s29 =	sshll.u32 s0, $0x7;
	s6 =	sor.u32 s0, s1;
	s1 =	rddreg [dreg:$0x2]  }
0x8: {  	_ =	strace $0x80000047;
	s28 =	sshrl.u32 s3, $0x1;
	s6 =	smul.u32 $0x4E2, s6  }
0x9: {  	s31 =	sand.u32 $0x380, s29;
	s7 =	sor.u32 s8, s7;
	s8 =	smul.u32 $0x50000, s26  }
0xa: {  	s10 =	ssub.s32 s3, s28;
	s9 =	sshrl.u32 s9, $0x2;
	s7 =	sshrl.u32 s7, $0x3  }
0xb: {  	s6 =	sadd.s32 s6, s4;
	s7 =	sadd.s32 s7, s4;
	s30 =	sshrl.u32 s8, $0x2  }
0xc: {  	s8 =	simm.s32 $0x1;
	s4 =	sadd.s32 s30, s5;
	s3 =	sadd.s32 $0x3400, s6  }
0xd: {  	s5 =	sadd.s32 s9, s5;
	s6 =	sadd.s32 $0xD200, s7;
	s7 =	smax.u32 s10, $0x1  }
0xe: {  	v0 =	vimm.f32 $0.0e+00;
	v1 =	vimm.f32 $1.000000000e+00;
	s9 =	simm.s32 $0x2780;
	s10 =	simm.s32 $0x80;
	s4 =	sadd.s32 s31, s4  }
.LBB2_1:
0xf: {  	s15 =	simm.s32 $0x40;
	s16 =	simm.s32 $0x0  }
.LBB2_2:
0x10: {  	p0 =	sne.s32 s15, $0x9FC0;
	[tilespmem:s16+$0x2780] =	vst v0;
	s16 =	smov.u32 s15;
	s15 =	sadd.s32 $0x40, s15  }
.Ltmp0:
0x11: {  	(pc) =	sbr.rel @p0 .LBB2_2-.Ltmp0, $2  }
0x12: {  	_ =	sdelay $0x2  }
0x13: {  	s16 =	sshra.s32 s16, $0x2  }
0x14: {  	[tilespmem:s16+$0x2780] =	vst v0;
	s15 =	simm.s32 $0x0  }
0x15: {  	[tilespmem:s15], [sflag:$0x1] =	stream.linear.gather [hbm4b:s3+s15], $0x2710, $0x38;
	[tilespmem:$0x7C80] =	vst v63  }
0x16: {  	_ =	swait.ge [sflag:s8], $0x2710  }
0x17: {  	[sflag:s8] =	ssyncset.done $0x0  }
0x18: {  	s16 =	simm.s32 $0x0;
	s15 =	simm.s32 $0x40;
	[sflag:s8] =	ssyncadd.s32 $0xFFFFD8F0  }
.LBB2_4:
0x19: {  	p0 =	sne.s32 s15, $0x9C00;
	v2 =	vld [tilespmem:s16+$0x0];
	_ =	sdelay $0x3  }
.Ltmp1:
0x1a: {  	(pc) =	sbr.rel @p0 .LBB2_4-.Ltmp1, $2  }
0x1b: {  	_ =	sdelay $0x2  }
0x1c: {  	s16 =	sshra.s32 s15, $0x2;
	s15 =	sadd.s32 $0x40, s15;
	[tilespmem:v2+s9+$0x0] =	vst.idx.add.f32.msk $0xffff, v1  }
0x1d: {  	v2 =	vld [tilespmem:s16+$0x0];
	_ =	sdelay $0x7  }
0x1e: {  	[tilespmem:v2+s9+$0x0] =	vst.idx.add.f32.msk $0xffff, v1  }
0x1f: {  	[spmem:s4] =	stream.strided.scatter [tilespmem:s9], [sflag:$0x1], $0x2800, s11, s10, $0x38;
	[tilespmem:$0x7C80] =	vst v63  }
0x20: {  	_ =	swait.ge [sflag:s8], $0x2800  }
0x21: {  	[sflag:s8] =	ssyncset.done $0x0  }
0x22: {  	[sflag:s8] =	ssyncadd.s32 $0xFFFFD800  }
0x23: {  	[bflag:$0x0] =	sbarrier.arrive $0xFFFF  }
0x24: {  	[tilespmem:$0x4F80] =	vst v0  }
0x25: {  	[tilespmem:$0x4F90] =	vst v0  }
0x26: {  	[tilespmem:$0x4FA0] =	vst v0  }
0x27: {  	[tilespmem:$0x4FB0] =	vst v0  }
0x28: {  	[tilespmem:$0x4FC0] =	vst v0  }
0x29: {  	[tilespmem:$0x4FD0] =	vst v0  }
0x2a: {  	[tilespmem:$0x4FE0] =	vst v0  }
0x2b: {  	[tilespmem:$0x4FF0] =	vst v0  }
0x2c: {  	[tilespmem:$0x5000] =	vst v0  }
0x2d: {  	[tilespmem:$0x5010] =	vst v0  }
0x2e: {  	[tilespmem:$0x5020] =	vst v0  }
0x2f: {  	[tilespmem:$0x5030] =	vst v0  }
0x30: {  	[tilespmem:$0x5040] =	vst v0  }
0x31: {  	[tilespmem:$0x5050] =	vst v0  }
0x32: {  	[tilespmem:$0x5060] =	vst v0  }
0x33: {  	[tilespmem:$0x5070] =	vst v0  }
0x34: {  	[tilespmem:$0x5080] =	vst v0  }
0x35: {  	[tilespmem:$0x5090] =	vst v0  }
0x36: {  	[tilespmem:$0x50A0] =	vst v0  }
0x37: {  	[tilespmem:$0x50B0] =	vst v0  }
0x38: {  	[tilespmem:$0x50C0] =	vst v0  }
0x39: {  	[tilespmem:$0x50D0] =	vst v0  }
0x3a: {  	[tilespmem:$0x50E0] =	vst v0  }
0x3b: {  	[tilespmem:$0x50F0] =	vst v0  }
0x3c: {  	[tilespmem:$0x5100] =	vst v0  }
0x3d: {  	[tilespmem:$0x5110] =	vst v0  }
0x3e: {  	[tilespmem:$0x5120] =	vst v0  }
0x3f: {  	[tilespmem:$0x5130] =	vst v0  }
0x40: {  	[tilespmem:$0x5140] =	vst v0  }
0x41: {  	[tilespmem:$0x5150] =	vst v0  }
0x42: {  	[tilespmem:$0x5160] =	vst v0  }
0x43: {  	[tilespmem:$0x5170] =	vst v0  }
0x44: {  	[tilespmem:$0x5180] =	vst v0  }
0x45: {  	[tilespmem:$0x5190] =	vst v0  }
0x46: {  	[tilespmem:$0x51A0] =	vst v0  }
0x47: {  	[tilespmem:$0x51B0] =	vst v0  }
0x48: {  	[tilespmem:$0x51C0] =	vst v0  }
0x49: {  	[tilespmem:$0x51D0] =	vst v0  }
0x4a: {  	[tilespmem:$0x51E0] =	vst v0  }
0x4b: {  	s15 =	simm.s32 $0x0;
	[tilespmem:$0x51F0] =	vst v0  }
.LBB2_6:
0x4c: {  	s16 =	sshrl.u32 s15, $0x3  }
0x4d: {  	s16 =	smul.u32 $0x50000, s16;
	_ =	sdelay $0x1  }
0x4e: {  	s17 =	sshll.u32 s15, $0x7;
	s16 =	sshra.s32 s16, $0x2  }
0x4f: {  	s17 =	sand.u32 $0x380, s17;
	s16 =	sadd.s32 s16, s5  }
0x50: {  	s16 =	sadd.s32 s17, s16  }
0x51: {  	[tilespmem:s12], [sflag:$0x1] =	stream.strided.gather [spmem:s16], $0x280, s11, s10, $0x38;
	[tilespmem:$0x7C80] =	vst v63  }
0x52: {  	_ =	swait.ge [sflag:s8], $0x280  }
0x53: {  	[sflag:s8] =	ssyncset.done $0x0  }
0x54: {  	s16 =	simm.s32 $0x0;
	[sflag:s8] =	ssyncadd.s32 $0xFFFFFD80  }
0x55: {  	s17 =	simm.s32 $0x40;
	v2 =	vld [tilespmem:s16+$0x5200]  }
.LBB2_7:
0x56: {  	p0 =	sne.s32 s17, $0x9C0;
	v3 =	vld [tilespmem:s16+$0x4F80];
	_ =	sdelay $0x2  }
.Ltmp2:
0x57: {  	(pc) =	sbr.rel @p0 .LBB2_7-.Ltmp2, $4  }
0x58: {  	_ = 	snop  }
0x59: {  	v3 =	vadd.f32 v2, v3  }
0x5a: {  	s18 =	sshra.s32 s17, $0x2  }
0x5b: {  	s17 =	sadd.s32 $0x40, s17;
	v2 =	vld [tilespmem:s18+$0x5200];
	[tilespmem:s16+$0x4F80] =	vst v3;
	s16 =	smov.u32 s18  }
0x5c: {  	v3 =	vld [tilespmem:s16+$0x4F80]  }
0x5d: {  	s15 =	sadd.s32 $0x1, s15  }
0x5e: {  	p0 =	sne.s32 s15, $0x10  }
.Ltmp3:
0x5f: {  	_ = 	snop;
	(pc) =	sbr.rel @p0 .LBB2_6-.Ltmp3, $3  }
0x60: {  	_ = 	snop  }
0x61: {  	v2 =	vadd.f32 v2, v3;
	_ =	sdelay $0x1  }
0x62: {  	[tilespmem:s16+$0x4F80] =	vst v2  }
0x63: {  	s2 =	sadd.s32 $0x1, s2  }
0x64: {  	p0 =	sne.s32 s2, s7  }
.Ltmp4:
0x65: {  	_ = 	snop;
	(pc) =	sbr.rel @p0 .LBB2_1-.Ltmp4, $4  }
0x66: {  	[hbm4b:s6+s10] =	stream.strided.scatter [tilespmem:s14], [sflag:$0x1], $0x280, s13, s10, $0x38;
	[tilespmem:$0x7C80] =	vst v63  }
0x67: {  	_ =	swait.ge [sflag:s8], $0x280  }
0x68: {  	[sflag:s8] =	ssyncset.done $0x0  }
0x69: {  	[sflag:s8] =	ssyncadd.s32 $0xFFFFFD80  }
0x6a: {  	_ =	sfence.sel $0x180000  }
0x6b: {  	[bflag:$0x0] =	sbarrier.arrive $0xFFFF  }
0x6c: {  	p0 =	sne.s32 s0, $0x0;
	_ =	strace $0x90000047  }
0x6d: {  	s0 =	sadd.s32 @!p0 $0x100000, s1;
	[bflag:$0x2] =	sbarrier.arrive $0xFFFF  }
0x6e: {  	[sflag:s0] =	ssyncadd.tile.s32 @!p0 $0x1;
	_ =	shalt  }
.Lfunc_end2:
_tile_overlayer_lowered:
.L_overlay_start_2:
0x6f: {  	(tag) =	ssettag $0x2  }
0x70: {  	s0 =	rddreg [dreg:$0x0];
	s2 =	stileid.u32  }
0x71: {  	s1 =	rddreg [dreg:$0x1];
	p0 =	sne.s32 s2, $0x0  }
0x72: {  	s3 =	rddreg [dreg:$0x2];
	[bflag:$0x3] =	sbarrier.arrive $0xFFFF;
	s2 =	simm.s32 @!p0 $0x1C01  }
0x73: {  	[timem:s3], [sflag:s2] =	dma.local @!p0 [hbm:s0], s1  }
0x74: {  	s0 =	simm.s32 @!p0 $0x1  }
0x75: {  	_ =	swait.ge @!p0 [sflag:s0], s1  }
0x76: {  	s1 =	ssub.s32 @!p0 $0x0, s1;
	[sflag:s0] =	ssyncset.done @!p0 $0x0  }
0x77: {  	[sflag:s0] =	ssyncadd.s32 @!p0 s1  }
0x78: {  	[bflag:$0x3] =	sbarrier.arrive $0xFFFF  }
0x79: {  	_ =	shalt  }

// kernel: kernel.13.cloned.1.call-start
scs
__scs_entry_jumppad:
0x0: {  	(pc) =	sbr.rel $0x88, $3  }
0x1: {  	(tag) =	ssettag $0x0;
	lr =	simm.s32 $0x1  }
0x2: {  	[smem:$0x3F94] =	sst lr;
	_ =	strace $0xD0000000  }
0x3: {  	_ = 	snop  }
0x4: {  	_ = 	snop  }
0x5: {  	_ = 	snop  }
0x6: {  	_ = 	snop  }
0x7: {  	_ = 	snop  }
__scs_overlays_trampoline_lowered:
0x8: {  	[smem:$0x3FA3] =	sst s0  }
0x9: {  	[smem:$0x3FA4] =	sst s1  }
0xa: {  	[smem:$0x3FA5] =	sst s2  }
0xb: {  	[smem:$0x3FA6] =	sst s3  }
0xc: {  	[smem:$0x3FA7] =	sst s4  }
0xd: {  	[smem:$0x3FA8] =	sst s5  }
0xe: {  	[smem:$0x3FA9] =	sst s6  }
0xf: {  	[smem:$0x3FAA] =	sst s7  }
0x10: {  	[smem:$0x3FAB] =	sst s8  }
0x11: {  	[smem:$0x3FAC] =	sst s9;
	s0 =	simm.s32 @!p0 $0x0  }
0x12: {  	s1 =	sld [smem:$0x3F92];
	s0 =	simm.s32 @p0 $0x1  }
0x13: {  	[smem:$0x3FAD] =	sst s0;
	s0 =	simm.s32 @!p1 $0x0  }
0x14: {  	s2 =	sld [smem:$0x3F91];
	s0 =	simm.s32 @p1 $0x1  }
0x15: {  	[smem:$0x3FAE] =	sst s0;
	s0 =	simm.s32 @!p2 $0x0  }
0x16: {  	s3 =	sld [smem:$0x3FDB];
	s0 =	simm.s32 @p2 $0x1  }
0x17: {  	s4 =	simm.s32 $0x1BF5;
	[smem:$0x3FB0] =	sst s0  }
0x18: {  	s0 =	sld [smem:$0x3F93];
	_ =	swait.ge [sflag:s4], $0x0  }
0x19: {  	s7 =	sld [smem:$0x3F94]  }
0x1a: {  	s8 =	sadd.s32 $0xFFFFE003, lr  }
0x1b: {  	s9 =	sadd.s32 $0xFFFFFEF7, lr;
	s5 =	simm.s32 $0xFFFFFFFF;
	p2 =	slt.u32 s8, $0xFFFFF086  }
0x1c: {  	p1 =	slt.u32 s9, $0xF7A;
	s5 =	simm.s32 @!p2 $0x0  }
0x1d: {  	s5 =	simm.s32 @p1 $0x1;
	p0 =	seq.s32 s7, s2  }
0x1e: {  	s7 =	smul.u32 @!p0 $0xF7A, s2;
	p2 =	seq.s32 @!p0 s5, $0x0  }
0x1f: {  	s9 =	smul.u32 $0xF7A, s1;
	s8 =	simm.s32 @!p0 $0x1BF5;
	p2 =	por !p2, p0  }
0x20: {  	[sflag:s8] =	ssyncset.s32 @!p0 $0xFFFFF086;
	s6 =	sadd.s32 @!p0 s3, s7;
	s7 =	simm.s32 @!p0 $0x108  }
0x21: {  	s3 =	sadd.s32 s3, s9;
	s6 =	sadd.s32 @!p0 $0x88, s6;
	s7 =	simm.s32 @p2 $0x1082  }
0x22: {  	[simem:s7], [sflag:s8] =	dma.local @!p0 [hbm:s6], $0xF7A  }
0x23: {  	s9 =	sor.u32 $0xD0000000, s2;
	s6 =	simm.s32 $0x108;
	_ =	swait.ge @!p0 [sflag:s8], $0x0  }
0x24: {  	s3 =	sadd.s32 $0x88, s3;
	s6 =	simm.s32 @!p1 $0x1082;
	[sflag:s4] =	ssyncset.s32 $0xFFFFF086  }
0x25: {  	[simem:s6], [sflag:s4] =	dma.local [hbm:s3], $0xF7A  }
0x26: {  	[smem:$0x3F94] =	sst s1;
	(tag) =	ssettag s2;
	_ =	strace s9  }
0x27: {  	s1 =	sld [smem:$0x3FA4]  }
0x28: {  	s2 =	sld [smem:$0x3FA5]  }
0x29: {  	s4 =	sld [smem:$0x3FA7]  }
0x2a: {  	p0 =	seq.s32 s5, $0x0;
	s5 =	sld [smem:$0x3FA8]  }
0x2b: {  	s6 =	sld [smem:$0x3FA9]  }
0x2c: {  	s7 =	sld [smem:$0x3FAA]  }
0x2d: {  	s3 =	simm.s32 $0x108;
	s8 =	sld [smem:$0x3FAB]  }
0x2e: {  	s3 =	simm.s32 @!p0 $0x1082;
	s9 =	sld [smem:$0x3FAC]  }
0x2f: {  	lr =	sadd.s32 s0, s3;
	s0 =	sld [smem:$0x3FA3]  }
0x30: {  	s3 =	sld [smem:$0x3FA6]  }
0x31: {  	[smem:$0x3FAF] =	sst s10  }
0x32: {  	s10 =	sld [smem:$0x3FAD];
	_ =	sdelay $0x3  }
0x33: {  	p0 =	seq.s32 s10, $0x1;
	s10 =	sld [smem:$0x3FAF];
	_ =	sdelay $0x3  }
0x34: {  	[smem:$0x3FAF] =	sst s10  }
0x35: {  	s10 =	sld [smem:$0x3FAE];
	_ =	sdelay $0x3  }
0x36: {  	p1 =	seq.s32 s10, $0x1;
	s10 =	sld [smem:$0x3FAF];
	_ =	sdelay $0x3  }
0x37: {  	[smem:$0x3FAF] =	sst s10  }
0x38: {  	s10 =	sld [smem:$0x3FB0]  }
0x39: {  	_ = 	snop;
	(pc) =	sbr.ind lr, $3  }
0x3a: {  	_ = 	snop  }
0x3b: {  	_ = 	snop  }
0x3c: {  	p2 =	seq.s32 s10, $0x1;
	s10 =	sld [smem:$0x3FAF]  }
0x3d: {  	_ =	shalt  }
0x3e: {  	_ =	shalt  }
0x3f: {  	_ =	shalt  }
0x40: {  	_ =	shalt  }
0x41: {  	_ =	shalt  }
0x42: {  	_ =	shalt  }
0x43: {  	_ =	shalt  }
0x44: {  	_ =	shalt  }
0x45: {  	_ =	shalt  }
0x46: {  	_ =	shalt  }
0x47: {  	_ =	shalt  }
0x48: {  	_ =	shalt  }
0x49: {  	_ =	shalt  }
0x4a: {  	_ =	shalt  }
0x4b: {  	_ =	shalt  }
0x4c: {  	_ =	shalt  }
0x4d: {  	_ =	shalt  }
0x4e: {  	_ =	shalt  }
0x4f: {  	_ =	shalt  }
0x50: {  	_ =	shalt  }
0x51: {  	_ =	shalt  }
0x52: {  	_ =	shalt  }
0x53: {  	_ =	shalt  }
0x54: {  	_ =	shalt  }
0x55: {  	_ =	shalt  }
0x56: {  	_ =	shalt  }
0x57: {  	_ =	shalt  }
0x58: {  	_ =	shalt  }
0x59: {  	_ =	shalt  }
0x5a: {  	_ =	shalt  }
0x5b: {  	_ =	shalt  }
0x5c: {  	_ =	shalt  }
0x5d: {  	_ =	shalt  }
0x5e: {  	_ =	shalt  }
0x5f: {  	_ =	shalt  }
0x60: {  	_ =	shalt  }
0x61: {  	_ =	shalt  }
0x62: {  	_ =	shalt  }
0x63: {  	_ =	shalt  }
0x64: {  	_ =	shalt  }
0x65: {  	_ =	shalt  }
0x66: {  	_ =	shalt  }
0x67: {  	_ =	shalt  }
0x68: {  	_ =	shalt  }
0x69: {  	_ =	shalt  }
0x6a: {  	_ =	shalt  }
0x6b: {  	_ =	shalt  }
0x6c: {  	_ =	shalt  }
0x6d: {  	_ =	shalt  }
0x6e: {  	_ =	shalt  }
0x6f: {  	_ =	shalt  }
0x70: {  	_ =	shalt  }
0x71: {  	_ =	shalt  }
0x72: {  	_ =	shalt  }
0x73: {  	_ =	shalt  }
0x74: {  	_ =	shalt  }
0x75: {  	_ =	shalt  }
0x76: {  	_ =	shalt  }
0x77: {  	_ =	shalt  }
0x78: {  	_ =	shalt  }
0x79: {  	_ =	shalt  }
0x7a: {  	_ =	shalt  }
0x7b: {  	_ =	shalt  }
0x7c: {  	_ =	shalt  }
0x7d: {  	_ =	shalt  }
0x7e: {  	_ =	shalt  }
0x7f: {  	_ =	shalt  }
0x80: {  	_ =	shalt  }
0x81: {  	_ =	shalt  }
0x82: {  	_ =	shalt  }
0x83: {  	_ =	shalt  }
0x84: {  	_ =	shalt  }
0x85: {  	_ =	shalt  }
0x86: {  	_ =	shalt  }
0x87: {  	_ =	shalt  }
.Lfunc_end0:
.L_simem_size_0:
called_computation.1_lowered:
.L_overlay_start_0:
0x88: {  	s2 =	sld [smem:$0x3FD9]  }
0x89: {  	s3 =	sld [smem:$0x3FFE];
	_ =	sdelay $0x1  }
0x8a: {  	s1 =	srdreg.scid  }
0x8b: {  	s0 =	sand.u32 $0x1, s1  }
0x8c: {  	s16 =	sshll.u32 s0, $0xA;
	s2 =	sadd.s32 s3, s2  }
0x8d: {  	s2 =	sadd.s32 s2, s16  }
0x8e: {  	[smem:$0x3FBB] =	sst s2  }
0x8f: {  	_ = 	snop  }
0x90: {  	(tm) =	ssettm $0x1  }
0x91: {  	s17 =	sld [smem:$0x3FFB];
	_ =	sdelay $0x3  }
0x92: {  	_ =	strace s17  }
0x93: {  	s2 =	sld [smem:$0x3FFC];
	_ =	sdelay $0x3  }
0x94: {  	_ =	strace s2  }
0x95: {  	s2 =	sld [smem:$0x3FFD];
	_ =	sdelay $0x3  }
0x96: {  	_ =	strace s2  }
0x97: {  	_ =	strace $0x8FFFFFFF  }
0x98: {  	s18 =	sld [smem:$0x3FDB];
	_ =	sdelay $0x1  }
0x99: {  	s19 =	simm.s32 $_scs_section_size  }
0x9a: {  	s4 =	simm.s32 $_size__tile_overlayer_lowered;
	s5 =	simm.s32 $_tile_overlayer_lowered  }
0x9b: {  	s22 =	simm.s32 $0x1BFF;
	s21 =	sshll.u32 s5, $0x1;
	s2 =	sadd.s32 s19, s18  }
0x9c: {  	s6 =	simm.s32 $0x0;
	s20 =	sshll.u32 s4, $0x1;
	s4 =	sadd.s32 s21, s2  }
0x9d: {  	[timem:s6], [sflag:s22] =	dma.local [hbm:s4], s20  }
0x9e: {  	_ =	swait.ge [sflag:s22], s20  }
0x9f: {  	s3 =	ssub.s32 $0x0, s20;
	[sflag:s22] =	ssyncset.done $0x0  }
0xa0: {  	[sflag:s22] =	ssyncadd.s32 s3;
	_ =	sdelay $0x1  }
0xa1: {  	s23 =	simm.s32 $0x1B8B  }
0xa2: {  	_ =	swait.ge [sflag:s23], $0x1  }
0xa3: {  	[sflag:s23] =	ssyncset.done $0x0  }
0xa4: {  	s25 =	simm.s32 $0x1B8E;
	s24 =	sld [smem:$0x3FFE];
	[sflag:s23] =	ssyncadd.s32 $0xFFFFFFFF  }
0xa5: {  	s26 =	simm.s32 $execute0_lowered;
	[smem:$0x3FD2] =	sst s25  }
0xa6: {  	s4 =	sshll.u32 s26, $0x1;
	_ =	strace $0x80000049;
	[dreg:$0x1] =	wrdreg $0xFFFFFFFF  }
0xa7: {  	s28 =	simm.s32 $_size_execute0_lowered;
	s2 =	sadd.s32 s2, s4;
	[dreg:$0x0] =	wrdreg $0x0  }
0xa8: {  	s4 =	sshll.u32 s28, $0x1;
	[dreg:$0x2] =	wrdreg s2  }
0xa9: {  	[dreg:$0x3] =	wrdreg s4  }
0xaa: {  	[dreg:$0x4] =	wrdreg $0xC0  }
0xab: {  	_ =	task [dreg:s6], $0x5FFFF  }
0xac: {  	[dreg:$0x1] =	wrdreg $0xFFFFFFFF  }
0xad: {  	[dreg:$0x0] =	wrdreg $0x60  }
0xae: {  	[dreg:$0x2] =	wrdreg s24  }
0xaf: {  	[dreg:$0x3] =	wrdreg $0xA8000  }
0xb0: {  	[dreg:$0x4] =	wrdreg $0x9  }
0xb1: {  	_ =	task.clear_ibuf [dreg:s6], $0x5FFFF;
	_ =	strace $0x90000049  }
0xb2: {  	s29 =	simm.s32 $0x9;
	_ =	strace $0x8000004B  }
0xb3: {  	_ =	swait.ge [sflag:s29], $0x1  }
0xb4: {  	[sflag:s29] =	ssyncadd.s32 $0xFFFFFFFF  }
0xb5: {  	_ =	strace $0x9000004B  }
0xb6: {  	_ =	sfence  }
0xb7: {  	s30 =	sld [smem:$0x0];
	_ =	sdelay $0x2  }
0xb8: {  	s31 =	sshll.u32 s1, $0xD;
	s1 =	sshrl.u32 s1, $0x2  }
0xb9: {  	s3 =	sand.u32 $0x4000, s31;
	s1 =	sadd.s32 s1, s30  }
0xba: {  	s0 =	sor.u32 s3, s0;
	s1 =	sshll.u32 s1, $0x11  }
0xbb: {  	s0 =	sor.u32 s1, s0  }
0xbc: {  	s0 =	sadd.s32 $0x8F2B, s0  }
0xbd: {  	[sflag:s0] =	ssyncadd.remote.s32 $0x1  }
0xbe: {  	_ =	sfence.sel $0xFFFF  }
0xbf: {  	[dreg:$0x0] =	wrdreg $0xFFFFFFFF;
	(pc) =	sbr.abs _section_cstart, $3  }
0xc0: {  	[dreg:$0x1] =	wrdreg $0xFFFFFFFF  }
0xc1: {  	_ =	task.clear_ibuf [dreg:s6], $0x2FFFF;
	_ =	strace $0x9FFFFFFF  }
0xc2: {  	(tm) =	ssettm $0x7FFFFFFF  }
0xc3: {  	_ =	shalt  }
tec
execute0_lowered:
.L_overlay_start_1:
0x0: {  	(tag) =	ssettag $0x1  }
0x1: {  	s6 =	rddreg [dreg:$0x0]  }
0x2: {  	s1 =	rddreg [dreg:$0x1]  }
0x3: {  	s2 =	srdreg.scid;
	s0 =	rddreg [dreg:$0x2]  }
0x4: {  	s3 =	simm.s32 $0x0;
	s16 =	simm.s32 $0x7D;
	s17 =	simm.s32 $0x2800  }
0x5: {  	s18 =	simm.s32 $0x80;
	s19 =	simm.s32 $0x6800;
	s20 =	simm.s32 $0x1  }
0x6: {  	s21 =	simm.s32 $0x2;
	s22 =	simm.s32 $0x3;
	s23 =	simm.s32 $0x4  }
0x7: {  	s7 =	sand.u32 $0x1, s2;
	s2 =	stileid.u32;
	[smem:$0x7FF] =	sst s3  }
0x8: {  	s4 =	sadd.s32 $0x21C00, s6;
	s10 =	sadd.s32 $0x17C00, s6;
	s8 =	smul.u32 $0x140000, s7  }
0x9: {  	s11 =	sadd.s32 $0xDC00, s6;
	s5 =	sadd.s32 $0x3400, s6;
	s9 =	smul.u32 $0x14000, s2  }
0xa: {  	_ =	strace $0x8000004A;
	s24 =	ssub.s32 $0x2, s7;
	s7 =	sshll.u32 s7, $0x4  }
0xb: {  	s13 =	smul.u32 $0x50000, s2;
	s28 =	sshll.u32 s2, $0x6;
	s7 =	sor.u32 s2, s7  }
0xc: {  	s12 =	sshrl.u32 s24, $0x1;
	s8 =	sadd.s32 s9, s8;
	s25 =	smul.u32 $0x2800, s7  }
0xd: {  	s12 =	ssub.s32 s24, s12;
	s26 =	sshrl.u32 s13, $0x2;
	s29 =	smul.u32 $0x500, s7  }
0xe: {  	s24 =	simm.s32 $0x2700;
	s8 =	sshrl.u32 s8, $0x3;
	s15 =	sadd.s32 s26, s1  }
0xf: {  	s12 =	smax.u32 s12, $0x1;
	s26 =	simm.s32 $0x0;
	s14 =	sadd.s32 s8, s6  }
0x10: {  	s6 =	sor.u32 $0x1C05, s28;
	s30 =	sshrl.u32 s25, $0x3;
	s7 =	sadd.s32 s10, s29  }
0x11: {  	s8 =	sadd.s32 s11, s29;
	s13 =	sshrl.u32 s15, $0x3;
	s31 =	sadd.s32 $0x280, s30  }
0x12: {  	s15 =	simm.s32 $0x1400;
	s25 =	simm.s32 $0x2780;
	s9 =	sadd.s32 s10, s31  }
0x13: {  	s10 =	sadd.s32 s11, s31;
	s11 =	sadd.s32 $0x48E00, s14;
	s14 =	simm.s32 $0x5  }
.LBB2_1:
0x14: {  	[spmem:s13], [sflag:s6] =	dma.local [hbm:s5], $0x2800  }
0x15: {  	_ =	swait.ge [sflag:s14], $0x2800  }
0x16: {  	[sflag:s14] =	ssyncset.done $0x0  }
0x17: {  	[sflag:s14] =	ssyncadd.s32 $0xFFFFD800  }
0x18: {  	[bflag:$0x0] =	sbarrier.arrive $0xFFFF  }
0x19: {  	[tilespmem:s3], [sflag:$0x5] =	stream.linear.gather [hbm4b:s7+s3], $0x1400, $0x38;
	[tilespmem:$0x1E800] =	vst v63  }
0x1a: {  	_ =	swait.ge [sflag:s14], $0x1400  }
0x1b: {  	[sflag:s14] =	ssyncset.done $0x0  }
0x1c: {  	[sflag:s14] =	ssyncadd.s32 $0xFFFFEC00  }
0x1d: {  	[tilespmem:s15], [sflag:$0x5] =	stream.linear.gather [hbm4b:s8+s3], $0x1400, $0x38;
	[tilespmem:$0x1E800] =	vst v63  }
0x1e: {  	_ =	swait.ge [sflag:s14], $0x1400  }
0x1f: {  	[sflag:s14] =	ssyncset.done $0x0  }
0x20: {  	[sflag:s14] =	ssyncadd.s32 $0xFFFFEC00  }
0x21: {  	[tilespmem:s17], [sflag:$0x1] =	stream.indirect.gather [hbm4b:s4+s16], $0x80, s3, s16, $0xb8;
	[tilespmem:$0x1E800] =	vst v63  }
0x22: {  	_ = 	snop  }
0x23: {  	[tilespmem:s19], [sflag:$0x2] =	stream.indirect.gather [hbm4b:s4+s16], $0x80, s18, s16, $0xb8;
	[tilespmem:$0x1E800] =	vst v63  }
0x24: {  	_ =	swait.ge [sflag:s20], $0x3E80  }
0x25: {  	[sflag:s20] =	ssyncset.done $0x0  }
0x26: {  	s28 =	simm.s32 $0x1400;
	[sflag:s20] =	ssyncadd.s32 $0xFFFFC180  }
0x27: {  	[spmem:s1] =	stream.indirect.scatter.add.f32 [tilespmem:s17], [sflag:$0x3], $0x80, s28, s16, $0xb8;
	[tilespmem:$0x1E800] =	vst v63  }
0x28: {  	_ =	swait.ge [sflag:s21], $0x3E80  }
0x29: {  	[sflag:s21] =	ssyncset.done $0x0  }
0x2a: {  	s28 =	simm.s32 $0x1480;
	[sflag:s21] =	ssyncadd.s32 $0xFFFFC180  }
0x2b: {  	[spmem:s1] =	stream.indirect.scatter.add.f32 [tilespmem:s19], [sflag:$0x4], $0x80, s28, s16, $0xb8;
	[tilespmem:$0x1E800] =	vst v63  }
0x2c: {  	_ =	swait.ge [sflag:s22], $0x3E80  }
0x2d: {  	[sflag:s22] =	ssyncset.done $0x0  }
0x2e: {  	s28 =	simm.s32 $0x100;
	[sflag:s22] =	ssyncadd.s32 $0xFFFFC180  }
0x2f: {  	[tilespmem:s17], [sflag:$0x1] =	stream.indirect.gather [hbm4b:s4+s16], $0x80, s28, s16, $0xb8;
	[tilespmem:$0x1E800] =	vst v63  }
0x30: {  	_ =	swait.ge [sflag:s23], $0x3E80  }
0x31: {  	[sflag:s23] =	ssyncset.done $0x0  }
0x32: {  	s29 =	simm.s32 $0x180;
	s28 =	simm.s32 $0x400;
	[sflag:s23] =	ssyncadd.s32 $0xFFFFC180  }
.LBB2_2:
0x33: {  	[tilespmem:s19], [sflag:$0x2] =	stream.indirect.gather [hbm4b:s4+s16], $0x80, s29, s16, $0xb8;
	[tilespmem:$0x1E800] =	vst v63  }
0x34: {  	s29 =	smov.u32 s28  }
0x35: {  	p0 =	sne.s32 s28, $0x4800;
	s28 =	sadd.s32 $0x400, s28;
	_ =	swait.ge [sflag:s20], $0x3E80  }
0x36: {  	s29 =	sshra.s32 s29, $0x2;
	[sflag:s20] =	ssyncset.done $0x0  }
0x37: {  	s30 =	sadd.s32 $0x1400, s29;
	[sflag:s20] =	ssyncadd.s32 $0xFFFFC180  }
0x38: {  	[spmem:s1] =	stream.indirect.scatter.add.f32 [tilespmem:s17], [sflag:$0x3], $0x80, s30, s16, $0xb8;
	[tilespmem:$0x1E800] =	vst v63  }
0x39: {  	_ =	swait.ge [sflag:s21], $0x3E80  }
0x3a: {  	[sflag:s21] =	ssyncset.done $0x0  }
0x3b: {  	s30 =	sadd.s32 $0x1480, s29;
	[sflag:s21] =	ssyncadd.s32 $0xFFFFC180  }
0x3c: {  	[spmem:s1] =	stream.indirect.scatter.add.f32 [tilespmem:s19], [sflag:$0x4], $0x80, s30, s16, $0xb8;
	[tilespmem:$0x1E800] =	vst v63  }
0x3d: {  	_ =	swait.ge [sflag:s22], $0x3E80  }
0x3e: {  	[sflag:s22] =	ssyncset.done $0x0  }
.Ltmp0:
0x3f: {  	s30 =	sadd.s32 $0x100, s29;
	[sflag:s22] =	ssyncadd.s32 $0xFFFFC180;
	(pc) =	sbr.rel @p0 .LBB2_2-.Ltmp0, $4  }
0x40: {  	[tilespmem:s17], [sflag:$0x1] =	stream.indirect.gather [hbm4b:s4+s16], $0x80, s30, s16, $0xb8;
	[tilespmem:$0x1E800] =	vst v63  }
0x41: {  	_ =	swait.ge [sflag:s23], $0x3E80  }
0x42: {  	[sflag:s23] =	ssyncset.done $0x0  }
0x43: {  	s29 =	sadd.s32 $0x180, s29;
	[sflag:s23] =	ssyncadd.s32 $0xFFFFC180  }
0x44: {  	[tilespmem:s19], [sflag:$0x2] =	stream.indirect.gather [hbm4b:s4+s16], $0x80, s29, s16, $0xb8;
	[tilespmem:$0x1E800] =	vst v63  }
0x45: {  	_ =	swait.ge [sflag:s20], $0x3E80  }
0x46: {  	[sflag:s20] =	ssyncset.done $0x0  }
0x47: {  	[sflag:s20] =	ssyncadd.s32 $0xFFFFC180  }
0x48: {  	[spmem:s1] =	stream.indirect.scatter.add.f32 [tilespmem:s17], [sflag:$0x3], $0x80, s24, s16, $0xb8;
	[tilespmem:$0x1E800] =	vst v63  }
0x49: {  	_ =	swait.ge [sflag:s21], $0x3E80  }
0x4a: {  	[sflag:s21] =	ssyncset.done $0x0  }
0x4b: {  	[sflag:s21] =	ssyncadd.s32 $0xFFFFC180  }
0x4c: {  	[spmem:s1] =	stream.indirect.scatter.add.f32 [tilespmem:s19], [sflag:$0x4], $0x80, s25, s16, $0xb8;
	[tilespmem:$0x1E800] =	vst v63  }
0x4d: {  	_ =	swait.ge [sflag:s22], $0x3E80  }
0x4e: {  	[sflag:s22] =	ssyncset.done $0x0  }
0x4f: {  	[sflag:s22] =	ssyncadd.s32 $0xFFFFC180  }
0x50: {  	_ =	swait.ge [sflag:s23], $0x3E80  }
0x51: {  	[sflag:s23] =	ssyncset.done $0x0  }
0x52: {  	s28 =	simm.s32 $0x0;
	[sflag:s23] =	ssyncadd.s32 $0xFFFFC180  }
0x53: {  	[tilespmem:s28], [sflag:$0x5] =	stream.linear.gather [hbm4b:s9+s28], $0x1400, $0x38;
	[tilespmem:$0x1E800] =	vst v63  }
0x54: {  	_ =	swait.ge [sflag:s14], $0x1400  }
0x55: {  	[sflag:s14] =	ssyncset.done $0x0  }
0x56: {  	[sflag:s14] =	ssyncadd.s32 $0xFFFFEC00  }
0x57: {  	[tilespmem:s15], [sflag:$0x5] =	stream.linear.gather [hbm4b:s10+s28], $0x1400, $0x38;
	[tilespmem:$0x1E800] =	vst v63  }
0x58: {  	_ =	swait.ge [sflag:s14], $0x1400  }
0x59: {  	[sflag:s14] =	ssyncset.done $0x0  }
0x5a: {  	[sflag:s14] =	ssyncadd.s32 $0xFFFFEC00  }
0x5b: {  	[tilespmem:s17], [sflag:$0x1] =	stream.indirect.gather [hbm4b:s4+s16], $0x80, s28, s16, $0xb8;
	[tilespmem:$0x1E800] =	vst v63  }
0x5c: {  	_ = 	snop  }
0x5d: {  	[tilespmem:s19], [sflag:$0x2] =	stream.indirect.gather [hbm4b:s4+s16], $0x80, s18, s16, $0xb8;
	[tilespmem:$0x1E800] =	vst v63  }
0x5e: {  	_ =	swait.ge [sflag:s20], $0x3E80  }
0x5f: {  	[sflag:s20] =	ssyncset.done $0x0  }
0x60: {  	s28 =	simm.s32 $0x1400;
	[sflag:s20] =	ssyncadd.s32 $0xFFFFC180  }
0x61: {  	[spmem:s1] =	stream.indirect.scatter.add.f32 [tilespmem:s17], [sflag:$0x3], $0x80, s28, s16, $0xb8;
	[tilespmem:$0x1E800] =	vst v63  }
0x62: {  	_ =	swait.ge [sflag:s21], $0x3E80  }
0x63: {  	[sflag:s21] =	ssyncset.done $0x0  }
0x64: {  	s28 =	simm.s32 $0x1480;
	[sflag:s21] =	ssyncadd.s32 $0xFFFFC180  }
0x65: {  	[spmem:s1] =	stream.indirect.scatter.add.f32 [tilespmem:s19], [sflag:$0x4], $0x80, s28, s16, $0xb8;
	[tilespmem:$0x1E800] =	vst v63  }
0x66: {  	_ =	swait.ge [sflag:s22], $0x3E80  }
0x67: {  	[sflag:s22] =	ssyncset.done $0x0  }
0x68: {  	s28 =	simm.s32 $0x100;
	[sflag:s22] =	ssyncadd.s32 $0xFFFFC180  }
0x69: {  	[tilespmem:s17], [sflag:$0x1] =	stream.indirect.gather [hbm4b:s4+s16], $0x80, s28, s16, $0xb8;
	[tilespmem:$0x1E800] =	vst v63  }
0x6a: {  	_ =	swait.ge [sflag:s23], $0x3E80  }
0x6b: {  	[sflag:s23] =	ssyncset.done $0x0  }
0x6c: {  	s29 =	simm.s32 $0x180;
	s28 =	simm.s32 $0x400;
	[sflag:s23] =	ssyncadd.s32 $0xFFFFC180  }
.LBB2_4:
0x6d: {  	[tilespmem:s19], [sflag:$0x2] =	stream.indirect.gather [hbm4b:s4+s16], $0x80, s29, s16, $0xb8;
	[tilespmem:$0x1E800] =	vst v63  }
0x6e: {  	s29 =	smov.u32 s28  }
0x6f: {  	p0 =	sne.s32 s28, $0x4800;
	s28 =	sadd.s32 $0x400, s28;
	_ =	swait.ge [sflag:s20], $0x3E80  }
0x70: {  	s29 =	sshra.s32 s29, $0x2;
	[sflag:s20] =	ssyncset.done $0x0  }
0x71: {  	s30 =	sadd.s32 $0x1400, s29;
	[sflag:s20] =	ssyncadd.s32 $0xFFFFC180  }
0x72: {  	[spmem:s1] =	stream.indirect.scatter.add.f32 [tilespmem:s17], [sflag:$0x3], $0x80, s30, s16, $0xb8;
	[tilespmem:$0x1E800] =	vst v63  }
0x73: {  	_ =	swait.ge [sflag:s21], $0x3E80  }
0x74: {  	[sflag:s21] =	ssyncset.done $0x0  }
0x75: {  	s30 =	sadd.s32 $0x1480, s29;
	[sflag:s21] =	ssyncadd.s32 $0xFFFFC180  }
0x76: {  	[spmem:s1] =	stream.indirect.scatter.add.f32 [tilespmem:s19], [sflag:$0x4], $0x80, s30, s16, $0xb8;
	[tilespmem:$0x1E800] =	vst v63  }
0x77: {  	_ =	swait.ge [sflag:s22], $0x3E80  }
0x78: {  	[sflag:s22] =	ssyncset.done $0x0  }
.Ltmp1:
0x79: {  	s30 =	sadd.s32 $0x100, s29;
	[sflag:s22] =	ssyncadd.s32 $0xFFFFC180;
	(pc) =	sbr.rel @p0 .LBB2_4-.Ltmp1, $4  }
0x7a: {  	[tilespmem:s17], [sflag:$0x1] =	stream.indirect.gather [hbm4b:s4+s16], $0x80, s30, s16, $0xb8;
	[tilespmem:$0x1E800] =	vst v63  }
0x7b: {  	_ =	swait.ge [sflag:s23], $0x3E80  }
0x7c: {  	[sflag:s23] =	ssyncset.done $0x0  }
0x7d: {  	s29 =	sadd.s32 $0x180, s29;
	[sflag:s23] =	ssyncadd.s32 $0xFFFFC180  }
0x7e: {  	[tilespmem:s19], [sflag:$0x2] =	stream.indirect.gather [hbm4b:s4+s16], $0x80, s29, s16, $0xb8;
	[tilespmem:$0x1E800] =	vst v63  }
0x7f: {  	_ =	swait.ge [sflag:s20], $0x3E80  }
0x80: {  	[sflag:s20] =	ssyncset.done $0x0  }
0x81: {  	[sflag:s20] =	ssyncadd.s32 $0xFFFFC180  }
0x82: {  	[spmem:s1] =	stream.indirect.scatter.add.f32 [tilespmem:s17], [sflag:$0x3], $0x80, s24, s16, $0xb8;
	[tilespmem:$0x1E800] =	vst v63  }
0x83: {  	_ =	swait.ge [sflag:s21], $0x3E80  }
0x84: {  	[sflag:s21] =	ssyncset.done $0x0  }
0x85: {  	[sflag:s21] =	ssyncadd.s32 $0xFFFFC180  }
0x86: {  	[spmem:s1] =	stream.indirect.scatter.add.f32 [tilespmem:s19], [sflag:$0x4], $0x80, s25, s16, $0xb8;
	[tilespmem:$0x1E800] =	vst v63  }
0x87: {  	_ =	swait.ge [sflag:s22], $0x3E80  }
0x88: {  	[sflag:s22] =	ssyncset.done $0x0  }
0x89: {  	[sflag:s22] =	ssyncadd.s32 $0xFFFFC180  }
0x8a: {  	_ =	swait.ge [sflag:s23], $0x3E80  }
0x8b: {  	s26 =	sadd.s32 $0x1, s26;
	[sflag:s23] =	ssyncset.done $0x0  }
0x8c: {  	p0 =	sne.s32 s26, s12;
	[sflag:s23] =	ssyncadd.s32 $0xFFFFC180  }
.Ltmp2:
0x8d: {  	[bflag:$0x0] =	sbarrier.arrive $0xFFFF;
	(pc) =	sbr.rel @p0 .LBB2_1-.Ltmp2, $4  }
0x8e: {  	[hbm:s11], [sflag:s6] =	dma.local [spmem:s13], $0x2800  }
0x8f: {  	_ =	swait.ge [sflag:s14], $0x2800  }
0x90: {  	[sflag:s14] =	ssyncset.done $0x0  }
0x91: {  	[sflag:s14] =	ssyncadd.s32 $0xFFFFD800  }
0x92: {  	_ =	sfence.sel $0x180000  }
0x93: {  	[bflag:$0x0] =	sbarrier.arrive $0xFFFF  }
0x94: {  	p0 =	sne.s32 s2, $0x0;
	_ =	strace $0x9000004A  }
0x95: {  	s0 =	sadd.s32 @!p0 $0x100000, s0;
	[bflag:$0x2] =	sbarrier.arrive $0xFFFF  }
0x96: {  	[sflag:s0] =	ssyncadd.tile.s32 @!p0 $0x1;
	_ =	shalt  }
.Lfunc_end2:
_tile_overlayer_lowered:
.L_overlay_start_2:
0x97: {  	(tag) =	ssettag $0x2  }
0x98: {  	s0 =	rddreg [dreg:$0x0];
	s2 =	stileid.u32  }
0x99: {  	s1 =	rddreg [dreg:$0x1];
	p0 =	sne.s32 s2, $0x0  }
0x9a: {  	s3 =	rddreg [dreg:$0x2];
	[bflag:$0x3] =	sbarrier.arrive $0xFFFF;
	s2 =	simm.s32 @!p0 $0x1C05  }
0x9b: {  	[timem:s3], [sflag:s2] =	dma.local @!p0 [hbm:s0], s1  }
0x9c: {  	s0 =	simm.s32 @!p0 $0x5  }
0x9d: {  	_ =	swait.ge @!p0 [sflag:s0], s1  }
0x9e: {  	s1 =	ssub.s32 @!p0 $0x0, s1;
	[sflag:s0] =	ssyncset.done @!p0 $0x0  }
0x9f: {  	[sflag:s0] =	ssyncadd.s32 @!p0 s1  }
0xa0: {  	[bflag:$0x3] =	sbarrier.arrive $0xFFFF  }
0xa1: {  	_ =	shalt  }

// kernel: kernel.16.cloned.1.call-start
scs
__scs_entry_jumppad:
0x0: {  	(pc) =	sbr.rel $0x88, $3  }
0x1: {  	(tag) =	ssettag $0x0;
	lr =	simm.s32 $0x1  }
0x2: {  	[smem:$0x3F94] =	sst lr;
	_ =	strace $0xD0000000  }
0x3: {  	_ = 	snop  }
0x4: {  	_ = 	snop  }
0x5: {  	_ = 	snop  }
0x6: {  	_ = 	snop  }
0x7: {  	_ = 	snop  }
__scs_overlays_trampoline_lowered:
0x8: {  	[smem:$0x3FA3] =	sst s0  }
0x9: {  	[smem:$0x3FA4] =	sst s1  }
0xa: {  	[smem:$0x3FA5] =	sst s2  }
0xb: {  	[smem:$0x3FA6] =	sst s3  }
0xc: {  	[smem:$0x3FA7] =	sst s4  }
0xd: {  	[smem:$0x3FA8] =	sst s5  }
0xe: {  	[smem:$0x3FA9] =	sst s6  }
0xf: {  	[smem:$0x3FAA] =	sst s7  }
0x10: {  	[smem:$0x3FAB] =	sst s8  }
0x11: {  	[smem:$0x3FAC] =	sst s9;
	s0 =	simm.s32 @!p0 $0x0  }
0x12: {  	s1 =	sld [smem:$0x3F92];
	s0 =	simm.s32 @p0 $0x1  }
0x13: {  	[smem:$0x3FAD] =	sst s0;
	s0 =	simm.s32 @!p1 $0x0  }
0x14: {  	s2 =	sld [smem:$0x3F91];
	s0 =	simm.s32 @p1 $0x1  }
0x15: {  	[smem:$0x3FAE] =	sst s0;
	s0 =	simm.s32 @!p2 $0x0  }
0x16: {  	s3 =	sld [smem:$0x3FDB];
	s0 =	simm.s32 @p2 $0x1  }
0x17: {  	s4 =	simm.s32 $0x1BF5;
	[smem:$0x3FB0] =	sst s0  }
0x18: {  	s0 =	sld [smem:$0x3F93];
	_ =	swait.ge [sflag:s4], $0x0  }
0x19: {  	s7 =	sld [smem:$0x3F94]  }
0x1a: {  	s8 =	sadd.s32 $0xFFFFE003, lr  }
0x1b: {  	s9 =	sadd.s32 $0xFFFFFEF7, lr;
	s5 =	simm.s32 $0xFFFFFFFF;
	p2 =	slt.u32 s8, $0xFFFFF086  }
0x1c: {  	p1 =	slt.u32 s9, $0xF7A;
	s5 =	simm.s32 @!p2 $0x0  }
0x1d: {  	s5 =	simm.s32 @p1 $0x1;
	p0 =	seq.s32 s7, s2  }
0x1e: {  	s7 =	smul.u32 @!p0 $0xF7A, s2;
	p2 =	seq.s32 @!p0 s5, $0x0  }
0x1f: {  	s9 =	smul.u32 $0xF7A, s1;
	s8 =	simm.s32 @!p0 $0x1BF5;
	p2 =	por !p2, p0  }
0x20: {  	[sflag:s8] =	ssyncset.s32 @!p0 $0xFFFFF086;
	s6 =	sadd.s32 @!p0 s3, s7;
	s7 =	simm.s32 @!p0 $0x108  }
0x21: {  	s3 =	sadd.s32 s3, s9;
	s6 =	sadd.s32 @!p0 $0x88, s6;
	s7 =	simm.s32 @p2 $0x1082  }
0x22: {  	[simem:s7], [sflag:s8] =	dma.local @!p0 [hbm:s6], $0xF7A  }
0x23: {  	s9 =	sor.u32 $0xD0000000, s2;
	s6 =	simm.s32 $0x108;
	_ =	swait.ge @!p0 [sflag:s8], $0x0  }
0x24: {  	s3 =	sadd.s32 $0x88, s3;
	s6 =	simm.s32 @!p1 $0x1082;
	[sflag:s4] =	ssyncset.s32 $0xFFFFF086  }
0x25: {  	[simem:s6], [sflag:s4] =	dma.local [hbm:s3], $0xF7A  }
0x26: {  	[smem:$0x3F94] =	sst s1;
	(tag) =	ssettag s2;
	_ =	strace s9  }
0x27: {  	s1 =	sld [smem:$0x3FA4]  }
0x28: {  	s2 =	sld [smem:$0x3FA5]  }
0x29: {  	s4 =	sld [smem:$0x3FA7]  }
0x2a: {  	p0 =	seq.s32 s5, $0x0;
	s5 =	sld [smem:$0x3FA8]  }
0x2b: {  	s6 =	sld [smem:$0x3FA9]  }
0x2c: {  	s7 =	sld [smem:$0x3FAA]  }
0x2d: {  	s3 =	simm.s32 $0x108;
	s8 =	sld [smem:$0x3FAB]  }
0x2e: {  	s3 =	simm.s32 @!p0 $0x1082;
	s9 =	sld [smem:$0x3FAC]  }
0x2f: {  	lr =	sadd.s32 s0, s3;
	s0 =	sld [smem:$0x3FA3]  }
0x30: {  	s3 =	sld [smem:$0x3FA6]  }
0x31: {  	[smem:$0x3FAF] =	sst s10  }
0x32: {  	s10 =	sld [smem:$0x3FAD];
	_ =	sdelay $0x3  }
0x33: {  	p0 =	seq.s32 s10, $0x1;
	s10 =	sld [smem:$0x3FAF];
	_ =	sdelay $0x3  }
0x34: {  	[smem:$0x3FAF] =	sst s10  }
0x35: {  	s10 =	sld [smem:$0x3FAE];
	_ =	sdelay $0x3  }
0x36: {  	p1 =	seq.s32 s10, $0x1;
	s10 =	sld [smem:$0x3FAF];
	_ =	sdelay $0x3  }
0x37: {  	[smem:$0x3FAF] =	sst s10  }
0x38: {  	s10 =	sld [smem:$0x3FB0]  }
0x39: {  	_ = 	snop;
	(pc) =	sbr.ind lr, $3  }
0x3a: {  	_ = 	snop  }
0x3b: {  	_ = 	snop  }
0x3c: {  	p2 =	seq.s32 s10, $0x1;
	s10 =	sld [smem:$0x3FAF]  }
0x3d: {  	_ =	shalt  }
0x3e: {  	_ =	shalt  }
0x3f: {  	_ =	shalt  }
0x40: {  	_ =	shalt  }
0x41: {  	_ =	shalt  }
0x42: {  	_ =	shalt  }
0x43: {  	_ =	shalt  }
0x44: {  	_ =	shalt  }
0x45: {  	_ =	shalt  }
0x46: {  	_ =	shalt  }
0x47: {  	_ =	shalt  }
0x48: {  	_ =	shalt  }
0x49: {  	_ =	shalt  }
0x4a: {  	_ =	shalt  }
0x4b: {  	_ =	shalt  }
0x4c: {  	_ =	shalt  }
0x4d: {  	_ =	shalt  }
0x4e: {  	_ =	shalt  }
0x4f: {  	_ =	shalt  }
0x50: {  	_ =	shalt  }
0x51: {  	_ =	shalt  }
0x52: {  	_ =	shalt  }
0x53: {  	_ =	shalt  }
0x54: {  	_ =	shalt  }
0x55: {  	_ =	shalt  }
0x56: {  	_ =	shalt  }
0x57: {  	_ =	shalt  }
0x58: {  	_ =	shalt  }
0x59: {  	_ =	shalt  }
0x5a: {  	_ =	shalt  }
0x5b: {  	_ =	shalt  }
0x5c: {  	_ =	shalt  }
0x5d: {  	_ =	shalt  }
0x5e: {  	_ =	shalt  }
0x5f: {  	_ =	shalt  }
0x60: {  	_ =	shalt  }
0x61: {  	_ =	shalt  }
0x62: {  	_ =	shalt  }
0x63: {  	_ =	shalt  }
0x64: {  	_ =	shalt  }
0x65: {  	_ =	shalt  }
0x66: {  	_ =	shalt  }
0x67: {  	_ =	shalt  }
0x68: {  	_ =	shalt  }
0x69: {  	_ =	shalt  }
0x6a: {  	_ =	shalt  }
0x6b: {  	_ =	shalt  }
0x6c: {  	_ =	shalt  }
0x6d: {  	_ =	shalt  }
0x6e: {  	_ =	shalt  }
0x6f: {  	_ =	shalt  }
0x70: {  	_ =	shalt  }
0x71: {  	_ =	shalt  }
0x72: {  	_ =	shalt  }
0x73: {  	_ =	shalt  }
0x74: {  	_ =	shalt  }
0x75: {  	_ =	shalt  }
0x76: {  	_ =	shalt  }
0x77: {  	_ =	shalt  }
0x78: {  	_ =	shalt  }
0x79: {  	_ =	shalt  }
0x7a: {  	_ =	shalt  }
0x7b: {  	_ =	shalt  }
0x7c: {  	_ =	shalt  }
0x7d: {  	_ =	shalt  }
0x7e: {  	_ =	shalt  }
0x7f: {  	_ =	shalt  }
0x80: {  	_ =	shalt  }
0x81: {  	_ =	shalt  }
0x82: {  	_ =	shalt  }
0x83: {  	_ =	shalt  }
0x84: {  	_ =	shalt  }
0x85: {  	_ =	shalt  }
0x86: {  	_ =	shalt  }
0x87: {  	_ =	shalt  }
.Lfunc_end0:
.L_simem_size_0:
called_computation.2_lowered:
.L_overlay_start_0:
0x88: {  	s2 =	sld [smem:$0x3FD9]  }
0x89: {  	s3 =	sld [smem:$0x3FFE];
	_ =	sdelay $0x1  }
0x8a: {  	s1 =	srdreg.scid  }
0x8b: {  	s0 =	sand.u32 $0x1, s1  }
0x8c: {  	s16 =	sshll.u32 s0, $0xA;
	s2 =	sadd.s32 s3, s2  }
0x8d: {  	s2 =	sadd.s32 s2, s16  }
0x8e: {  	[smem:$0x3FBB] =	sst s2  }
0x8f: {  	_ = 	snop  }
0x90: {  	(tm) =	ssettm $0x1  }
0x91: {  	s17 =	sld [smem:$0x3FFB];
	_ =	sdelay $0x3  }
0x92: {  	_ =	strace s17  }
0x93: {  	s2 =	sld [smem:$0x3FFC];
	_ =	sdelay $0x3  }
0x94: {  	_ =	strace s2  }
0x95: {  	s2 =	sld [smem:$0x3FFD];
	_ =	sdelay $0x3  }
0x96: {  	_ =	strace s2  }
0x97: {  	_ =	strace $0x8FFFFFFF  }
0x98: {  	s18 =	sld [smem:$0x3FDB];
	_ =	sdelay $0x1  }
0x99: {  	s19 =	simm.s32 $_scs_section_size  }
0x9a: {  	s4 =	simm.s32 $_size__tile_overlayer_lowered;
	s5 =	simm.s32 $_tile_overlayer_lowered  }
0x9b: {  	s22 =	simm.s32 $0x1BFF;
	s21 =	sshll.u32 s5, $0x1;
	s2 =	sadd.s32 s19, s18  }
0x9c: {  	s6 =	simm.s32 $0x0;
	s20 =	sshll.u32 s4, $0x1;
	s4 =	sadd.s32 s21, s2  }
0x9d: {  	[timem:s6], [sflag:s22] =	dma.local [hbm:s4], s20  }
0x9e: {  	_ =	swait.ge [sflag:s22], s20  }
0x9f: {  	s3 =	ssub.s32 $0x0, s20;
	[sflag:s22] =	ssyncset.done $0x0  }
0xa0: {  	[sflag:s22] =	ssyncadd.s32 s3;
	_ =	sdelay $0x1  }
0xa1: {  	s23 =	simm.s32 $0x1B8B  }
0xa2: {  	_ =	swait.ge [sflag:s23], $0x1  }
0xa3: {  	[sflag:s23] =	ssyncset.done $0x0  }
0xa4: {  	s25 =	simm.s32 $0x1B8E;
	s24 =	sld [smem:$0x3FFE];
	[sflag:s23] =	ssyncadd.s32 $0xFFFFFFFF  }
0xa5: {  	s26 =	simm.s32 $execute0_lowered;
	[smem:$0x3FD2] =	sst s25  }
0xa6: {  	s4 =	sshll.u32 s26, $0x1;
	_ =	strace $0x8000004C;
	[dreg:$0x1] =	wrdreg $0xFFFFFFFF  }
0xa7: {  	s28 =	simm.s32 $_size_execute0_lowered;
	s2 =	sadd.s32 s2, s4;
	[dreg:$0x0] =	wrdreg $0x0  }
0xa8: {  	s4 =	sshll.u32 s28, $0x1;
	[dreg:$0x2] =	wrdreg s2  }
0xa9: {  	[dreg:$0x3] =	wrdreg s4  }
0xaa: {  	[dreg:$0x4] =	wrdreg $0xC0  }
0xab: {  	_ =	task [dreg:s6], $0x5FFFF  }
0xac: {  	[dreg:$0x1] =	wrdreg $0xFFFFFFFF  }
0xad: {  	[dreg:$0x0] =	wrdreg $0x60  }
0xae: {  	[dreg:$0x2] =	wrdreg s24  }
0xaf: {  	[dreg:$0x3] =	wrdreg $0xA8000  }
0xb0: {  	[dreg:$0x4] =	wrdreg $0x9  }
0xb1: {  	_ =	task.clear_ibuf [dreg:s6], $0x5FFFF;
	_ =	strace $0x9000004C  }
0xb2: {  	s29 =	simm.s32 $0x9;
	_ =	strace $0x8000004E  }
0xb3: {  	_ =	swait.ge [sflag:s29], $0x1  }
0xb4: {  	[sflag:s29] =	ssyncadd.s32 $0xFFFFFFFF  }
0xb5: {  	_ =	strace $0x9000004E  }
0xb6: {  	_ =	sfence  }
0xb7: {  	s30 =	sld [smem:$0x0];
	_ =	sdelay $0x2  }
0xb8: {  	s31 =	sshll.u32 s1, $0xD;
	s1 =	sshrl.u32 s1, $0x2  }
0xb9: {  	s3 =	sand.u32 $0x4000, s31;
	s1 =	sadd.s32 s1, s30  }
0xba: {  	s0 =	sor.u32 s3, s0;
	s1 =	sshll.u32 s1, $0x11  }
0xbb: {  	s0 =	sor.u32 s1, s0  }
0xbc: {  	s0 =	sadd.s32 $0x8F2B, s0  }
0xbd: {  	[sflag:s0] =	ssyncadd.remote.s32 $0x1  }
0xbe: {  	_ =	sfence.sel $0xFFFF  }
0xbf: {  	[dreg:$0x0] =	wrdreg $0xFFFFFFFF;
	(pc) =	sbr.abs _section_cstart, $3  }
0xc0: {  	[dreg:$0x1] =	wrdreg $0xFFFFFFFF  }
0xc1: {  	_ =	task.clear_ibuf [dreg:s6], $0x2FFFF;
	_ =	strace $0x9FFFFFFF  }
0xc2: {  	(tm) =	ssettm $0x7FFFFFFF  }
0xc3: {  	_ =	shalt  }
tec
execute0_lowered:
.L_overlay_start_1:
0x0: {  	(tag) =	ssettag $0x1  }
0x1: {  	s6 =	rddreg [dreg:$0x0]  }
0x2: {  	s1 =	rddreg [dreg:$0x1]  }
0x3: {  	s2 =	srdreg.scid;
	s0 =	rddreg [dreg:$0x2]  }
0x4: {  	s3 =	simm.s32 $0x0;
	s16 =	simm.s32 $0x7D;
	s17 =	simm.s32 $0x2800  }
0x5: {  	s18 =	simm.s32 $0x80;
	s19 =	simm.s32 $0x6800;
	s20 =	simm.s32 $0x1  }
0x6: {  	s21 =	simm.s32 $0x2;
	s22 =	simm.s32 $0x3;
	s23 =	simm.s32 $0x4  }
0x7: {  	s7 =	sand.u32 $0x1, s2;
	s2 =	stileid.u32;
	[smem:$0x7FF] =	sst s3  }
0x8: {  	s4 =	sadd.s32 $0x21C00, s6;
	s10 =	sadd.s32 $0x17C00, s6;
	s8 =	smul.u32 $0x140000, s7  }
0x9: {  	s11 =	sadd.s32 $0xDC00, s6;
	s5 =	sadd.s32 $0x3400, s6;
	s9 =	smul.u32 $0x14000, s2  }
0xa: {  	_ =	strace $0x8000004D;
	s24 =	ssub.s32 $0x2, s7;
	s7 =	sshll.u32 s7, $0x4  }
0xb: {  	s13 =	smul.u32 $0x50000, s2;
	s28 =	sshll.u32 s2, $0x6;
	s7 =	sor.u32 s2, s7  }
0xc: {  	s12 =	sshrl.u32 s24, $0x1;
	s8 =	sadd.s32 s9, s8;
	s25 =	smul.u32 $0x2800, s7  }
0xd: {  	s12 =	ssub.s32 s24, s12;
	s26 =	sshrl.u32 s13, $0x2;
	s29 =	smul.u32 $0x500, s7  }
0xe: {  	s24 =	simm.s32 $0x2700;
	s8 =	sshrl.u32 s8, $0x3;
	s15 =	sadd.s32 s26, s1  }
0xf: {  	s12 =	smax.u32 s12, $0x1;
	s26 =	simm.s32 $0x0;
	s14 =	sadd.s32 s8, s6  }
0x10: {  	s6 =	sor.u32 $0x1C05, s28;
	s30 =	sshrl.u32 s25, $0x3;
	s7 =	sadd.s32 s10, s29  }
0x11: {  	s8 =	sadd.s32 s11, s29;
	s13 =	sshrl.u32 s15, $0x3;
	s31 =	sadd.s32 $0x280, s30  }
0x12: {  	s15 =	simm.s32 $0x1400;
	s25 =	simm.s32 $0x2780;
	s9 =	sadd.s32 s10, s31  }
0x13: {  	s10 =	sadd.s32 s11, s31;
	s11 =	sadd.s32 $0x48E00, s14;
	s14 =	simm.s32 $0x5  }
.LBB2_1:
0x14: {  	[spmem:s13], [sflag:s6] =	dma.local [hbm:s5], $0x2800  }
0x15: {  	_ =	swait.ge [sflag:s14], $0x2800  }
0x16: {  	[sflag:s14] =	ssyncset.done $0x0  }
0x17: {  	[sflag:s14] =	ssyncadd.s32 $0xFFFFD800  }
0x18: {  	[bflag:$0x0] =	sbarrier.arrive $0xFFFF  }
0x19: {  	[tilespmem:s3], [sflag:$0x5] =	stream.linear.gather [hbm4b:s7+s3], $0x1400, $0x38;
	[tilespmem:$0x1E800] =	vst v63  }
0x1a: {  	_ =	swait.ge [sflag:s14], $0x1400  }
0x1b: {  	[sflag:s14] =	ssyncset.done $0x0  }
0x1c: {  	[sflag:s14] =	ssyncadd.s32 $0xFFFFEC00  }
0x1d: {  	[tilespmem:s15], [sflag:$0x5] =	stream.linear.gather [hbm4b:s8+s3], $0x1400, $0x38;
	[tilespmem:$0x1E800] =	vst v63  }
0x1e: {  	_ =	swait.ge [sflag:s14], $0x1400  }
0x1f: {  	[sflag:s14] =	ssyncset.done $0x0  }
0x20: {  	[sflag:s14] =	ssyncadd.s32 $0xFFFFEC00  }
0x21: {  	[tilespmem:s17], [sflag:$0x1] =	stream.indirect.gather [hbm4b:s4+s16], $0x80, s3, s16, $0xb8;
	[tilespmem:$0x1E800] =	vst v63  }
0x22: {  	_ = 	snop  }
0x23: {  	[tilespmem:s19], [sflag:$0x2] =	stream.indirect.gather [hbm4b:s4+s16], $0x80, s18, s16, $0xb8;
	[tilespmem:$0x1E800] =	vst v63  }
0x24: {  	_ =	swait.ge [sflag:s20], $0x3E80  }
0x25: {  	[sflag:s20] =	ssyncset.done $0x0  }
0x26: {  	s28 =	simm.s32 $0x1400;
	[sflag:s20] =	ssyncadd.s32 $0xFFFFC180  }
0x27: {  	[spmem:s1] =	stream.indirect.scatter.add.f32 [tilespmem:s17], [sflag:$0x3], $0x80, s28, s16, $0xb8;
	[tilespmem:$0x1E800] =	vst v63  }
0x28: {  	_ =	swait.ge [sflag:s21], $0x3E80  }
0x29: {  	[sflag:s21] =	ssyncset.done $0x0  }
0x2a: {  	s28 =	simm.s32 $0x1480;
	[sflag:s21] =	ssyncadd.s32 $0xFFFFC180  }
0x2b: {  	[spmem:s1] =	stream.indirect.scatter.add.f32 [tilespmem:s19], [sflag:$0x4], $0x80, s28, s16, $0xb8;
	[tilespmem:$0x1E800] =	vst v63  }
0x2c: {  	_ =	swait.ge [sflag:s22], $0x3E80  }
0x2d: {  	[sflag:s22] =	ssyncset.done $0x0  }
0x2e: {  	s28 =	simm.s32 $0x100;
	[sflag:s22] =	ssyncadd.s32 $0xFFFFC180  }
0x2f: {  	[tilespmem:s17], [sflag:$0x1] =	stream.indirect.gather [hbm4b:s4+s16], $0x80, s28, s16, $0xb8;
	[tilespmem:$0x1E800] =	vst v63  }
0x30: {  	_ =	swait.ge [sflag:s23], $0x3E80  }
0x31: {  	[sflag:s23] =	ssyncset.done $0x0  }
0x32: {  	s29 =	simm.s32 $0x180;
	s28 =	simm.s32 $0x400;
	[sflag:s23] =	ssyncadd.s32 $0xFFFFC180  }
.LBB2_2:
0x33: {  	[tilespmem:s19], [sflag:$0x2] =	stream.indirect.gather [hbm4b:s4+s16], $0x80, s29, s16, $0xb8;
	[tilespmem:$0x1E800] =	vst v63  }
0x34: {  	s29 =	smov.u32 s28  }
0x35: {  	p0 =	sne.s32 s28, $0x4800;
	s28 =	sadd.s32 $0x400, s28;
	_ =	swait.ge [sflag:s20], $0x3E80  }
0x36: {  	s29 =	sshra.s32 s29, $0x2;
	[sflag:s20] =	ssyncset.done $0x0  }
0x37: {  	s30 =	sadd.s32 $0x1400, s29;
	[sflag:s20] =	ssyncadd.s32 $0xFFFFC180  }
0x38: {  	[spmem:s1] =	stream.indirect.scatter.add.f32 [tilespmem:s17], [sflag:$0x3], $0x80, s30, s16, $0xb8;
	[tilespmem:$0x1E800] =	vst v63  }
0x39: {  	_ =	swait.ge [sflag:s21], $0x3E80  }
0x3a: {  	[sflag:s21] =	ssyncset.done $0x0  }
0x3b: {  	s30 =	sadd.s32 $0x1480, s29;
	[sflag:s21] =	ssyncadd.s32 $0xFFFFC180  }
0x3c: {  	[spmem:s1] =	stream.indirect.scatter.add.f32 [tilespmem:s19], [sflag:$0x4], $0x80, s30, s16, $0xb8;
	[tilespmem:$0x1E800] =	vst v63  }
0x3d: {  	_ =	swait.ge [sflag:s22], $0x3E80  }
0x3e: {  	[sflag:s22] =	ssyncset.done $0x0  }
.Ltmp0:
0x3f: {  	s30 =	sadd.s32 $0x100, s29;
	[sflag:s22] =	ssyncadd.s32 $0xFFFFC180;
	(pc) =	sbr.rel @p0 .LBB2_2-.Ltmp0, $4  }
0x40: {  	[tilespmem:s17], [sflag:$0x1] =	stream.indirect.gather [hbm4b:s4+s16], $0x80, s30, s16, $0xb8;
	[tilespmem:$0x1E800] =	vst v63  }
0x41: {  	_ =	swait.ge [sflag:s23], $0x3E80  }
0x42: {  	[sflag:s23] =	ssyncset.done $0x0  }
0x43: {  	s29 =	sadd.s32 $0x180, s29;
	[sflag:s23] =	ssyncadd.s32 $0xFFFFC180  }
0x44: {  	[tilespmem:s19], [sflag:$0x2] =	stream.indirect.gather [hbm4b:s4+s16], $0x80, s29, s16, $0xb8;
	[tilespmem:$0x1E800] =	vst v63  }
0x45: {  	_ =	swait.ge [sflag:s20], $0x3E80  }
0x46: {  	[sflag:s20] =	ssyncset.done $0x0  }
0x47: {  	[sflag:s20] =	ssyncadd.s32 $0xFFFFC180  }
0x48: {  	[spmem:s1] =	stream.indirect.scatter.add.f32 [tilespmem:s17], [sflag:$0x3], $0x80, s24, s16, $0xb8;
	[tilespmem:$0x1E800] =	vst v63  }
0x49: {  	_ =	swait.ge [sflag:s21], $0x3E80  }
0x4a: {  	[sflag:s21] =	ssyncset.done $0x0  }
0x4b: {  	[sflag:s21] =	ssyncadd.s32 $0xFFFFC180  }
0x4c: {  	[spmem:s1] =	stream.indirect.scatter.add.f32 [tilespmem:s19], [sflag:$0x4], $0x80, s25, s16, $0xb8;
	[tilespmem:$0x1E800] =	vst v63  }
0x4d: {  	_ =	swait.ge [sflag:s22], $0x3E80  }
0x4e: {  	[sflag:s22] =	ssyncset.done $0x0  }
0x4f: {  	[sflag:s22] =	ssyncadd.s32 $0xFFFFC180  }
0x50: {  	_ =	swait.ge [sflag:s23], $0x3E80  }
0x51: {  	[sflag:s23] =	ssyncset.done $0x0  }
0x52: {  	s28 =	simm.s32 $0x0;
	[sflag:s23] =	ssyncadd.s32 $0xFFFFC180  }
0x53: {  	[tilespmem:s28], [sflag:$0x5] =	stream.linear.gather [hbm4b:s9+s28], $0x1400, $0x38;
	[tilespmem:$0x1E800] =	vst v63  }
0x54: {  	_ =	swait.ge [sflag:s14], $0x1400  }
0x55: {  	[sflag:s14] =	ssyncset.done $0x0  }
0x56: {  	[sflag:s14] =	ssyncadd.s32 $0xFFFFEC00  }
0x57: {  	[tilespmem:s15], [sflag:$0x5] =	stream.linear.gather [hbm4b:s10+s28], $0x1400, $0x38;
	[tilespmem:$0x1E800] =	vst v63  }
0x58: {  	_ =	swait.ge [sflag:s14], $0x1400  }
0x59: {  	[sflag:s14] =	ssyncset.done $0x0  }
0x5a: {  	[sflag:s14] =	ssyncadd.s32 $0xFFFFEC00  }
0x5b: {  	[tilespmem:s17], [sflag:$0x1] =	stream.indirect.gather [hbm4b:s4+s16], $0x80, s28, s16, $0xb8;
	[tilespmem:$0x1E800] =	vst v63  }
0x5c: {  	_ = 	snop  }
0x5d: {  	[tilespmem:s19], [sflag:$0x2] =	stream.indirect.gather [hbm4b:s4+s16], $0x80, s18, s16, $0xb8;
	[tilespmem:$0x1E800] =	vst v63  }
0x5e: {  	_ =	swait.ge [sflag:s20], $0x3E80  }
0x5f: {  	[sflag:s20] =	ssyncset.done $0x0  }
0x60: {  	s28 =	simm.s32 $0x1400;
	[sflag:s20] =	ssyncadd.s32 $0xFFFFC180  }
0x61: {  	[spmem:s1] =	stream.indirect.scatter.add.f32 [tilespmem:s17], [sflag:$0x3], $0x80, s28, s16, $0xb8;
	[tilespmem:$0x1E800] =	vst v63  }
0x62: {  	_ =	swait.ge [sflag:s21], $0x3E80  }
0x63: {  	[sflag:s21] =	ssyncset.done $0x0  }
0x64: {  	s28 =	simm.s32 $0x1480;
	[sflag:s21] =	ssyncadd.s32 $0xFFFFC180  }
0x65: {  	[spmem:s1] =	stream.indirect.scatter.add.f32 [tilespmem:s19], [sflag:$0x4], $0x80, s28, s16, $0xb8;
	[tilespmem:$0x1E800] =	vst v63  }
0x66: {  	_ =	swait.ge [sflag:s22], $0x3E80  }
0x67: {  	[sflag:s22] =	ssyncset.done $0x0  }
0x68: {  	s28 =	simm.s32 $0x100;
	[sflag:s22] =	ssyncadd.s32 $0xFFFFC180  }
0x69: {  	[tilespmem:s17], [sflag:$0x1] =	stream.indirect.gather [hbm4b:s4+s16], $0x80, s28, s16, $0xb8;
	[tilespmem:$0x1E800] =	vst v63  }
0x6a: {  	_ =	swait.ge [sflag:s23], $0x3E80  }
0x6b: {  	[sflag:s23] =	ssyncset.done $0x0  }
0x6c: {  	s29 =	simm.s32 $0x180;
	s28 =	simm.s32 $0x400;
	[sflag:s23] =	ssyncadd.s32 $0xFFFFC180  }
.LBB2_4:
0x6d: {  	[tilespmem:s19], [sflag:$0x2] =	stream.indirect.gather [hbm4b:s4+s16], $0x80, s29, s16, $0xb8;
	[tilespmem:$0x1E800] =	vst v63  }
0x6e: {  	s29 =	smov.u32 s28  }
0x6f: {  	p0 =	sne.s32 s28, $0x4800;
	s28 =	sadd.s32 $0x400, s28;
	_ =	swait.ge [sflag:s20], $0x3E80  }
0x70: {  	s29 =	sshra.s32 s29, $0x2;
	[sflag:s20] =	ssyncset.done $0x0  }
0x71: {  	s30 =	sadd.s32 $0x1400, s29;
	[sflag:s20] =	ssyncadd.s32 $0xFFFFC180  }
0x72: {  	[spmem:s1] =	stream.indirect.scatter.add.f32 [tilespmem:s17], [sflag:$0x3], $0x80, s30, s16, $0xb8;
	[tilespmem:$0x1E800] =	vst v63  }
0x73: {  	_ =	swait.ge [sflag:s21], $0x3E80  }
0x74: {  	[sflag:s21] =	ssyncset.done $0x0  }
0x75: {  	s30 =	sadd.s32 $0x1480, s29;
	[sflag:s21] =	ssyncadd.s32 $0xFFFFC180  }
0x76: {  	[spmem:s1] =	stream.indirect.scatter.add.f32 [tilespmem:s19], [sflag:$0x4], $0x80, s30, s16, $0xb8;
	[tilespmem:$0x1E800] =	vst v63  }
0x77: {  	_ =	swait.ge [sflag:s22], $0x3E80  }
0x78: {  	[sflag:s22] =	ssyncset.done $0x0  }
.Ltmp1:
0x79: {  	s30 =	sadd.s32 $0x100, s29;
	[sflag:s22] =	ssyncadd.s32 $0xFFFFC180;
	(pc) =	sbr.rel @p0 .LBB2_4-.Ltmp1, $4  }
0x7a: {  	[tilespmem:s17], [sflag:$0x1] =	stream.indirect.gather [hbm4b:s4+s16], $0x80, s30, s16, $0xb8;
	[tilespmem:$0x1E800] =	vst v63  }
0x7b: {  	_ =	swait.ge [sflag:s23], $0x3E80  }
0x7c: {  	[sflag:s23] =	ssyncset.done $0x0  }
0x7d: {  	s29 =	sadd.s32 $0x180, s29;
	[sflag:s23] =	ssyncadd.s32 $0xFFFFC180  }
0x7e: {  	[tilespmem:s19], [sflag:$0x2] =	stream.indirect.gather [hbm4b:s4+s16], $0x80, s29, s16, $0xb8;
	[tilespmem:$0x1E800] =	vst v63  }
0x7f: {  	_ =	swait.ge [sflag:s20], $0x3E80  }
0x80: {  	[sflag:s20] =	ssyncset.done $0x0  }
0x81: {  	[sflag:s20] =	ssyncadd.s32 $0xFFFFC180  }
0x82: {  	[spmem:s1] =	stream.indirect.scatter.add.f32 [tilespmem:s17], [sflag:$0x3], $0x80, s24, s16, $0xb8;
	[tilespmem:$0x1E800] =	vst v63  }
0x83: {  	_ =	swait.ge [sflag:s21], $0x3E80  }
0x84: {  	[sflag:s21] =	ssyncset.done $0x0  }
0x85: {  	[sflag:s21] =	ssyncadd.s32 $0xFFFFC180  }
0x86: {  	[spmem:s1] =	stream.indirect.scatter.add.f32 [tilespmem:s19], [sflag:$0x4], $0x80, s25, s16, $0xb8;
	[tilespmem:$0x1E800] =	vst v63  }
0x87: {  	_ =	swait.ge [sflag:s22], $0x3E80  }
0x88: {  	[sflag:s22] =	ssyncset.done $0x0  }
0x89: {  	[sflag:s22] =	ssyncadd.s32 $0xFFFFC180  }
0x8a: {  	_ =	swait.ge [sflag:s23], $0x3E80  }
0x8b: {  	s26 =	sadd.s32 $0x1, s26;
	[sflag:s23] =	ssyncset.done $0x0  }
0x8c: {  	p0 =	sne.s32 s26, s12;
	[sflag:s23] =	ssyncadd.s32 $0xFFFFC180  }
.Ltmp2:
0x8d: {  	[bflag:$0x0] =	sbarrier.arrive $0xFFFF;
	(pc) =	sbr.rel @p0 .LBB2_1-.Ltmp2, $4  }
0x8e: {  	[hbm:s11], [sflag:s6] =	dma.local [spmem:s13], $0x2800  }
0x8f: {  	_ =	swait.ge [sflag:s14], $0x2800  }
0x90: {  	[sflag:s14] =	ssyncset.done $0x0  }
0x91: {  	[sflag:s14] =	ssyncadd.s32 $0xFFFFD800  }
0x92: {  	_ =	sfence.sel $0x180000  }
0x93: {  	[bflag:$0x0] =	sbarrier.arrive $0xFFFF  }
0x94: {  	p0 =	sne.s32 s2, $0x0;
	_ =	strace $0x9000004D  }
0x95: {  	s0 =	sadd.s32 @!p0 $0x100000, s0;
	[bflag:$0x2] =	sbarrier.arrive $0xFFFF  }
0x96: {  	[sflag:s0] =	ssyncadd.tile.s32 @!p0 $0x1;
	_ =	shalt  }
.Lfunc_end2:
_tile_overlayer_lowered:
.L_overlay_start_2:
0x97: {  	(tag) =	ssettag $0x2  }
0x98: {  	s0 =	rddreg [dreg:$0x0];
	s2 =	stileid.u32  }
0x99: {  	s1 =	rddreg [dreg:$0x1];
	p0 =	sne.s32 s2, $0x0  }
0x9a: {  	s3 =	rddreg [dreg:$0x2];
	[bflag:$0x3] =	sbarrier.arrive $0xFFFF;
	s2 =	simm.s32 @!p0 $0x1C05  }
0x9b: {  	[timem:s3], [sflag:s2] =	dma.local @!p0 [hbm:s0], s1  }
0x9c: {  	s0 =	simm.s32 @!p0 $0x5  }
0x9d: {  	_ =	swait.ge @!p0 [sflag:s0], s1  }
0x9e: {  	s1 =	ssub.s32 @!p0 $0x0, s1;
	[sflag:s0] =	ssyncset.done @!p0 $0x0  }
0x9f: {  	[sflag:s0] =	ssyncadd.s32 @!p0 s1  }
0xa0: {  	[bflag:$0x3] =	sbarrier.arrive $0xFFFF  }
0xa1: {  	_ =	shalt  }

// kernel: kernel.19.cloned.1.call-start
scs
__scs_entry_jumppad:
0x0: {  	(pc) =	sbr.rel $0x88, $3  }
0x1: {  	(tag) =	ssettag $0x0;
	lr =	simm.s32 $0x1  }
0x2: {  	[smem:$0x3F94] =	sst lr;
	_ =	strace $0xD0000000  }
0x3: {  	_ = 	snop  }
0x4: {  	_ = 	snop  }
0x5: {  	_ = 	snop  }
0x6: {  	_ = 	snop  }
0x7: {  	_ = 	snop  }
__scs_overlays_trampoline_lowered:
0x8: {  	[smem:$0x3FA3] =	sst s0  }
0x9: {  	[smem:$0x3FA4] =	sst s1  }
0xa: {  	[smem:$0x3FA5] =	sst s2  }
0xb: {  	[smem:$0x3FA6] =	sst s3  }
0xc: {  	[smem:$0x3FA7] =	sst s4  }
0xd: {  	[smem:$0x3FA8] =	sst s5  }
0xe: {  	[smem:$0x3FA9] =	sst s6  }
0xf: {  	[smem:$0x3FAA] =	sst s7  }
0x10: {  	[smem:$0x3FAB] =	sst s8  }
0x11: {  	[smem:$0x3FAC] =	sst s9;
	s0 =	simm.s32 @!p0 $0x0  }
0x12: {  	s1 =	sld [smem:$0x3F92];
	s0 =	simm.s32 @p0 $0x1  }
0x13: {  	[smem:$0x3FAD] =	sst s0;
	s0 =	simm.s32 @!p1 $0x0  }
0x14: {  	s2 =	sld [smem:$0x3F91];
	s0 =	simm.s32 @p1 $0x1  }
0x15: {  	[smem:$0x3FAE] =	sst s0;
	s0 =	simm.s32 @!p2 $0x0  }
0x16: {  	s3 =	sld [smem:$0x3FDB];
	s0 =	simm.s32 @p2 $0x1  }
0x17: {  	s4 =	simm.s32 $0x1BF5;
	[smem:$0x3FB0] =	sst s0  }
0x18: {  	s0 =	sld [smem:$0x3F93];
	_ =	swait.ge [sflag:s4], $0x0  }
0x19: {  	s7 =	sld [smem:$0x3F94]  }
0x1a: {  	s8 =	sadd.s32 $0xFFFFE003, lr  }
0x1b: {  	s9 =	sadd.s32 $0xFFFFFEF7, lr;
	s5 =	simm.s32 $0xFFFFFFFF;
	p2 =	slt.u32 s8, $0xFFFFF086  }
0x1c: {  	p1 =	slt.u32 s9, $0xF7A;
	s5 =	simm.s32 @!p2 $0x0  }
0x1d: {  	s5 =	simm.s32 @p1 $0x1;
	p0 =	seq.s32 s7, s2  }
0x1e: {  	s7 =	smul.u32 @!p0 $0xF7A, s2;
	p2 =	seq.s32 @!p0 s5, $0x0  }
0x1f: {  	s9 =	smul.u32 $0xF7A, s1;
	s8 =	simm.s32 @!p0 $0x1BF5;
	p2 =	por !p2, p0  }
0x20: {  	[sflag:s8] =	ssyncset.s32 @!p0 $0xFFFFF086;
	s6 =	sadd.s32 @!p0 s3, s7;
	s7 =	simm.s32 @!p0 $0x108  }
0x21: {  	s3 =	sadd.s32 s3, s9;
	s6 =	sadd.s32 @!p0 $0x88, s6;
	s7 =	simm.s32 @p2 $0x1082  }
0x22: {  	[simem:s7], [sflag:s8] =	dma.local @!p0 [hbm:s6], $0xF7A  }
0x23: {  	s9 =	sor.u32 $0xD0000000, s2;
	s6 =	simm.s32 $0x108;
	_ =	swait.ge @!p0 [sflag:s8], $0x0  }
0x24: {  	s3 =	sadd.s32 $0x88, s3;
	s6 =	simm.s32 @!p1 $0x1082;
	[sflag:s4] =	ssyncset.s32 $0xFFFFF086  }
0x25: {  	[simem:s6], [sflag:s4] =	dma.local [hbm:s3], $0xF7A  }
0x26: {  	[smem:$0x3F94] =	sst s1;
	(tag) =	ssettag s2;
	_ =	strace s9  }
0x27: {  	s1 =	sld [smem:$0x3FA4]  }
0x28: {  	s2 =	sld [smem:$0x3FA5]  }
0x29: {  	s4 =	sld [smem:$0x3FA7]  }
0x2a: {  	p0 =	seq.s32 s5, $0x0;
	s5 =	sld [smem:$0x3FA8]  }
0x2b: {  	s6 =	sld [smem:$0x3FA9]  }
0x2c: {  	s7 =	sld [smem:$0x3FAA]  }
0x2d: {  	s3 =	simm.s32 $0x108;
	s8 =	sld [smem:$0x3FAB]  }
0x2e: {  	s3 =	simm.s32 @!p0 $0x1082;
	s9 =	sld [smem:$0x3FAC]  }
0x2f: {  	lr =	sadd.s32 s0, s3;
	s0 =	sld [smem:$0x3FA3]  }
0x30: {  	s3 =	sld [smem:$0x3FA6]  }
0x31: {  	[smem:$0x3FAF] =	sst s10  }
0x32: {  	s10 =	sld [smem:$0x3FAD];
	_ =	sdelay $0x3  }
0x33: {  	p0 =	seq.s32 s10, $0x1;
	s10 =	sld [smem:$0x3FAF];
	_ =	sdelay $0x3  }
0x34: {  	[smem:$0x3FAF] =	sst s10  }
0x35: {  	s10 =	sld [smem:$0x3FAE];
	_ =	sdelay $0x3  }
0x36: {  	p1 =	seq.s32 s10, $0x1;
	s10 =	sld [smem:$0x3FAF];
	_ =	sdelay $0x3  }
0x37: {  	[smem:$0x3FAF] =	sst s10  }
0x38: {  	s10 =	sld [smem:$0x3FB0]  }
0x39: {  	_ = 	snop;
	(pc) =	sbr.ind lr, $3  }
0x3a: {  	_ = 	snop  }
0x3b: {  	_ = 	snop  }
0x3c: {  	p2 =	seq.s32 s10, $0x1;
	s10 =	sld [smem:$0x3FAF]  }
0x3d: {  	_ =	shalt  }
0x3e: {  	_ =	shalt  }
0x3f: {  	_ =	shalt  }
0x40: {  	_ =	shalt  }
0x41: {  	_ =	shalt  }
0x42: {  	_ =	shalt  }
0x43: {  	_ =	shalt  }
0x44: {  	_ =	shalt  }
0x45: {  	_ =	shalt  }
0x46: {  	_ =	shalt  }
0x47: {  	_ =	shalt  }
0x48: {  	_ =	shalt  }
0x49: {  	_ =	shalt  }
0x4a: {  	_ =	shalt  }
0x4b: {  	_ =	shalt  }
0x4c: {  	_ =	shalt  }
0x4d: {  	_ =	shalt  }
0x4e: {  	_ =	shalt  }
0x4f: {  	_ =	shalt  }
0x50: {  	_ =	shalt  }
0x51: {  	_ =	shalt  }
0x52: {  	_ =	shalt  }
0x53: {  	_ =	shalt  }
0x54: {  	_ =	shalt  }
0x55: {  	_ =	shalt  }
0x56: {  	_ =	shalt  }
0x57: {  	_ =	shalt  }
0x58: {  	_ =	shalt  }
0x59: {  	_ =	shalt  }
0x5a: {  	_ =	shalt  }
0x5b: {  	_ =	shalt  }
0x5c: {  	_ =	shalt  }
0x5d: {  	_ =	shalt  }
0x5e: {  	_ =	shalt  }
0x5f: {  	_ =	shalt  }
0x60: {  	_ =	shalt  }
0x61: {  	_ =	shalt  }
0x62: {  	_ =	shalt  }
0x63: {  	_ =	shalt  }
0x64: {  	_ =	shalt  }
0x65: {  	_ =	shalt  }
0x66: {  	_ =	shalt  }
0x67: {  	_ =	shalt  }
0x68: {  	_ =	shalt  }
0x69: {  	_ =	shalt  }
0x6a: {  	_ =	shalt  }
0x6b: {  	_ =	shalt  }
0x6c: {  	_ =	shalt  }
0x6d: {  	_ =	shalt  }
0x6e: {  	_ =	shalt  }
0x6f: {  	_ =	shalt  }
0x70: {  	_ =	shalt  }
0x71: {  	_ =	shalt  }
0x72: {  	_ =	shalt  }
0x73: {  	_ =	shalt  }
0x74: {  	_ =	shalt  }
0x75: {  	_ =	shalt  }
0x76: {  	_ =	shalt  }
0x77: {  	_ =	shalt  }
0x78: {  	_ =	shalt  }
0x79: {  	_ =	shalt  }
0x7a: {  	_ =	shalt  }
0x7b: {  	_ =	shalt  }
0x7c: {  	_ =	shalt  }
0x7d: {  	_ =	shalt  }
0x7e: {  	_ =	shalt  }
0x7f: {  	_ =	shalt  }
0x80: {  	_ =	shalt  }
0x81: {  	_ =	shalt  }
0x82: {  	_ =	shalt  }
0x83: {  	_ =	shalt  }
0x84: {  	_ =	shalt  }
0x85: {  	_ =	shalt  }
0x86: {  	_ =	shalt  }
0x87: {  	_ =	shalt  }
.Lfunc_end0:
.L_simem_size_0:
called_computation.3_lowered:
.L_overlay_start_0:
0x88: {  	s2 =	sld [smem:$0x3FD9]  }
0x89: {  	s3 =	sld [smem:$0x3FFE];
	_ =	sdelay $0x1  }
0x8a: {  	s1 =	srdreg.scid  }
0x8b: {  	s0 =	sand.u32 $0x1, s1  }
0x8c: {  	s16 =	sshll.u32 s0, $0xA;
	s2 =	sadd.s32 s3, s2  }
0x8d: {  	s2 =	sadd.s32 s2, s16  }
0x8e: {  	[smem:$0x3FBB] =	sst s2  }
0x8f: {  	_ = 	snop  }
0x90: {  	(tm) =	ssettm $0x1  }
0x91: {  	s17 =	sld [smem:$0x3FFB];
	_ =	sdelay $0x3  }
0x92: {  	_ =	strace s17  }
0x93: {  	s2 =	sld [smem:$0x3FFC];
	_ =	sdelay $0x3  }
0x94: {  	_ =	strace s2  }
0x95: {  	s2 =	sld [smem:$0x3FFD];
	_ =	sdelay $0x3  }
0x96: {  	_ =	strace s2  }
0x97: {  	_ =	strace $0x8FFFFFFF  }
0x98: {  	s18 =	sld [smem:$0x3FDB];
	_ =	sdelay $0x1  }
0x99: {  	s19 =	simm.s32 $_scs_section_size  }
0x9a: {  	s4 =	simm.s32 $_size__tile_overlayer_lowered;
	s5 =	simm.s32 $_tile_overlayer_lowered  }
0x9b: {  	s22 =	simm.s32 $0x1BFF;
	s21 =	sshll.u32 s5, $0x1;
	s2 =	sadd.s32 s19, s18  }
0x9c: {  	s6 =	simm.s32 $0x0;
	s20 =	sshll.u32 s4, $0x1;
	s4 =	sadd.s32 s21, s2  }
0x9d: {  	[timem:s6], [sflag:s22] =	dma.local [hbm:s4], s20  }
0x9e: {  	_ =	swait.ge [sflag:s22], s20  }
0x9f: {  	s3 =	ssub.s32 $0x0, s20;
	[sflag:s22] =	ssyncset.done $0x0  }
0xa0: {  	[sflag:s22] =	ssyncadd.s32 s3;
	_ =	sdelay $0x1  }
0xa1: {  	s23 =	simm.s32 $0x1B8B  }
0xa2: {  	_ =	swait.ge [sflag:s23], $0x1  }
0xa3: {  	[sflag:s23] =	ssyncset.done $0x0  }
0xa4: {  	s25 =	simm.s32 $0x1B8E;
	s24 =	sld [smem:$0x3FFE];
	[sflag:s23] =	ssyncadd.s32 $0xFFFFFFFF  }
0xa5: {  	s26 =	simm.s32 $execute0_lowered;
	[smem:$0x3FD2] =	sst s25  }
0xa6: {  	s4 =	sshll.u32 s26, $0x1;
	_ =	strace $0x8000004F;
	[dreg:$0x1] =	wrdreg $0xFFFFFFFF  }
0xa7: {  	s28 =	simm.s32 $_size_execute0_lowered;
	s2 =	sadd.s32 s2, s4;
	[dreg:$0x0] =	wrdreg $0x0  }
0xa8: {  	s4 =	sshll.u32 s28, $0x1;
	[dreg:$0x2] =	wrdreg s2  }
0xa9: {  	[dreg:$0x3] =	wrdreg s4  }
0xaa: {  	[dreg:$0x4] =	wrdreg $0xC0  }
0xab: {  	_ =	task [dreg:s6], $0x5FFFF  }
0xac: {  	[dreg:$0x1] =	wrdreg $0xFFFFFFFF  }
0xad: {  	[dreg:$0x0] =	wrdreg $0x60  }
0xae: {  	[dreg:$0x2] =	wrdreg s24  }
0xaf: {  	[dreg:$0x3] =	wrdreg $0xA8000  }
0xb0: {  	[dreg:$0x4] =	wrdreg $0x9  }
0xb1: {  	_ =	task.clear_ibuf [dreg:s6], $0x5FFFF;
	_ =	strace $0x9000004F  }
0xb2: {  	s29 =	simm.s32 $0x9;
	_ =	strace $0x80000051  }
0xb3: {  	_ =	swait.ge [sflag:s29], $0x1  }
0xb4: {  	[sflag:s29] =	ssyncadd.s32 $0xFFFFFFFF  }
0xb5: {  	_ =	strace $0x90000051  }
0xb6: {  	_ =	sfence  }
0xb7: {  	s30 =	sld [smem:$0x0];
	_ =	sdelay $0x2  }
0xb8: {  	s31 =	sshll.u32 s1, $0xD;
	s1 =	sshrl.u32 s1, $0x2  }
0xb9: {  	s3 =	sand.u32 $0x4000, s31;
	s1 =	sadd.s32 s1, s30  }
0xba: {  	s0 =	sor.u32 s3, s0;
	s1 =	sshll.u32 s1, $0x11  }
0xbb: {  	s0 =	sor.u32 s1, s0  }
0xbc: {  	s0 =	sadd.s32 $0x8F2B, s0  }
0xbd: {  	[sflag:s0] =	ssyncadd.remote.s32 $0x1  }
0xbe: {  	_ =	sfence.sel $0xFFFF  }
0xbf: {  	[dreg:$0x0] =	wrdreg $0xFFFFFFFF;
	(pc) =	sbr.abs _section_cstart, $3  }
0xc0: {  	[dreg:$0x1] =	wrdreg $0xFFFFFFFF  }
0xc1: {  	_ =	task.clear_ibuf [dreg:s6], $0x2FFFF;
	_ =	strace $0x9FFFFFFF  }
0xc2: {  	(tm) =	ssettm $0x7FFFFFFF  }
0xc3: {  	_ =	shalt  }
tec
execute0_lowered:
.L_overlay_start_1:
0x0: {  	(tag) =	ssettag $0x1  }
0x1: {  	s6 =	rddreg [dreg:$0x0]  }
0x2: {  	s1 =	rddreg [dreg:$0x1]  }
0x3: {  	s2 =	srdreg.scid;
	s0 =	rddreg [dreg:$0x2]  }
0x4: {  	s3 =	simm.s32 $0x0;
	s16 =	simm.s32 $0x7D;
	s17 =	simm.s32 $0x2800  }
0x5: {  	s18 =	simm.s32 $0x80;
	s19 =	simm.s32 $0x6800;
	s20 =	simm.s32 $0x1  }
0x6: {  	s21 =	simm.s32 $0x2;
	s22 =	simm.s32 $0x3;
	s23 =	simm.s32 $0x4  }
0x7: {  	s7 =	sand.u32 $0x1, s2;
	s2 =	stileid.u32;
	[smem:$0x7FF] =	sst s3  }
0x8: {  	s4 =	sadd.s32 $0x21C00, s6;
	s10 =	sadd.s32 $0x17C00, s6;
	s8 =	smul.u32 $0x140000, s7  }
0x9: {  	s11 =	sadd.s32 $0xDC00, s6;
	s5 =	sadd.s32 $0x3400, s6;
	s9 =	smul.u32 $0x14000, s2  }
0xa: {  	_ =	strace $0x80000050;
	s24 =	ssub.s32 $0x2, s7;
	s7 =	sshll.u32 s7, $0x4  }
0xb: {  	s13 =	smul.u32 $0x50000, s2;
	s28 =	sshll.u32 s2, $0x6;
	s7 =	sor.u32 s2, s7  }
0xc: {  	s12 =	sshrl.u32 s24, $0x1;
	s8 =	sadd.s32 s9, s8;
	s25 =	smul.u32 $0x2800, s7  }
0xd: {  	s12 =	ssub.s32 s24, s12;
	s26 =	sshrl.u32 s13, $0x2;
	s29 =	smul.u32 $0x500, s7  }
0xe: {  	s24 =	simm.s32 $0x2700;
	s8 =	sshrl.u32 s8, $0x3;
	s15 =	sadd.s32 s26, s1  }
0xf: {  	s12 =	smax.u32 s12, $0x1;
	s26 =	simm.s32 $0x0;
	s14 =	sadd.s32 s8, s6  }
0x10: {  	s6 =	sor.u32 $0x1C05, s28;
	s30 =	sshrl.u32 s25, $0x3;
	s7 =	sadd.s32 s10, s29  }
0x11: {  	s8 =	sadd.s32 s11, s29;
	s13 =	sshrl.u32 s15, $0x3;
	s31 =	sadd.s32 $0x280, s30  }
0x12: {  	s15 =	simm.s32 $0x1400;
	s25 =	simm.s32 $0x2780;
	s9 =	sadd.s32 s10, s31  }
0x13: {  	s10 =	sadd.s32 s11, s31;
	s11 =	sadd.s32 $0x48E00, s14;
	s14 =	simm.s32 $0x5  }
.LBB2_1:
0x14: {  	[spmem:s13], [sflag:s6] =	dma.local [hbm:s5], $0x2800  }
0x15: {  	_ =	swait.ge [sflag:s14], $0x2800  }
0x16: {  	[sflag:s14] =	ssyncset.done $0x0  }
0x17: {  	[sflag:s14] =	ssyncadd.s32 $0xFFFFD800  }
0x18: {  	[bflag:$0x0] =	sbarrier.arrive $0xFFFF  }
0x19: {  	[tilespmem:s3], [sflag:$0x5] =	stream.linear.gather [hbm4b:s7+s3], $0x1400, $0x38;
	[tilespmem:$0x1E800] =	vst v63  }
0x1a: {  	_ =	swait.ge [sflag:s14], $0x1400  }
0x1b: {  	[sflag:s14] =	ssyncset.done $0x0  }
0x1c: {  	[sflag:s14] =	ssyncadd.s32 $0xFFFFEC00  }
0x1d: {  	[tilespmem:s15], [sflag:$0x5] =	stream.linear.gather [hbm4b:s8+s3], $0x1400, $0x38;
	[tilespmem:$0x1E800] =	vst v63  }
0x1e: {  	_ =	swait.ge [sflag:s14], $0x1400  }
0x1f: {  	[sflag:s14] =	ssyncset.done $0x0  }
0x20: {  	[sflag:s14] =	ssyncadd.s32 $0xFFFFEC00  }
0x21: {  	[tilespmem:s17], [sflag:$0x1] =	stream.indirect.gather [hbm4b:s4+s16], $0x80, s3, s16, $0xb8;
	[tilespmem:$0x1E800] =	vst v63  }
0x22: {  	_ = 	snop  }
0x23: {  	[tilespmem:s19], [sflag:$0x2] =	stream.indirect.gather [hbm4b:s4+s16], $0x80, s18, s16, $0xb8;
	[tilespmem:$0x1E800] =	vst v63  }
0x24: {  	_ =	swait.ge [sflag:s20], $0x3E80  }
0x25: {  	[sflag:s20] =	ssyncset.done $0x0  }
0x26: {  	s28 =	simm.s32 $0x1400;
	[sflag:s20] =	ssyncadd.s32 $0xFFFFC180  }
0x27: {  	[spmem:s1] =	stream.indirect.scatter.add.f32 [tilespmem:s17], [sflag:$0x3], $0x80, s28, s16, $0xb8;
	[tilespmem:$0x1E800] =	vst v63  }
0x28: {  	_ =	swait.ge [sflag:s21], $0x3E80  }
0x29: {  	[sflag:s21] =	ssyncset.done $0x0  }
0x2a: {  	s28 =	simm.s32 $0x1480;
	[sflag:s21] =	ssyncadd.s32 $0xFFFFC180  }
0x2b: {  	[spmem:s1] =	stream.indirect.scatter.add.f32 [tilespmem:s19], [sflag:$0x4], $0x80, s28, s16, $0xb8;
	[tilespmem:$0x1E800] =	vst v63  }
0x2c: {  	_ =	swait.ge [sflag:s22], $0x3E80  }
0x2d: {  	[sflag:s22] =	ssyncset.done $0x0  }
0x2e: {  	s28 =	simm.s32 $0x100;
	[sflag:s22] =	ssyncadd.s32 $0xFFFFC180  }
0x2f: {  	[tilespmem:s17], [sflag:$0x1] =	stream.indirect.gather [hbm4b:s4+s16], $0x80, s28, s16, $0xb8;
	[tilespmem:$0x1E800] =	vst v63  }
0x30: {  	_ =	swait.ge [sflag:s23], $0x3E80  }
0x31: {  	[sflag:s23] =	ssyncset.done $0x0  }
0x32: {  	s29 =	simm.s32 $0x180;
	s28 =	simm.s32 $0x400;
	[sflag:s23] =	ssyncadd.s32 $0xFFFFC180  }
.LBB2_2:
0x33: {  	[tilespmem:s19], [sflag:$0x2] =	stream.indirect.gather [hbm4b:s4+s16], $0x80, s29, s16, $0xb8;
	[tilespmem:$0x1E800] =	vst v63  }
0x34: {  	s29 =	smov.u32 s28  }
0x35: {  	p0 =	sne.s32 s28, $0x4800;
	s28 =	sadd.s32 $0x400, s28;
	_ =	swait.ge [sflag:s20], $0x3E80  }
0x36: {  	s29 =	sshra.s32 s29, $0x2;
	[sflag:s20] =	ssyncset.done $0x0  }
0x37: {  	s30 =	sadd.s32 $0x1400, s29;
	[sflag:s20] =	ssyncadd.s32 $0xFFFFC180  }
0x38: {  	[spmem:s1] =	stream.indirect.scatter.add.f32 [tilespmem:s17], [sflag:$0x3], $0x80, s30, s16, $0xb8;
	[tilespmem:$0x1E800] =	vst v63  }
0x39: {  	_ =	swait.ge [sflag:s21], $0x3E80  }
0x3a: {  	[sflag:s21] =	ssyncset.done $0x0  }
0x3b: {  	s30 =	sadd.s32 $0x1480, s29;
	[sflag:s21] =	ssyncadd.s32 $0xFFFFC180  }
0x3c: {  	[spmem:s1] =	stream.indirect.scatter.add.f32 [tilespmem:s19], [sflag:$0x4], $0x80, s30, s16, $0xb8;
	[tilespmem:$0x1E800] =	vst v63  }
0x3d: {  	_ =	swait.ge [sflag:s22], $0x3E80  }
0x3e: {  	[sflag:s22] =	ssyncset.done $0x0  }
.Ltmp0:
0x3f: {  	s30 =	sadd.s32 $0x100, s29;
	[sflag:s22] =	ssyncadd.s32 $0xFFFFC180;
	(pc) =	sbr.rel @p0 .LBB2_2-.Ltmp0, $4  }
0x40: {  	[tilespmem:s17], [sflag:$0x1] =	stream.indirect.gather [hbm4b:s4+s16], $0x80, s30, s16, $0xb8;
	[tilespmem:$0x1E800] =	vst v63  }
0x41: {  	_ =	swait.ge [sflag:s23], $0x3E80  }
0x42: {  	[sflag:s23] =	ssyncset.done $0x0  }
0x43: {  	s29 =	sadd.s32 $0x180, s29;
	[sflag:s23] =	ssyncadd.s32 $0xFFFFC180  }
0x44: {  	[tilespmem:s19], [sflag:$0x2] =	stream.indirect.gather [hbm4b:s4+s16], $0x80, s29, s16, $0xb8;
	[tilespmem:$0x1E800] =	vst v63  }
0x45: {  	_ =	swait.ge [sflag:s20], $0x3E80  }
0x46: {  	[sflag:s20] =	ssyncset.done $0x0  }
0x47: {  	[sflag:s20] =	ssyncadd.s32 $0xFFFFC180  }
0x48: {  	[spmem:s1] =	stream.indirect.scatter.add.f32 [tilespmem:s17], [sflag:$0x3], $0x80, s24, s16, $0xb8;
	[tilespmem:$0x1E800] =	vst v63  }
0x49: {  	_ =	swait.ge [sflag:s21], $0x3E80  }
0x4a: {  	[sflag:s21] =	ssyncset.done $0x0  }
0x4b: {  	[sflag:s21] =	ssyncadd.s32 $0xFFFFC180  }
0x4c: {  	[spmem:s1] =	stream.indirect.scatter.add.f32 [tilespmem:s19], [sflag:$0x4], $0x80, s25, s16, $0xb8;
	[tilespmem:$0x1E800] =	vst v63  }
0x4d: {  	_ =	swait.ge [sflag:s22], $0x3E80  }
0x4e: {  	[sflag:s22] =	ssyncset.done $0x0  }
0x4f: {  	[sflag:s22] =	ssyncadd.s32 $0xFFFFC180  }
0x50: {  	_ =	swait.ge [sflag:s23], $0x3E80  }
0x51: {  	[sflag:s23] =	ssyncset.done $0x0  }
0x52: {  	s28 =	simm.s32 $0x0;
	[sflag:s23] =	ssyncadd.s32 $0xFFFFC180  }
0x53: {  	[tilespmem:s28], [sflag:$0x5] =	stream.linear.gather [hbm4b:s9+s28], $0x1400, $0x38;
	[tilespmem:$0x1E800] =	vst v63  }
0x54: {  	_ =	swait.ge [sflag:s14], $0x1400  }
0x55: {  	[sflag:s14] =	ssyncset.done $0x0  }
0x56: {  	[sflag:s14] =	ssyncadd.s32 $0xFFFFEC00  }
0x57: {  	[tilespmem:s15], [sflag:$0x5] =	stream.linear.gather [hbm4b:s10+s28], $0x1400, $0x38;
	[tilespmem:$0x1E800] =	vst v63  }
0x58: {  	_ =	swait.ge [sflag:s14], $0x1400  }
0x59: {  	[sflag:s14] =	ssyncset.done $0x0  }
0x5a: {  	[sflag:s14] =	ssyncadd.s32 $0xFFFFEC00  }
0x5b: {  	[tilespmem:s17], [sflag:$0x1] =	stream.indirect.gather [hbm4b:s4+s16], $0x80, s28, s16, $0xb8;
	[tilespmem:$0x1E800] =	vst v63  }
0x5c: {  	_ = 	snop  }
0x5d: {  	[tilespmem:s19], [sflag:$0x2] =	stream.indirect.gather [hbm4b:s4+s16], $0x80, s18, s16, $0xb8;
	[tilespmem:$0x1E800] =	vst v63  }
0x5e: {  	_ =	swait.ge [sflag:s20], $0x3E80  }
0x5f: {  	[sflag:s20] =	ssyncset.done $0x0  }
0x60: {  	s28 =	simm.s32 $0x1400;
	[sflag:s20] =	ssyncadd.s32 $0xFFFFC180  }
0x61: {  	[spmem:s1] =	stream.indirect.scatter.add.f32 [tilespmem:s17], [sflag:$0x3], $0x80, s28, s16, $0xb8;
	[tilespmem:$0x1E800] =	vst v63  }
0x62: {  	_ =	swait.ge [sflag:s21], $0x3E80  }
0x63: {  	[sflag:s21] =	ssyncset.done $0x0  }
0x64: {  	s28 =	simm.s32 $0x1480;
	[sflag:s21] =	ssyncadd.s32 $0xFFFFC180  }
0x65: {  	[spmem:s1] =	stream.indirect.scatter.add.f32 [tilespmem:s19], [sflag:$0x4], $0x80, s28, s16, $0xb8;
	[tilespmem:$0x1E800] =	vst v63  }
0x66: {  	_ =	swait.ge [sflag:s22], $0x3E80  }
0x67: {  	[sflag:s22] =	ssyncset.done $0x0  }
0x68: {  	s28 =	simm.s32 $0x100;
	[sflag:s22] =	ssyncadd.s32 $0xFFFFC180  }
0x69: {  	[tilespmem:s17], [sflag:$0x1] =	stream.indirect.gather [hbm4b:s4+s16], $0x80, s28, s16, $0xb8;
	[tilespmem:$0x1E800] =	vst v63  }
0x6a: {  	_ =	swait.ge [sflag:s23], $0x3E80  }
0x6b: {  	[sflag:s23] =	ssyncset.done $0x0  }
0x6c: {  	s29 =	simm.s32 $0x180;
	s28 =	simm.s32 $0x400;
	[sflag:s23] =	ssyncadd.s32 $0xFFFFC180  }
.LBB2_4:
0x6d: {  	[tilespmem:s19], [sflag:$0x2] =	stream.indirect.gather [hbm4b:s4+s16], $0x80, s29, s16, $0xb8;
	[tilespmem:$0x1E800] =	vst v63  }
0x6e: {  	s29 =	smov.u32 s28  }
0x6f: {  	p0 =	sne.s32 s28, $0x4800;
	s28 =	sadd.s32 $0x400, s28;
	_ =	swait.ge [sflag:s20], $0x3E80  }
0x70: {  	s29 =	sshra.s32 s29, $0x2;
	[sflag:s20] =	ssyncset.done $0x0  }
0x71: {  	s30 =	sadd.s32 $0x1400, s29;
	[sflag:s20] =	ssyncadd.s32 $0xFFFFC180  }
0x72: {  	[spmem:s1] =	stream.indirect.scatter.add.f32 [tilespmem:s17], [sflag:$0x3], $0x80, s30, s16, $0xb8;
	[tilespmem:$0x1E800] =	vst v63  }
0x73: {  	_ =	swait.ge [sflag:s21], $0x3E80  }
0x74: {  	[sflag:s21] =	ssyncset.done $0x0  }
0x75: {  	s30 =	sadd.s32 $0x1480, s29;
	[sflag:s21] =	ssyncadd.s32 $0xFFFFC180  }
0x76: {  	[spmem:s1] =	stream.indirect.scatter.add.f32 [tilespmem:s19], [sflag:$0x4], $0x80, s30, s16, $0xb8;
	[tilespmem:$0x1E800] =	vst v63  }
0x77: {  	_ =	swait.ge [sflag:s22], $0x3E80  }
0x78: {  	[sflag:s22] =	ssyncset.done $0x0  }
.Ltmp1:
0x79: {  	s30 =	sadd.s32 $0x100, s29;
	[sflag:s22] =	ssyncadd.s32 $0xFFFFC180;
	(pc) =	sbr.rel @p0 .LBB2_4-.Ltmp1, $4  }
0x7a: {  	[tilespmem:s17], [sflag:$0x1] =	stream.indirect.gather [hbm4b:s4+s16], $0x80, s30, s16, $0xb8;
	[tilespmem:$0x1E800] =	vst v63  }
0x7b: {  	_ =	swait.ge [sflag:s23], $0x3E80  }
0x7c: {  	[sflag:s23] =	ssyncset.done $0x0  }
0x7d: {  	s29 =	sadd.s32 $0x180, s29;
	[sflag:s23] =	ssyncadd.s32 $0xFFFFC180  }
0x7e: {  	[tilespmem:s19], [sflag:$0x2] =	stream.indirect.gather [hbm4b:s4+s16], $0x80, s29, s16, $0xb8;
	[tilespmem:$0x1E800] =	vst v63  }
0x7f: {  	_ =	swait.ge [sflag:s20], $0x3E80  }
0x80: {  	[sflag:s20] =	ssyncset.done $0x0  }
0x81: {  	[sflag:s20] =	ssyncadd.s32 $0xFFFFC180  }
0x82: {  	[spmem:s1] =	stream.indirect.scatter.add.f32 [tilespmem:s17], [sflag:$0x3], $0x80, s24, s16, $0xb8;
	[tilespmem:$0x1E800] =	vst v63  }
0x83: {  	_ =	swait.ge [sflag:s21], $0x3E80  }
0x84: {  	[sflag:s21] =	ssyncset.done $0x0  }
0x85: {  	[sflag:s21] =	ssyncadd.s32 $0xFFFFC180  }
0x86: {  	[spmem:s1] =	stream.indirect.scatter.add.f32 [tilespmem:s19], [sflag:$0x4], $0x80, s25, s16, $0xb8;
	[tilespmem:$0x1E800] =	vst v63  }
0x87: {  	_ =	swait.ge [sflag:s22], $0x3E80  }
0x88: {  	[sflag:s22] =	ssyncset.done $0x0  }
0x89: {  	[sflag:s22] =	ssyncadd.s32 $0xFFFFC180  }
0x8a: {  	_ =	swait.ge [sflag:s23], $0x3E80  }
0x8b: {  	s26 =	sadd.s32 $0x1, s26;
	[sflag:s23] =	ssyncset.done $0x0  }
0x8c: {  	p0 =	sne.s32 s26, s12;
	[sflag:s23] =	ssyncadd.s32 $0xFFFFC180  }
.Ltmp2:
0x8d: {  	[bflag:$0x0] =	sbarrier.arrive $0xFFFF;
	(pc) =	sbr.rel @p0 .LBB2_1-.Ltmp2, $4  }
0x8e: {  	[hbm:s11], [sflag:s6] =	dma.local [spmem:s13], $0x2800  }
0x8f: {  	_ =	swait.ge [sflag:s14], $0x2800  }
0x90: {  	[sflag:s14] =	ssyncset.done $0x0  }
0x91: {  	[sflag:s14] =	ssyncadd.s32 $0xFFFFD800  }
0x92: {  	_ =	sfence.sel $0x180000  }
0x93: {  	[bflag:$0x0] =	sbarrier.arrive $0xFFFF  }
0x94: {  	p0 =	sne.s32 s2, $0x0;
	_ =	strace $0x90000050  }
0x95: {  	s0 =	sadd.s32 @!p0 $0x100000, s0;
	[bflag:$0x2] =	sbarrier.arrive $0xFFFF  }
0x96: {  	[sflag:s0] =	ssyncadd.tile.s32 @!p0 $0x1;
	_ =	shalt  }
.Lfunc_end2:
_tile_overlayer_lowered:
.L_overlay_start_2:
0x97: {  	(tag) =	ssettag $0x2  }
0x98: {  	s0 =	rddreg [dreg:$0x0];
	s2 =	stileid.u32  }
0x99: {  	s1 =	rddreg [dreg:$0x1];
	p0 =	sne.s32 s2, $0x0  }
0x9a: {  	s3 =	rddreg [dreg:$0x2];
	[bflag:$0x3] =	sbarrier.arrive $0xFFFF;
	s2 =	simm.s32 @!p0 $0x1C05  }
0x9b: {  	[timem:s3], [sflag:s2] =	dma.local @!p0 [hbm:s0], s1  }
0x9c: {  	s0 =	simm.s32 @!p0 $0x5  }
0x9d: {  	_ =	swait.ge @!p0 [sflag:s0], s1  }
0x9e: {  	s1 =	ssub.s32 @!p0 $0x0, s1;
	[sflag:s0] =	ssyncset.done @!p0 $0x0  }
0x9f: {  	[sflag:s0] =	ssyncadd.s32 @!p0 s1  }
0xa0: {  	[bflag:$0x3] =	sbarrier.arrive $0xFFFF  }
0xa1: {  	_ =	shalt  }

</sc_bundles>
